<compile_context>
chip_gen: v7x
topology: tpu7x:2x2x1
jax: 0.10.2.dev20260603
libtpu: 0.0.44.dev20260713+nightly
codegen_flags: <defaults>
</compile_context>

<pallas_src>
import functools

import jax
import jax.numpy as jnp
from jax import lax
from jax.experimental import pallas as pl
from jax.experimental.pallas import tpu as pltpu
from jax.experimental.pallas import tpu_sc as plsc

_NC = 2
_NS = 16
_CH = 80
_IB = 25



def _full(shape):
    return pl.BlockSpec(shape, lambda i: (0,) * len(shape))


def _edge_pre_body(ef, We, be, Wme, bm, ec):
    es = jnp.maximum(
        jnp.dot(ef[...], We[...], preferred_element_type=jnp.float32) + be[...], 0.0)
    ec[...] = jnp.dot(es, Wme[...], preferred_element_type=jnp.float32) + bm[...]


def _edge_pre(ef, We, be, Wme0, bm0, Wme1, bm1):
    E, DE = ef.shape
    H = We.shape[1]
    BE = 16000
    Wme = jnp.concatenate([Wme0, Wme1], axis=1)
    bm = jnp.concatenate([bm0, bm1]).reshape(1, -1)
    return pl.pallas_call(
        _edge_pre_body,
        grid=(E // BE,),
        in_specs=[
            pl.BlockSpec((BE, DE), lambda i: (i, 0)),
            _full((DE, H)), _full((1, H)),
            _full((H, 2 * H)), _full((1, 2 * H)),
        ],
        out_specs=pl.BlockSpec((BE, 2 * H), lambda i: (i, 0)),
        out_shape=jax.ShapeDtypeStruct((E, 2 * H), jnp.float32),
    )(ef, We, be.reshape(1, -1), Wme, bm)


def _node0_body(nf, Wn, bn, Wmg, ns_out, p_out):
    ns = jnp.maximum(
        jnp.dot(nf[...], Wn[...], preferred_element_type=jnp.float32) + bn[...], 0.0)
    ns_out[...] = ns
    p_out[...] = jnp.dot(ns, Wmg[...], preferred_element_type=jnp.float32)


def _node0(nf, Wn, bn, Wmg, NP):
    N, D = nf.shape
    H = Wn.shape[1]
    BN = N
    return pl.pallas_call(
        _node0_body,
        grid=(N // BN,),
        in_specs=[
            pl.BlockSpec((BN, D), lambda i: (i, 0)),
            _full((D, H)), _full((1, H)), _full((H, H)),
        ],
        out_specs=[pl.BlockSpec((BN, H), lambda i: (i, 0))] * 2,
        out_shape=[
            jax.ShapeDtypeStruct((N, H), jnp.float32),
            jax.ShapeDtypeStruct((NP, H), jnp.float32),
        ],
    )(nf, Wn, bn.reshape(1, -1), Wmg)


def _update_body(ns, parts, Wut, Wub, bu, W2, b2, nsn_out, o2_out):
    agg = parts[0] + parts[1]
    nsn = jnp.maximum(
        jnp.dot(ns[...], Wut[...], preferred_element_type=jnp.float32)
        + jnp.dot(agg, Wub[...], preferred_element_type=jnp.float32)
        + bu[...], 0.0)
    nsn_out[...] = nsn
    o2_out[...] = jnp.dot(nsn, W2[...], preferred_element_type=jnp.float32) + b2[...]


def _update(ns, parts, Wut, Wub, bu, W2, b2, NP2):
    N, H = ns.shape
    K2 = W2.shape[1]
    BN = N
    return pl.pallas_call(
        _update_body,
        grid=(N // BN,),
        in_specs=[
            pl.BlockSpec((BN, H), lambda i: (i, 0)),
            pl.BlockSpec((2, BN, H), lambda i: (0, i, 0)),
            _full((H, H)), _full((H, H)), _full((1, H)),
            _full((H, K2)), _full((1, K2)),
        ],
        out_specs=[
            pl.BlockSpec((BN, H), lambda i: (i, 0)),
            pl.BlockSpec((BN, K2), lambda i: (i, 0)),
        ],
        out_shape=[
            jax.ShapeDtypeStruct((N, H), jnp.float32),
            jax.ShapeDtypeStruct((NP2, K2), jnp.float32),
        ],
    )(ns, parts, Wut, Wub, bu.reshape(1, -1), W2, b2.reshape(1, -1))



def _sc_round(p, ec, r_off, src_r, dst_r, z):
    NP, H = p.shape
    E = ec.shape[0]
    NW = _NC * _NS
    epw = E // NW
    nch = epw // _CH
    rpt = NP // _NS
    ng = H // 16

    mesh = plsc.VectorSubcoreMesh(
        core_axis_name="c", subcore_axis_name="s",
        num_cores=_NC, num_subcores=_NS)

    @functools.partial(
        pl.kernel, mesh=mesh,
        compiler_params=pltpu.CompilerParams(use_tc_tiling_on_sc=False),
        out_type=jax.ShapeDtypeStruct((_NC, NP, H), jnp.float32),
        scratch_types=[
            pltpu.VMEM_SHARED((NP, H), jnp.float32),
            pltpu.VMEM((nch, _CH), jnp.int32),
            pltpu.VMEM((nch, _CH), jnp.int32),
            pltpu.VMEM((4, _CH, H), jnp.float32),
            pltpu.VMEM((4, _CH, H), jnp.float32),
            pltpu.SemaphoreType.DMA((4,)),
            pltpu.SemaphoreType.DMA((4,)),
            pltpu.SemaphoreType.DMA((4,)),
        ],
    )
    def k(p_hbm, ec_hbm, src_hbm, dst_hbm, z_hbm, out_hbm,
          acc, sbuf, dbuf, gbuf, ebuf, gsem, esem, ssem):
        c = lax.axis_index("c")
        s = lax.axis_index("s")
        w = s * _NC + c
        sl_tile = pl.ds(s * rpt, rpt)
        pltpu.sync_copy(z_hbm.at[sl_tile], acc.at[sl_tile])
        pltpu.sync_copy(src_hbm.at[w], sbuf)
        pltpu.sync_copy(dst_hbm.at[w], dbuf)
        plsc.subcore_barrier()
        ebase = w * epw

        def fetch(j, b):
            pltpu.async_copy(
                ec_hbm.at[pl.ds(ebase + j * _CH, _CH), pl.ds(r_off, H)],
                ebuf.at[b], esem.at[b])
            pltpu.async_copy(p_hbm.at[sbuf.at[j]], gbuf.at[b], gsem.at[b])

        fetch(0, 0)
        fetch(1, 1)

        @pl.loop(0, nch)
        def _chunk(j):
            b = lax.rem(j, 4)
            pb = lax.rem(j + 2, 4)

            @pl.when(j >= 2)
            def _():
                pltpu.make_async_copy(
                    gbuf.at[pb], acc.at[dbuf.at[j - 2]], ssem.at[pb]).wait()

            @pl.when(j < nch - 2)
            def _():
                fetch(j + 2, pb)

            pltpu.make_async_copy(
                ec_hbm.at[pl.ds(ebase + j * _CH, _CH), pl.ds(r_off, H)],
                ebuf.at[b], esem.at[b]).wait()
            pltpu.make_async_copy(
                p_hbm.at[sbuf.at[j]], gbuf.at[b], gsem.at[b]).wait()

            @pl.loop(0, _CH, unroll=4)
            def _row(r):
                for g in range(ng):
                    sl = pl.ds(g * 16, 16)
                    gbuf[b, r, sl] = jnp.maximum(gbuf[b, r, sl] + ebuf[b, r, sl], 0.0)

            pltpu.async_copy(gbuf.at[b], acc.at[dbuf.at[j]], ssem.at[b], add=True)

        for jt in (nch - 2, nch - 1):
            pltpu.make_async_copy(
                gbuf.at[jt % 4], acc.at[dbuf.at[jt]], ssem.at[jt % 4]).wait()

        plsc.subcore_barrier()
        pltpu.sync_copy(acc.at[sl_tile], out_hbm.at[c, sl_tile])

    return k(p, ec, src_r, dst_r, z)



def kernel(node_features, edge_index, edge_features,
           Wn, bn, We, be, Wm0, bm0, Wm1, bm1,
           Wu0, bu0, Wu1, bu1, Wq, bq):
    N, D = node_features.shape
    E = edge_features.shape[0]
    H = Wn.shape[1]

    NW = _NC * _NS
    NP = ((N + NW * 4 - 1) // (NW * 4)) * (NW * 4)

    Wm0g, Wm0e = Wm0[:H], Wm0[H:]
    Wm1g, Wm1e = Wm1[:H], Wm1[H:]
    Wu0t, Wu0b = Wu0[:H], Wu0[H:]
    Wu1t, Wu1b = Wu1[:H], Wu1[H:]

    src_r = edge_index[0].reshape(NW, E // (NW * _CH), _CH)
    dst_r = edge_index[1].reshape(NW, E // (NW * _CH), _CH)
    z = jnp.zeros((NP, H), dtype=jnp.float32)

    ec = _edge_pre(edge_features, We, be, Wm0e, bm0, Wm1e, bm1)
    ns0, p0 = _node0(node_features, Wn, bn, Wm0g, NP)

    parts0 = _sc_round(p0, ec, 0, src_r, dst_r, z)
    ns1, p1 = _update(ns0, parts0, Wu0t, Wu0b, bu0, Wm1g,
                      jnp.zeros((H,), jnp.float32), NP)

    parts1 = _sc_round(p1, ec, H, src_r, dst_r, z)
    K2 = 8
    Wq_pad = jnp.concatenate([Wq, jnp.zeros((H, K2 - Wq.shape[1]), jnp.float32)], axis=1)
    bq_pad = jnp.concatenate([bq, jnp.zeros((K2 - bq.shape[0],), jnp.float32)])
    _, q8 = _update(ns1, parts1, Wu1t, Wu1b, bu1, Wq_pad, bq_pad, N)
    return q8[:, 0]

# --- scband reference (transcript-rebuilt; emitter-appended) ---
"""Pipeline reference for scband-center-dqn-policy-49452253447022 (READ-ONLY COPY).

The authoritative reference and input builder live on the scoring server;
editing this copy changes nothing except your own understanding.
"""

import jax, jax.numpy as jnp
import numpy as np

N = 10000
E = 320000
D = 128
DE = 16
H = 64


def setup_inputs(seed: int = 0) -> dict:
    key = jax.random.key(seed)
    ks = jax.random.split(key, 20)
    s = 0.05
    inp = {}
    inp["node_features"] = jax.random.normal(ks[0], (N, D), dtype=jnp.float32)
    inp["edge_index"] = jax.random.randint(ks[1], (2, E), 0, N, dtype=jnp.int32)
    inp["edge_features"] = jax.random.normal(ks[2], (E, DE), dtype=jnp.float32)
    inp["Wn"] = jax.random.normal(ks[3], (D, H), dtype=jnp.float32) * s
    inp["bn"] = jnp.zeros((H,), dtype=jnp.float32)
    inp["We"] = jax.random.normal(ks[4], (DE, H), dtype=jnp.float32) * s
    inp["be"] = jnp.zeros((H,), dtype=jnp.float32)
    inp["Wm0"] = jax.random.normal(ks[5], (2 * H, H), dtype=jnp.float32) * s
    inp["bm0"] = jnp.zeros((H,), dtype=jnp.float32)
    inp["Wm1"] = jax.random.normal(ks[6], (2 * H, H), dtype=jnp.float32) * s
    inp["bm1"] = jnp.zeros((H,), dtype=jnp.float32)
    inp["Wu0"] = jax.random.normal(ks[7], (2 * H, H), dtype=jnp.float32) * s
    inp["bu0"] = jnp.zeros((H,), dtype=jnp.float32)
    inp["Wu1"] = jax.random.normal(ks[8], (2 * H, H), dtype=jnp.float32) * s
    inp["bu1"] = jnp.zeros((H,), dtype=jnp.float32)
    inp["Wq"] = jax.random.normal(ks[9], (H, 1), dtype=jnp.float32) * s
    inp["bq"] = jnp.zeros((1,), dtype=jnp.float32)
    return inp


def reference(node_features, edge_index, edge_features, Wn, bn, We, be, Wm0, bm0, Wm1, bm1, Wu0, bu0, Wu1, bu1, Wq, bq):
    node_state = jax.nn.relu(node_features @ Wn + bn)
    edge_state = jax.nn.relu(edge_features @ We + be)
    source = edge_index[0]
    target = edge_index[1]
    n_nodes = node_features.shape[0]
    for (Wm, bm, Wu, bu) in ((Wm0, bm0, Wu0, bu0), (Wm1, bm1, Wu1, bu1)):
        gathered = jnp.take(node_state, source, axis=0)
        messages = jax.nn.relu(jnp.concatenate([gathered, edge_state], axis=-1) @ Wm + bm)
        aggregate = jax.ops.segment_sum(messages, target, num_segments=n_nodes)
        node_state = jax.nn.relu(jnp.concatenate([node_state, aggregate], axis=-1) @ Wu + bu)
    q_values = (node_state @ Wq + bq).squeeze(-1)
    return q_values

if __name__ == "__main__":
    import jax
    _d = setup_inputs()
    print(jax.jit(kernel)(*tuple(_d.values())))

</pallas_src>

<mosaic_0001>
#map = affine_map<(d0, d1) -> (0, 0)>
#map1 = affine_map<(d0, d1) -> (0, 0, 0)>
module attributes {stable_mosaic.version = 14 : i64} {
  func.func @k(%arg0: i32, %arg1: i32, %arg2: memref<10112x64xf32, #tpu.memory_space<hbm>>, %arg3: memref<320000x128xf32, #tpu.memory_space<hbm>>, %arg4: memref<32x125x80xi32, #tpu.memory_space<hbm>>, %arg5: memref<32x125x80xi32, #tpu.memory_space<hbm>>, %arg6: memref<10112x64xf32, #tpu.memory_space<hbm>>, %arg7: memref<2x10112x64xf32, #tpu.memory_space<hbm>>, %arg8: memref<10112x64xf32, #tpu.memory_space<vmem_shared>>, %arg9: memref<125x80xi32, #tpu.memory_space<vmem>>, %arg10: memref<125x80xi32, #tpu.memory_space<vmem>>, %arg11: memref<4x80x64xf32, #tpu.memory_space<vmem>>, %arg12: memref<4x80x64xf32, #tpu.memory_space<vmem>>, %arg13: memref<4x!tpu.dma_semaphore, #tpu.memory_space<semaphore_mem>>, %arg14: memref<4x!tpu.dma_semaphore, #tpu.memory_space<semaphore_mem>>, %arg15: memref<4x!tpu.dma_semaphore, #tpu.memory_space<semaphore_mem>>) attributes {dimension_semantics = [#tpu.dimension_semantics<core_parallel>, #tpu.dimension_semantics<subcore_parallel>], iteration_bounds = array<i64: 2, 16>, scalar_prefetch = 0 : i64, scratch_operands = 8 : i64, tpu.core_type = #tpu.core_type<sc_vector_subcore>, window_params = [{transform_indices = #map}, {transform_indices = #map}, {transform_indices = #map1}, {transform_indices = #map1}, {transform_indices = #map}, {transform_indices = #map1}]} {
    %mul3A = arith.constant 2 : i32
    %mul3A_0 = arith.muli %arg1, %mul3A : i32
    %add3A = arith.addi %mul3A_0, %arg0 : i32
    %mul3A_1 = arith.constant 632 : i32
    %mul3A_2 = arith.muli %arg1, %mul3A_1 : i32
    "tpu.region"() ({
      %run_scoped3A = tpu.sem_alloc : memref<!tpu.dma_semaphore, #tpu.memory_space<semaphore_mem>>
      %dma_start3A_104 = arith.constant 0 : i32
      %dma_start3A_105 = tpu.memref_slice %arg8[%mul3A_2, %dma_start3A_104] : memref<10112x64xf32, #tpu.memory_space<vmem_shared>> -> memref<632x64xf32, #tpu.memory_space<vmem_shared>>
      %dma_start3A_106 = arith.constant 0 : i32
      %dma_start3A_107 = tpu.memref_slice %arg6[%mul3A_2, %dma_start3A_106] : memref<10112x64xf32, #tpu.memory_space<hbm>> -> memref<632x64xf32, #tpu.memory_space<hbm>>
      tpu.enqueue_dma source(%dma_start3A_107 : memref<632x64xf32, #tpu.memory_space<hbm>>) target(%dma_start3A_105 : memref<632x64xf32, #tpu.memory_space<vmem_shared>>) target_semaphore(%run_scoped3A : memref<!tpu.dma_semaphore, #tpu.memory_space<semaphore_mem>>)
      %dma_wait3A_108 = arith.constant 0 : i32
      %dma_wait3A_109 = tpu.memref_slice %arg8[%mul3A_2, %dma_wait3A_108] : memref<10112x64xf32, #tpu.memory_space<vmem_shared>> -> memref<632x64xf32, #tpu.memory_space<vmem_shared>>
      %dma_wait3A_110 = arith.constant 0 : i32
      %dma_wait3A_111 = tpu.memref_slice %arg6[%mul3A_2, %dma_wait3A_110] : memref<10112x64xf32, #tpu.memory_space<hbm>> -> memref<632x64xf32, #tpu.memory_space<hbm>>
      tpu.wait_dma2 semaphore(%run_scoped3A : memref<!tpu.dma_semaphore, #tpu.memory_space<semaphore_mem>>) src(%dma_wait3A_111 : memref<632x64xf32, #tpu.memory_space<hbm>>) dst(%dma_wait3A_109 : memref<632x64xf32, #tpu.memory_space<vmem_shared>>)
      tpu.yield
    }) : () -> ()
    "tpu.region"() ({
      %run_scoped3A = tpu.sem_alloc : memref<!tpu.dma_semaphore, #tpu.memory_space<semaphore_mem>>
      %dma_start3A_104 = arith.constant 0 : i32
      %dma_start3A_105 = arith.constant 0 : i32
      %dma_start3A_106 = tpu.memref_slice %arg4[%add3A, %dma_start3A_104, %dma_start3A_105] : memref<32x125x80xi32, #tpu.memory_space<hbm>> -> memref<1x125x80xi32, #tpu.memory_space<hbm>>
      %dma_start3A_107 = tpu.memref_squeeze %dma_start3A_106 : memref<1x125x80xi32, #tpu.memory_space<hbm>> -> memref<125x80xi32, #tpu.memory_space<hbm>>
      %dma_start3A_108 = arith.constant 0 : i32
      %dma_start3A_109 = arith.constant 0 : i32
      %dma_start3A_110 = tpu.memref_slice %arg4[%add3A, %dma_start3A_108, %dma_start3A_109] : memref<32x125x80xi32, #tpu.memory_space<hbm>> -> memref<1x125x80xi32, #tpu.memory_space<hbm>>
      %dma_start3A_111 = tpu.memref_squeeze %dma_start3A_110 : memref<1x125x80xi32, #tpu.memory_space<hbm>> -> memref<125x80xi32, #tpu.memory_space<hbm>>
      tpu.enqueue_dma source(%dma_start3A_111 : memref<125x80xi32, #tpu.memory_space<hbm>>) target(%arg9 : memref<125x80xi32, #tpu.memory_space<vmem>>) target_semaphore(%run_scoped3A : memref<!tpu.dma_semaphore, #tpu.memory_space<semaphore_mem>>)
      %dma_wait3A_112 = arith.constant 0 : i32
      %dma_wait3A_113 = arith.constant 0 : i32
      %dma_wait3A_114 = tpu.memref_slice %arg4[%add3A, %dma_wait3A_112, %dma_wait3A_113] : memref<32x125x80xi32, #tpu.memory_space<hbm>> -> memref<1x125x80xi32, #tpu.memory_space<hbm>>
      %dma_wait3A_115 = tpu.memref_squeeze %dma_wait3A_114 : memref<1x125x80xi32, #tpu.memory_space<hbm>> -> memref<125x80xi32, #tpu.memory_space<hbm>>
      %dma_wait3A_116 = arith.constant 0 : i32
      %dma_wait3A_117 = arith.constant 0 : i32
      %dma_wait3A_118 = tpu.memref_slice %arg4[%add3A, %dma_wait3A_116, %dma_wait3A_117] : memref<32x125x80xi32, #tpu.memory_space<hbm>> -> memref<1x125x80xi32, #tpu.memory_space<hbm>>
      %dma_wait3A_119 = tpu.memref_squeeze %dma_wait3A_118 : memref<1x125x80xi32, #tpu.memory_space<hbm>> -> memref<125x80xi32, #tpu.memory_space<hbm>>
      tpu.wait_dma2 semaphore(%run_scoped3A : memref<!tpu.dma_semaphore, #tpu.memory_space<semaphore_mem>>) src(%dma_wait3A_119 : memref<125x80xi32, #tpu.memory_space<hbm>>) dst(%arg9 : memref<125x80xi32, #tpu.memory_space<vmem>>)
      tpu.yield
    }) : () -> ()
    "tpu.region"() ({
      %run_scoped3A = tpu.sem_alloc : memref<!tpu.dma_semaphore, #tpu.memory_space<semaphore_mem>>
      %dma_start3A_104 = arith.constant 0 : i32
      %dma_start3A_105 = arith.constant 0 : i32
      %dma_start3A_106 = tpu.memref_slice %arg5[%add3A, %dma_start3A_104, %dma_start3A_105] : memref<32x125x80xi32, #tpu.memory_space<hbm>> -> memref<1x125x80xi32, #tpu.memory_space<hbm>>
      %dma_start3A_107 = tpu.memref_squeeze %dma_start3A_106 : memref<1x125x80xi32, #tpu.memory_space<hbm>> -> memref<125x80xi32, #tpu.memory_space<hbm>>
      %dma_start3A_108 = arith.constant 0 : i32
      %dma_start3A_109 = arith.constant 0 : i32
      %dma_start3A_110 = tpu.memref_slice %arg5[%add3A, %dma_start3A_108, %dma_start3A_109] : memref<32x125x80xi32, #tpu.memory_space<hbm>> -> memref<1x125x80xi32, #tpu.memory_space<hbm>>
      %dma_start3A_111 = tpu.memref_squeeze %dma_start3A_110 : memref<1x125x80xi32, #tpu.memory_space<hbm>> -> memref<125x80xi32, #tpu.memory_space<hbm>>
      tpu.enqueue_dma source(%dma_start3A_111 : memref<125x80xi32, #tpu.memory_space<hbm>>) target(%arg10 : memref<125x80xi32, #tpu.memory_space<vmem>>) target_semaphore(%run_scoped3A : memref<!tpu.dma_semaphore, #tpu.memory_space<semaphore_mem>>)
      %dma_wait3A_112 = arith.constant 0 : i32
      %dma_wait3A_113 = arith.constant 0 : i32
      %dma_wait3A_114 = tpu.memref_slice %arg5[%add3A, %dma_wait3A_112, %dma_wait3A_113] : memref<32x125x80xi32, #tpu.memory_space<hbm>> -> memref<1x125x80xi32, #tpu.memory_space<hbm>>
      %dma_wait3A_115 = tpu.memref_squeeze %dma_wait3A_114 : memref<1x125x80xi32, #tpu.memory_space<hbm>> -> memref<125x80xi32, #tpu.memory_space<hbm>>
      %dma_wait3A_116 = arith.constant 0 : i32
      %dma_wait3A_117 = arith.constant 0 : i32
      %dma_wait3A_118 = tpu.memref_slice %arg5[%add3A, %dma_wait3A_116, %dma_wait3A_117] : memref<32x125x80xi32, #tpu.memory_space<hbm>> -> memref<1x125x80xi32, #tpu.memory_space<hbm>>
      %dma_wait3A_119 = tpu.memref_squeeze %dma_wait3A_118 : memref<1x125x80xi32, #tpu.memory_space<hbm>> -> memref<125x80xi32, #tpu.memory_space<hbm>>
      tpu.wait_dma2 semaphore(%run_scoped3A : memref<!tpu.dma_semaphore, #tpu.memory_space<semaphore_mem>>) src(%dma_wait3A_119 : memref<125x80xi32, #tpu.memory_space<hbm>>) dst(%arg10 : memref<125x80xi32, #tpu.memory_space<vmem>>)
      tpu.yield
    }) : () -> ()
    %barrier3A = arith.constant 0 : index
    tpu.barrier barrier_id(%barrier3A)
    %mul3A_3 = arith.constant 10000 : i32
    %mul3A_4 = arith.muli %add3A, %mul3A_3 : i32
    %add3A_5 = arith.constant 0 : i32
    %add3A_6 = arith.addi %mul3A_4, %add3A_5 : i32
    %dma_start3A = arith.constant 0 : i32
    %dma_start3A_7 = arith.constant 0 : i32
    %dma_start3A_8 = arith.constant 0 : i32
    %dma_start3A_9 = arith.constant 0 : i32
    %dma_start3A_10 = tpu.memref_slice %arg12[%dma_start3A, %dma_start3A_8, %dma_start3A_9] : memref<4x80x64xf32, #tpu.memory_space<vmem>> -> memref<1x80x64xf32, #tpu.memory_space<vmem>>
    %dma_start3A_11 = tpu.memref_squeeze %dma_start3A_10 : memref<1x80x64xf32, #tpu.memory_space<vmem>> -> memref<80x64xf32, #tpu.memory_space<vmem>>
    %dma_start3A_12 = arith.constant 0 : i32
    %dma_start3A_13 = tpu.memref_slice %arg3[%add3A_6, %dma_start3A_12] : memref<320000x128xf32, #tpu.memory_space<hbm>> -> memref<80x64xf32, #tpu.memory_space<hbm>>
    %dma_start3A_14 = tpu.memref_slice %arg14[%dma_start3A_7] : memref<4x!tpu.dma_semaphore, #tpu.memory_space<semaphore_mem>> -> memref<1x!tpu.dma_semaphore, #tpu.memory_space<semaphore_mem>>
    %dma_start3A_15 = tpu.memref_squeeze %dma_start3A_14 : memref<1x!tpu.dma_semaphore, #tpu.memory_space<semaphore_mem>> -> memref<!tpu.dma_semaphore, #tpu.memory_space<semaphore_mem>>
    %dma_start3A_16 = arith.constant 0 : i32
    %dma_start3A_17 = arith.constant 0 : i32
    %dma_start3A_18 = tpu.memref_slice %arg12[%dma_start3A, %dma_start3A_16, %dma_start3A_17] : memref<4x80x64xf32, #tpu.memory_space<vmem>> -> memref<1x80x64xf32, #tpu.memory_space<vmem>>
    %dma_start3A_19 = tpu.memref_squeeze %dma_start3A_18 : memref<1x80x64xf32, #tpu.memory_space<vmem>> -> memref<80x64xf32, #tpu.memory_space<vmem>>
    %dma_start3A_20 = arith.constant 0 : i32
    %dma_start3A_21 = tpu.memref_slice %arg3[%add3A_6, %dma_start3A_20] : memref<320000x128xf32, #tpu.memory_space<hbm>> -> memref<80x64xf32, #tpu.memory_space<hbm>>
    tpu.enqueue_dma source(%dma_start3A_21 : memref<80x64xf32, #tpu.memory_space<hbm>>) target(%dma_start3A_19 : memref<80x64xf32, #tpu.memory_space<vmem>>) target_semaphore(%dma_start3A_15 : memref<!tpu.dma_semaphore, #tpu.memory_space<semaphore_mem>>)
    %dma_start3A_22 = arith.constant 0 : i32
    %dma_start3A_23 = arith.constant 0 : i32
    %dma_start3A_24 = arith.constant 0 : i32
    %dma_start3A_25 = arith.constant 0 : i32
    %dma_start3A_26 = arith.constant 0 : i32
    %dma_start3A_27 = tpu.memref_slice %arg11[%dma_start3A_23, %dma_start3A_25, %dma_start3A_26] : memref<4x80x64xf32, #tpu.memory_space<vmem>> -> memref<1x80x64xf32, #tpu.memory_space<vmem>>
    %dma_start3A_28 = tpu.memref_squeeze %dma_start3A_27 : memref<1x80x64xf32, #tpu.memory_space<vmem>> -> memref<80x64xf32, #tpu.memory_space<vmem>>
    %dma_start3A_29 = arith.constant 0 : i32
    %dma_start3A_30 = tpu.memref_slice %arg9[%dma_start3A_22, %dma_start3A_29] : memref<125x80xi32, #tpu.memory_space<vmem>> -> memref<1x80xi32, #tpu.memory_space<vmem>>
    %dma_start3A_31 = tpu.memref_squeeze %dma_start3A_30 : memref<1x80xi32, #tpu.memory_space<vmem>> -> memref<80xi32, #tpu.memory_space<vmem>>
    %dma_start3A_32 = arith.constant 0 : i32
    %dma_start3A_33 = arith.constant 0 : i32
    %dma_start3A_34 = tpu.memref_slice %arg2[%dma_start3A_32, %dma_start3A_33] : memref<10112x64xf32, #tpu.memory_space<hbm>> -> memref<10112x64xf32, #tpu.memory_space<hbm>>
    %dma_start3A_35 = tpu.memref_slice %arg13[%dma_start3A_24] : memref<4x!tpu.dma_semaphore, #tpu.memory_space<semaphore_mem>> -> memref<1x!tpu.dma_semaphore, #tpu.memory_space<semaphore_mem>>
    %dma_start3A_36 = tpu.memref_squeeze %dma_start3A_35 : memref<1x!tpu.dma_semaphore, #tpu.memory_space<semaphore_mem>> -> memref<!tpu.dma_semaphore, #tpu.memory_space<semaphore_mem>>
    tpu.enqueue_indirect_dma source(%dma_start3A_34 : memref<10112x64xf32, #tpu.memory_space<hbm>>) target(%dma_start3A_28 : memref<80x64xf32, #tpu.memory_space<vmem>>) offsets(%dma_start3A_31 : memref<80xi32, #tpu.memory_space<vmem>>) semaphore(%dma_start3A_36 : memref<!tpu.dma_semaphore, #tpu.memory_space<semaphore_mem>>)
    %add3A_37 = arith.constant 80 : i32
    %add3A_38 = arith.addi %mul3A_4, %add3A_37 : i32
    %dma_start3A_39 = arith.constant 1 : i32
    %dma_start3A_40 = arith.constant 1 : i32
    %dma_start3A_41 = arith.constant 0 : i32
    %dma_start3A_42 = arith.constant 0 : i32
    %dma_start3A_43 = tpu.memref_slice %arg12[%dma_start3A_39, %dma_start3A_41, %dma_start3A_42] : memref<4x80x64xf32, #tpu.memory_space<vmem>> -> memref<1x80x64xf32, #tpu.memory_space<vmem>>
    %dma_start3A_44 = tpu.memref_squeeze %dma_start3A_43 : memref<1x80x64xf32, #tpu.memory_space<vmem>> -> memref<80x64xf32, #tpu.memory_space<vmem>>
    %dma_start3A_45 = arith.constant 0 : i32
    %dma_start3A_46 = tpu.memref_slice %arg3[%add3A_38, %dma_start3A_45] : memref<320000x128xf32, #tpu.memory_space<hbm>> -> memref<80x64xf32, #tpu.memory_space<hbm>>
    %dma_start3A_47 = tpu.memref_slice %arg14[%dma_start3A_40] : memref<4x!tpu.dma_semaphore, #tpu.memory_space<semaphore_mem>> -> memref<1x!tpu.dma_semaphore, #tpu.memory_space<semaphore_mem>>
    %dma_start3A_48 = tpu.memref_squeeze %dma_start3A_47 : memref<1x!tpu.dma_semaphore, #tpu.memory_space<semaphore_mem>> -> memref<!tpu.dma_semaphore, #tpu.memory_space<semaphore_mem>>
    %dma_start3A_49 = arith.constant 0 : i32
    %dma_start3A_50 = arith.constant 0 : i32
    %dma_start3A_51 = tpu.memref_slice %arg12[%dma_start3A_39, %dma_start3A_49, %dma_start3A_50] : memref<4x80x64xf32, #tpu.memory_space<vmem>> -> memref<1x80x64xf32, #tpu.memory_space<vmem>>
    %dma_start3A_52 = tpu.memref_squeeze %dma_start3A_51 : memref<1x80x64xf32, #tpu.memory_space<vmem>> -> memref<80x64xf32, #tpu.memory_space<vmem>>
    %dma_start3A_53 = arith.constant 0 : i32
    %dma_start3A_54 = tpu.memref_slice %arg3[%add3A_38, %dma_start3A_53] : memref<320000x128xf32, #tpu.memory_space<hbm>> -> memref<80x64xf32, #tpu.memory_space<hbm>>
    tpu.enqueue_dma source(%dma_start3A_54 : memref<80x64xf32, #tpu.memory_space<hbm>>) target(%dma_start3A_52 : memref<80x64xf32, #tpu.memory_space<vmem>>) target_semaphore(%dma_start3A_48 : memref<!tpu.dma_semaphore, #tpu.memory_space<semaphore_mem>>)
    %dma_start3A_55 = arith.constant 1 : i32
    %dma_start3A_56 = arith.constant 1 : i32
    %dma_start3A_57 = arith.constant 1 : i32
    %dma_start3A_58 = arith.constant 0 : i32
    %dma_start3A_59 = arith.constant 0 : i32
    %dma_start3A_60 = tpu.memref_slice %arg11[%dma_start3A_56, %dma_start3A_58, %dma_start3A_59] : memref<4x80x64xf32, #tpu.memory_space<vmem>> -> memref<1x80x64xf32, #tpu.memory_space<vmem>>
    %dma_start3A_61 = tpu.memref_squeeze %dma_start3A_60 : memref<1x80x64xf32, #tpu.memory_space<vmem>> -> memref<80x64xf32, #tpu.memory_space<vmem>>
    %dma_start3A_62 = arith.constant 0 : i32
    %dma_start3A_63 = tpu.memref_slice %arg9[%dma_start3A_55, %dma_start3A_62] : memref<125x80xi32, #tpu.memory_space<vmem>> -> memref<1x80xi32, #tpu.memory_space<vmem>>
    %dma_start3A_64 = tpu.memref_squeeze %dma_start3A_63 : memref<1x80xi32, #tpu.memory_space<vmem>> -> memref<80xi32, #tpu.memory_space<vmem>>
    %dma_start3A_65 = arith.constant 0 : i32
    %dma_start3A_66 = arith.constant 0 : i32
    %dma_start3A_67 = tpu.memref_slice %arg2[%dma_start3A_65, %dma_start3A_66] : memref<10112x64xf32, #tpu.memory_space<hbm>> -> memref<10112x64xf32, #tpu.memory_space<hbm>>
    %dma_start3A_68 = tpu.memref_slice %arg13[%dma_start3A_57] : memref<4x!tpu.dma_semaphore, #tpu.memory_space<semaphore_mem>> -> memref<1x!tpu.dma_semaphore, #tpu.memory_space<semaphore_mem>>
    %dma_start3A_69 = tpu.memref_squeeze %dma_start3A_68 : memref<1x!tpu.dma_semaphore, #tpu.memory_space<semaphore_mem>> -> memref<!tpu.dma_semaphore, #tpu.memory_space<semaphore_mem>>
    tpu.enqueue_indirect_dma source(%dma_start3A_67 : memref<10112x64xf32, #tpu.memory_space<hbm>>) target(%dma_start3A_61 : memref<80x64xf32, #tpu.memory_space<vmem>>) offsets(%dma_start3A_64 : memref<80xi32, #tpu.memory_space<vmem>>) semaphore(%dma_start3A_69 : memref<!tpu.dma_semaphore, #tpu.memory_space<semaphore_mem>>)
    %scan3A = arith.constant 0 : i32
    %scan3A_70 = arith.constant 125 : i32
    %scan3A_71 = arith.addi %scan3A, %scan3A_70 : i32
    %scan3A_72 = arith.constant 1 : i32
    scf.for %scan3A_104 = %scan3A to %scan3A_71 step %scan3A_72  : i32 {
      %mul3A_105 = arith.constant 1 : i32
      %mul3A_106 = arith.muli %scan3A_104, %mul3A_105 : i32
      %add3A_107 = arith.constant 0 : i32
      %add3A_108 = arith.addi %add3A_107, %mul3A_106 : i32
      %rem3A = arith.constant 4 : i32
      %rem3A_109 = arith.remsi %add3A_108, %rem3A : i32
      %add3A_110 = arith.constant 2 : i32
      %add3A_111 = arith.addi %add3A_108, %add3A_110 : i32
      %rem3A_112 = arith.constant 4 : i32
      %rem3A_113 = arith.remsi %add3A_111, %rem3A_112 : i32
      %ge3A = arith.constant 2 : i32
      %ge3A_114 = arith.cmpi sge, %add3A_108, %ge3A : i32
      %convert_element_type3A = arith.extui %ge3A_114 : i1 to i32
      %cond3A = arith.constant 0 : i32
      %cond3A_115 = arith.cmpi ne, %convert_element_type3A, %cond3A : i32
      scf.if %cond3A_115 {
        %sub3A = arith.constant 2 : i32
        %sub3A_166 = arith.subi %add3A_108, %sub3A : i32
        %dma_wait3A_167 = arith.constant 0 : i32
        %dma_wait3A_168 = arith.constant 0 : i32
        %dma_wait3A_169 = tpu.memref_slice %arg11[%rem3A_113, %dma_wait3A_167, %dma_wait3A_168] : memref<4x80x64xf32, #tpu.memory_space<vmem>> -> memref<1x80x64xf32, #tpu.memory_space<vmem>>
        %dma_wait3A_170 = tpu.memref_squeeze %dma_wait3A_169 : memref<1x80x64xf32, #tpu.memory_space<vmem>> -> memref<80x64xf32, #tpu.memory_space<vmem>>
        %dma_wait3A_171 = arith.constant 0 : i32
        %dma_wait3A_172 = tpu.memref_slice %arg10[%sub3A_166, %dma_wait3A_171] : memref<125x80xi32, #tpu.memory_space<vmem>> -> memref<1x80xi32, #tpu.memory_space<vmem>>
        %dma_wait3A_173 = tpu.memref_squeeze %dma_wait3A_172 : memref<1x80xi32, #tpu.memory_space<vmem>> -> memref<80xi32, #tpu.memory_space<vmem>>
        %dma_wait3A_174 = arith.constant 0 : i32
        %dma_wait3A_175 = arith.constant 0 : i32
        %dma_wait3A_176 = tpu.memref_slice %arg8[%dma_wait3A_174, %dma_wait3A_175] : memref<10112x64xf32, #tpu.memory_space<vmem_shared>> -> memref<10112x64xf32, #tpu.memory_space<vmem_shared>>
        %dma_wait3A_177 = tpu.memref_slice %arg15[%rem3A_113] : memref<4x!tpu.dma_semaphore, #tpu.memory_space<semaphore_mem>> -> memref<1x!tpu.dma_semaphore, #tpu.memory_space<semaphore_mem>>
        %dma_wait3A_178 = tpu.memref_squeeze %dma_wait3A_177 : memref<1x!tpu.dma_semaphore, #tpu.memory_space<semaphore_mem>> -> memref<!tpu.dma_semaphore, #tpu.memory_space<semaphore_mem>>
        tpu.wait_indirect_dma semaphore(%dma_wait3A_178 : memref<!tpu.dma_semaphore, #tpu.memory_space<semaphore_mem>>) src(%dma_wait3A_170 : memref<80x64xf32, #tpu.memory_space<vmem>>) dst(%dma_wait3A_176 : memref<10112x64xf32, #tpu.memory_space<vmem_shared>>)
      } else {
      }
      %lt3A = arith.constant 123 : i32
      %lt3A_116 = arith.cmpi slt, %add3A_108, %lt3A : i32
      %convert_element_type3A_117 = arith.extui %lt3A_116 : i1 to i32
      %cond3A_118 = arith.constant 0 : i32
      %cond3A_119 = arith.cmpi ne, %convert_element_type3A_117, %cond3A_118 : i32
      scf.if %cond3A_119 {
        %add3A_166 = arith.constant 2 : i32
        %add3A_167 = arith.addi %add3A_108, %add3A_166 : i32
        %mul3A_168 = arith.constant 80 : i32
        %mul3A_169 = arith.muli %add3A_167, %mul3A_168 : i32
        %add3A_170 = arith.addi %mul3A_4, %mul3A_169 : i32
        %dma_start3A_171 = arith.constant 0 : i32
        %dma_start3A_172 = arith.constant 0 : i32
        %dma_start3A_173 = tpu.memref_slice %arg12[%rem3A_113, %dma_start3A_171, %dma_start3A_172] : memref<4x80x64xf32, #tpu.memory_space<vmem>> -> memref<1x80x64xf32, #tpu.memory_space<vmem>>
        %dma_start3A_174 = tpu.memref_squeeze %dma_start3A_173 : memref<1x80x64xf32, #tpu.memory_space<vmem>> -> memref<80x64xf32, #tpu.memory_space<vmem>>
        %dma_start3A_175 = arith.constant 0 : i32
        %dma_start3A_176 = tpu.memref_slice %arg3[%add3A_170, %dma_start3A_175] : memref<320000x128xf32, #tpu.memory_space<hbm>> -> memref<80x64xf32, #tpu.memory_space<hbm>>
        %dma_start3A_177 = tpu.memref_slice %arg14[%rem3A_113] : memref<4x!tpu.dma_semaphore, #tpu.memory_space<semaphore_mem>> -> memref<1x!tpu.dma_semaphore, #tpu.memory_space<semaphore_mem>>
        %dma_start3A_178 = tpu.memref_squeeze %dma_start3A_177 : memref<1x!tpu.dma_semaphore, #tpu.memory_space<semaphore_mem>> -> memref<!tpu.dma_semaphore, #tpu.memory_space<semaphore_mem>>
        %dma_start3A_179 = arith.constant 0 : i32
        %dma_start3A_180 = arith.constant 0 : i32
        %dma_start3A_181 = tpu.memref_slice %arg12[%rem3A_113, %dma_start3A_179, %dma_start3A_180] : memref<4x80x64xf32, #tpu.memory_space<vmem>> -> memref<1x80x64xf32, #tpu.memory_space<vmem>>
        %dma_start3A_182 = tpu.memref_squeeze %dma_start3A_181 : memref<1x80x64xf32, #tpu.memory_space<vmem>> -> memref<80x64xf32, #tpu.memory_space<vmem>>
        %dma_start3A_183 = arith.constant 0 : i32
        %dma_start3A_184 = tpu.memref_slice %arg3[%add3A_170, %dma_start3A_183] : memref<320000x128xf32, #tpu.memory_space<hbm>> -> memref<80x64xf32, #tpu.memory_space<hbm>>
        tpu.enqueue_dma source(%dma_start3A_184 : memref<80x64xf32, #tpu.memory_space<hbm>>) target(%dma_start3A_182 : memref<80x64xf32, #tpu.memory_space<vmem>>) target_semaphore(%dma_start3A_178 : memref<!tpu.dma_semaphore, #tpu.memory_space<semaphore_mem>>)
        %dma_start3A_185 = arith.constant 0 : i32
        %dma_start3A_186 = arith.constant 0 : i32
        %dma_start3A_187 = tpu.memref_slice %arg11[%rem3A_113, %dma_start3A_185, %dma_start3A_186] : memref<4x80x64xf32, #tpu.memory_space<vmem>> -> memref<1x80x64xf32, #tpu.memory_space<vmem>>
        %dma_start3A_188 = tpu.memref_squeeze %dma_start3A_187 : memref<1x80x64xf32, #tpu.memory_space<vmem>> -> memref<80x64xf32, #tpu.memory_space<vmem>>
        %dma_start3A_189 = arith.constant 0 : i32
        %dma_start3A_190 = tpu.memref_slice %arg9[%add3A_167, %dma_start3A_189] : memref<125x80xi32, #tpu.memory_space<vmem>> -> memref<1x80xi32, #tpu.memory_space<vmem>>
        %dma_start3A_191 = tpu.memref_squeeze %dma_start3A_190 : memref<1x80xi32, #tpu.memory_space<vmem>> -> memref<80xi32, #tpu.memory_space<vmem>>
        %dma_start3A_192 = arith.constant 0 : i32
        %dma_start3A_193 = arith.constant 0 : i32
        %dma_start3A_194 = tpu.memref_slice %arg2[%dma_start3A_192, %dma_start3A_193] : memref<10112x64xf32, #tpu.memory_space<hbm>> -> memref<10112x64xf32, #tpu.memory_space<hbm>>
        %dma_start3A_195 = tpu.memref_slice %arg13[%rem3A_113] : memref<4x!tpu.dma_semaphore, #tpu.memory_space<semaphore_mem>> -> memref<1x!tpu.dma_semaphore, #tpu.memory_space<semaphore_mem>>
        %dma_start3A_196 = tpu.memref_squeeze %dma_start3A_195 : memref<1x!tpu.dma_semaphore, #tpu.memory_space<semaphore_mem>> -> memref<!tpu.dma_semaphore, #tpu.memory_space<semaphore_mem>>
        tpu.enqueue_indirect_dma source(%dma_start3A_194 : memref<10112x64xf32, #tpu.memory_space<hbm>>) target(%dma_start3A_188 : memref<80x64xf32, #tpu.memory_space<vmem>>) offsets(%dma_start3A_191 : memref<80xi32, #tpu.memory_space<vmem>>) semaphore(%dma_start3A_196 : memref<!tpu.dma_semaphore, #tpu.memory_space<semaphore_mem>>)
      } else {
      }
      %mul3A_120 = arith.constant 80 : i32
      %mul3A_121 = arith.muli %add3A_108, %mul3A_120 : i32
      %add3A_122 = arith.addi %mul3A_4, %mul3A_121 : i32
      %dma_wait3A_123 = arith.constant 0 : i32
      %dma_wait3A_124 = arith.constant 0 : i32
      %dma_wait3A_125 = tpu.memref_slice %arg12[%rem3A_109, %dma_wait3A_123, %dma_wait3A_124] : memref<4x80x64xf32, #tpu.memory_space<vmem>> -> memref<1x80x64xf32, #tpu.memory_space<vmem>>
      %dma_wait3A_126 = tpu.memref_squeeze %dma_wait3A_125 : memref<1x80x64xf32, #tpu.memory_space<vmem>> -> memref<80x64xf32, #tpu.memory_space<vmem>>
      %dma_wait3A_127 = arith.constant 0 : i32
      %dma_wait3A_128 = tpu.memref_slice %arg3[%add3A_122, %dma_wait3A_127] : memref<320000x128xf32, #tpu.memory_space<hbm>> -> memref<80x64xf32, #tpu.memory_space<hbm>>
      %dma_wait3A_129 = tpu.memref_slice %arg14[%rem3A_109] : memref<4x!tpu.dma_semaphore, #tpu.memory_space<semaphore_mem>> -> memref<1x!tpu.dma_semaphore, #tpu.memory_space<semaphore_mem>>
      %dma_wait3A_130 = tpu.memref_squeeze %dma_wait3A_129 : memref<1x!tpu.dma_semaphore, #tpu.memory_space<semaphore_mem>> -> memref<!tpu.dma_semaphore, #tpu.memory_space<semaphore_mem>>
      %dma_wait3A_131 = arith.constant 0 : i32
      %dma_wait3A_132 = arith.constant 0 : i32
      %dma_wait3A_133 = tpu.memref_slice %arg12[%rem3A_109, %dma_wait3A_131, %dma_wait3A_132] : memref<4x80x64xf32, #tpu.memory_space<vmem>> -> memref<1x80x64xf32, #tpu.memory_space<vmem>>
      %dma_wait3A_134 = tpu.memref_squeeze %dma_wait3A_133 : memref<1x80x64xf32, #tpu.memory_space<vmem>> -> memref<80x64xf32, #tpu.memory_space<vmem>>
      %dma_wait3A_135 = arith.constant 0 : i32
      %dma_wait3A_136 = tpu.memref_slice %arg3[%add3A_122, %dma_wait3A_135] : memref<320000x128xf32, #tpu.memory_space<hbm>> -> memref<80x64xf32, #tpu.memory_space<hbm>>
      tpu.wait_dma2 semaphore(%dma_wait3A_130 : memref<!tpu.dma_semaphore, #tpu.memory_space<semaphore_mem>>) src(%dma_wait3A_136 : memref<80x64xf32, #tpu.memory_space<hbm>>) dst(%dma_wait3A_134 : memref<80x64xf32, #tpu.memory_space<vmem>>)
      %dma_wait3A_137 = arith.constant 0 : i32
      %dma_wait3A_138 = arith.constant 0 : i32
      %dma_wait3A_139 = tpu.memref_slice %arg11[%rem3A_109, %dma_wait3A_137, %dma_wait3A_138] : memref<4x80x64xf32, #tpu.memory_space<vmem>> -> memref<1x80x64xf32, #tpu.memory_space<vmem>>
      %dma_wait3A_140 = tpu.memref_squeeze %dma_wait3A_139 : memref<1x80x64xf32, #tpu.memory_space<vmem>> -> memref<80x64xf32, #tpu.memory_space<vmem>>
      %dma_wait3A_141 = arith.constant 0 : i32
      %dma_wait3A_142 = tpu.memref_slice %arg9[%add3A_108, %dma_wait3A_141] : memref<125x80xi32, #tpu.memory_space<vmem>> -> memref<1x80xi32, #tpu.memory_space<vmem>>
      %dma_wait3A_143 = tpu.memref_squeeze %dma_wait3A_142 : memref<1x80xi32, #tpu.memory_space<vmem>> -> memref<80xi32, #tpu.memory_space<vmem>>
      %dma_wait3A_144 = arith.constant 0 : i32
      %dma_wait3A_145 = arith.constant 0 : i32
      %dma_wait3A_146 = tpu.memref_slice %arg2[%dma_wait3A_144, %dma_wait3A_145] : memref<10112x64xf32, #tpu.memory_space<hbm>> -> memref<10112x64xf32, #tpu.memory_space<hbm>>
      %dma_wait3A_147 = tpu.memref_slice %arg13[%rem3A_109] : memref<4x!tpu.dma_semaphore, #tpu.memory_space<semaphore_mem>> -> memref<1x!tpu.dma_semaphore, #tpu.memory_space<semaphore_mem>>
      %dma_wait3A_148 = tpu.memref_squeeze %dma_wait3A_147 : memref<1x!tpu.dma_semaphore, #tpu.memory_space<semaphore_mem>> -> memref<!tpu.dma_semaphore, #tpu.memory_space<semaphore_mem>>
      tpu.wait_indirect_dma semaphore(%dma_wait3A_148 : memref<!tpu.dma_semaphore, #tpu.memory_space<semaphore_mem>>) src(%dma_wait3A_146 : memref<10112x64xf32, #tpu.memory_space<hbm>>) dst(%dma_wait3A_140 : memref<80x64xf32, #tpu.memory_space<vmem>>)
      %scan3A_149 = arith.constant 0 : i32
      %scan3A_150 = arith.constant 80 : i32
      %scan3A_151 = arith.addi %scan3A_149, %scan3A_150 : i32
      %scan3A_152 = arith.constant 4 : i32
      scf.for %scan3A_166 = %scan3A_149 to %scan3A_151 step %scan3A_152  : i32 {
        %mul3A_167 = arith.constant 1 : i32
        %mul3A_168 = arith.muli %scan3A_166, %mul3A_167 : i32
        %add3A_169 = arith.constant 0 : i32
        %add3A_170 = arith.addi %add3A_169, %mul3A_168 : i32
        %get3A = arith.index_cast %rem3A_109 : i32 to index
        %get3A_171 = arith.index_cast %add3A_170 : i32 to index
        %get3A_172 = arith.constant 0 : index
        %get3A_173 = tpu.vector_load %arg11[%get3A, %get3A_171, %get3A_172] {strides = array<i32>} : memref<4x80x64xf32, #tpu.memory_space<vmem>>, vector<1x1x16xf32>,
        %get3A_174 = vector.shape_cast %get3A_173 : vector<1x1x16xf32> to vector<16xf32>
        %get3A_175 = arith.index_cast %rem3A_109 : i32 to index
        %get3A_176 = arith.index_cast %add3A_170 : i32 to index
        %get3A_177 = arith.constant 0 : index
        %get3A_178 = tpu.vector_load %arg12[%get3A_175, %get3A_176, %get3A_177] {strides = array<i32>} : memref<4x80x64xf32, #tpu.memory_space<vmem>>, vector<1x1x16xf32>,
        %get3A_179 = vector.shape_cast %get3A_178 : vector<1x1x16xf32> to vector<16xf32>
        %add3A_180 = arith.addf %get3A_174, %get3A_179 : vector<16xf32>
        %max3A = arith.constant 0.000000e+00 : f32
        %max3A_181 = vector.broadcast %max3A : f32 to vector<16xf32>
        %max3A_182 = arith.maximumf %add3A_180, %max3A_181 : vector<16xf32>
        %swap3A = arith.index_cast %rem3A_109 : i32 to index
        %swap3A_183 = arith.index_cast %add3A_170 : i32 to index
        %swap3A_184 = arith.constant 0 : index
        %swap3A_185 = tpu.vector_load %arg11[%swap3A, %swap3A_183, %swap3A_184] {strides = array<i32>} : memref<4x80x64xf32, #tpu.memory_space<vmem>>, vector<1x1x16xf32>,
        %swap3A_186 = vector.shape_cast %swap3A_185 : vector<1x1x16xf32> to vector<16xf32>
        %swap3A_187 = vector.shape_cast %max3A_182 : vector<16xf32> to vector<1x1x16xf32>
        tpu.vector_store %arg11[%swap3A, %swap3A_183, %swap3A_184], %swap3A_187 {strides = array<i32>} : memref<4x80x64xf32, #tpu.memory_space<vmem>>, vector<1x1x16xf32>,
        %get3A_188 = arith.index_cast %rem3A_109 : i32 to index
        %get3A_189 = arith.index_cast %add3A_170 : i32 to index
        %get3A_190 = arith.constant 16 : index
        %get3A_191 = tpu.vector_load %arg11[%get3A_188, %get3A_189, %get3A_190] {strides = array<i32>} : memref<4x80x64xf32, #tpu.memory_space<vmem>>, vector<1x1x16xf32>,
        %get3A_192 = vector.shape_cast %get3A_191 : vector<1x1x16xf32> to vector<16xf32>
        %get3A_193 = arith.index_cast %rem3A_109 : i32 to index
        %get3A_194 = arith.index_cast %add3A_170 : i32 to index
        %get3A_195 = arith.constant 16 : index
        %get3A_196 = tpu.vector_load %arg12[%get3A_193, %get3A_194, %get3A_195] {strides = array<i32>} : memref<4x80x64xf32, #tpu.memory_space<vmem>>, vector<1x1x16xf32>,
        %get3A_197 = vector.shape_cast %get3A_196 : vector<1x1x16xf32> to vector<16xf32>
        %add3A_198 = arith.addf %get3A_192, %get3A_197 : vector<16xf32>
        %max3A_199 = arith.constant 0.000000e+00 : f32
        %max3A_200 = vector.broadcast %max3A_199 : f32 to vector<16xf32>
        %max3A_201 = arith.maximumf %add3A_198, %max3A_200 : vector<16xf32>
        %swap3A_202 = arith.index_cast %rem3A_109 : i32 to index
        %swap3A_203 = arith.index_cast %add3A_170 : i32 to index
        %swap3A_204 = arith.constant 16 : index
        %swap3A_205 = tpu.vector_load %arg11[%swap3A_202, %swap3A_203, %swap3A_204] {strides = array<i32>} : memref<4x80x64xf32, #tpu.memory_space<vmem>>, vector<1x1x16xf32>,
        %swap3A_206 = vector.shape_cast %swap3A_205 : vector<1x1x16xf32> to vector<16xf32>
        %swap3A_207 = vector.shape_cast %max3A_201 : vector<16xf32> to vector<1x1x16xf32>
        tpu.vector_store %arg11[%swap3A_202, %swap3A_203, %swap3A_204], %swap3A_207 {strides = array<i32>} : memref<4x80x64xf32, #tpu.memory_space<vmem>>, vector<1x1x16xf32>,
        %get3A_208 = arith.index_cast %rem3A_109 : i32 to index
        %get3A_209 = arith.index_cast %add3A_170 : i32 to index
        %get3A_210 = arith.constant 32 : index
        %get3A_211 = tpu.vector_load %arg11[%get3A_208, %get3A_209, %get3A_210] {strides = array<i32>} : memref<4x80x64xf32, #tpu.memory_space<vmem>>, vector<1x1x16xf32>,
        %get3A_212 = vector.shape_cast %get3A_211 : vector<1x1x16xf32> to vector<16xf32>
        %get3A_213 = arith.index_cast %rem3A_109 : i32 to index
        %get3A_214 = arith.index_cast %add3A_170 : i32 to index
        %get3A_215 = arith.constant 32 : index
        %get3A_216 = tpu.vector_load %arg12[%get3A_213, %get3A_214, %get3A_215] {strides = array<i32>} : memref<4x80x64xf32, #tpu.memory_space<vmem>>, vector<1x1x16xf32>,
        %get3A_217 = vector.shape_cast %get3A_216 : vector<1x1x16xf32> to vector<16xf32>
        %add3A_218 = arith.addf %get3A_212, %get3A_217 : vector<16xf32>
        %max3A_219 = arith.constant 0.000000e+00 : f32
        %max3A_220 = vector.broadcast %max3A_219 : f32 to vector<16xf32>
        %max3A_221 = arith.maximumf %add3A_218, %max3A_220 : vector<16xf32>
        %swap3A_222 = arith.index_cast %rem3A_109 : i32 to index
        %swap3A_223 = arith.index_cast %add3A_170 : i32 to index
        %swap3A_224 = arith.constant 32 : index
        %swap3A_225 = tpu.vector_load %arg11[%swap3A_222, %swap3A_223, %swap3A_224] {strides = array<i32>} : memref<4x80x64xf32, #tpu.memory_space<vmem>>, vector<1x1x16xf32>,
        %swap3A_226 = vector.shape_cast %swap3A_225 : vector<1x1x16xf32> to vector<16xf32>
        %swap3A_227 = vector.shape_cast %max3A_221 : vector<16xf32> to vector<1x1x16xf32>
        tpu.vector_store %arg11[%swap3A_222, %swap3A_223, %swap3A_224], %swap3A_227 {strides = array<i32>} : memref<4x80x64xf32, #tpu.memory_space<vmem>>, vector<1x1x16xf32>,
        %get3A_228 = arith.index_cast %rem3A_109 : i32 to index
        %get3A_229 = arith.index_cast %add3A_170 : i32 to index
        %get3A_230 = arith.constant 48 : index
        %get3A_231 = tpu.vector_load %arg11[%get3A_228, %get3A_229, %get3A_230] {strides = array<i32>} : memref<4x80x64xf32, #tpu.memory_space<vmem>>, vector<1x1x16xf32>,
        %get3A_232 = vector.shape_cast %get3A_231 : vector<1x1x16xf32> to vector<16xf32>
        %get3A_233 = arith.index_cast %rem3A_109 : i32 to index
        %get3A_234 = arith.index_cast %add3A_170 : i32 to index
        %get3A_235 = arith.constant 48 : index
        %get3A_236 = tpu.vector_load %arg12[%get3A_233, %get3A_234, %get3A_235] {strides = array<i32>} : memref<4x80x64xf32, #tpu.memory_space<vmem>>, vector<1x1x16xf32>,
        %get3A_237 = vector.shape_cast %get3A_236 : vector<1x1x16xf32> to vector<16xf32>
        %add3A_238 = arith.addf %get3A_232, %get3A_237 : vector<16xf32>
        %max3A_239 = arith.constant 0.000000e+00 : f32
        %max3A_240 = vector.broadcast %max3A_239 : f32 to vector<16xf32>
        %max3A_241 = arith.maximumf %add3A_238, %max3A_240 : vector<16xf32>
        %swap3A_242 = arith.index_cast %rem3A_109 : i32 to index
        %swap3A_243 = arith.index_cast %add3A_170 : i32 to index
        %swap3A_244 = arith.constant 48 : index
        %swap3A_245 = tpu.vector_load %arg11[%swap3A_242, %swap3A_243, %swap3A_244] {strides = array<i32>} : memref<4x80x64xf32, #tpu.memory_space<vmem>>, vector<1x1x16xf32>,
        %swap3A_246 = vector.shape_cast %swap3A_245 : vector<1x1x16xf32> to vector<16xf32>
        %swap3A_247 = vector.shape_cast %max3A_241 : vector<16xf32> to vector<1x1x16xf32>
        tpu.vector_store %arg11[%swap3A_242, %swap3A_243, %swap3A_244], %swap3A_247 {strides = array<i32>} : memref<4x80x64xf32, #tpu.memory_space<vmem>>, vector<1x1x16xf32>,
        %scan3A_248 = arith.constant 1 : i32
        %scan3A_249 = arith.addi %scan3A_166, %scan3A_248 : i32
        %mul3A_250 = arith.constant 1 : i32
        %mul3A_251 = arith.muli %scan3A_249, %mul3A_250 : i32
        %add3A_252 = arith.constant 0 : i32
        %add3A_253 = arith.addi %add3A_252, %mul3A_251 : i32
        %get3A_254 = arith.index_cast %rem3A_109 : i32 to index
        %get3A_255 = arith.index_cast %add3A_253 : i32 to index
        %get3A_256 = arith.constant 0 : index
        %get3A_257 = tpu.vector_load %arg11[%get3A_254, %get3A_255, %get3A_256] {strides = array<i32>} : memref<4x80x64xf32, #tpu.memory_space<vmem>>, vector<1x1x16xf32>,
        %get3A_258 = vector.shape_cast %get3A_257 : vector<1x1x16xf32> to vector<16xf32>
        %get3A_259 = arith.index_cast %rem3A_109 : i32 to index
        %get3A_260 = arith.index_cast %add3A_253 : i32 to index
        %get3A_261 = arith.constant 0 : index
        %get3A_262 = tpu.vector_load %arg12[%get3A_259, %get3A_260, %get3A_261] {strides = array<i32>} : memref<4x80x64xf32, #tpu.memory_space<vmem>>, vector<1x1x16xf32>,
        %get3A_263 = vector.shape_cast %get3A_262 : vector<1x1x16xf32> to vector<16xf32>
        %add3A_264 = arith.addf %get3A_258, %get3A_263 : vector<16xf32>
        %max3A_265 = arith.constant 0.000000e+00 : f32
        %max3A_266 = vector.broadcast %max3A_265 : f32 to vector<16xf32>
        %max3A_267 = arith.maximumf %add3A_264, %max3A_266 : vector<16xf32>
        %swap3A_268 = arith.index_cast %rem3A_109 : i32 to index
        %swap3A_269 = arith.index_cast %add3A_253 : i32 to index
        %swap3A_270 = arith.constant 0 : index
        %swap3A_271 = tpu.vector_load %arg11[%swap3A_268, %swap3A_269, %swap3A_270] {strides = array<i32>} : memref<4x80x64xf32, #tpu.memory_space<vmem>>, vector<1x1x16xf32>,
        %swap3A_272 = vector.shape_cast %swap3A_271 : vector<1x1x16xf32> to vector<16xf32>
        %swap3A_273 = vector.shape_cast %max3A_267 : vector<16xf32> to vector<1x1x16xf32>
        tpu.vector_store %arg11[%swap3A_268, %swap3A_269, %swap3A_270], %swap3A_273 {strides = array<i32>} : memref<4x80x64xf32, #tpu.memory_space<vmem>>, vector<1x1x16xf32>,
        %get3A_274 = arith.index_cast %rem3A_109 : i32 to index
        %get3A_275 = arith.index_cast %add3A_253 : i32 to index
        %get3A_276 = arith.constant 16 : index
        %get3A_277 = tpu.vector_load %arg11[%get3A_274, %get3A_275, %get3A_276] {strides = array<i32>} : memref<4x80x64xf32, #tpu.memory_space<vmem>>, vector<1x1x16xf32>,
        %get3A_278 = vector.shape_cast %get3A_277 : vector<1x1x16xf32> to vector<16xf32>
        %get3A_279 = arith.index_cast %rem3A_109 : i32 to index
        %get3A_280 = arith.index_cast %add3A_253 : i32 to index
        %get3A_281 = arith.constant 16 : index
        %get3A_282 = tpu.vector_load %arg12[%get3A_279, %get3A_280, %get3A_281] {strides = array<i32>} : memref<4x80x64xf32, #tpu.memory_space<vmem>>, vector<1x1x16xf32>,
        %get3A_283 = vector.shape_cast %get3A_282 : vector<1x1x16xf32> to vector<16xf32>
        %add3A_284 = arith.addf %get3A_278, %get3A_283 : vector<16xf32>
        %max3A_285 = arith.constant 0.000000e+00 : f32
        %max3A_286 = vector.broadcast %max3A_285 : f32 to vector<16xf32>
        %max3A_287 = arith.maximumf %add3A_284, %max3A_286 : vector<16xf32>
        %swap3A_288 = arith.index_cast %rem3A_109 : i32 to index
        %swap3A_289 = arith.index_cast %add3A_253 : i32 to index
        %swap3A_290 = arith.constant 16 : index
        %swap3A_291 = tpu.vector_load %arg11[%swap3A_288, %swap3A_289, %swap3A_290] {strides = array<i32>} : memref<4x80x64xf32, #tpu.memory_space<vmem>>, vector<1x1x16xf32>,
        %swap3A_292 = vector.shape_cast %swap3A_291 : vector<1x1x16xf32> to vector<16xf32>
        %swap3A_293 = vector.shape_cast %max3A_287 : vector<16xf32> to vector<1x1x16xf32>
        tpu.vector_store %arg11[%swap3A_288, %swap3A_289, %swap3A_290], %swap3A_293 {strides = array<i32>} : memref<4x80x64xf32, #tpu.memory_space<vmem>>, vector<1x1x16xf32>,
        %get3A_294 = arith.index_cast %rem3A_109 : i32 to index
        %get3A_295 = arith.index_cast %add3A_253 : i32 to index
        %get3A_296 = arith.constant 32 : index
        %get3A_297 = tpu.vector_load %arg11[%get3A_294, %get3A_295, %get3A_296] {strides = array<i32>} : memref<4x80x64xf32, #tpu.memory_space<vmem>>, vector<1x1x16xf32>,
        %get3A_298 = vector.shape_cast %get3A_297 : vector<1x1x16xf32> to vector<16xf32>
        %get3A_299 = arith.index_cast %rem3A_109 : i32 to index
        %get3A_300 = arith.index_cast %add3A_253 : i32 to index
        %get3A_301 = arith.constant 32 : index
        %get3A_302 = tpu.vector_load %arg12[%get3A_299, %get3A_300, %get3A_301] {strides = array<i32>} : memref<4x80x64xf32, #tpu.memory_space<vmem>>, vector<1x1x16xf32>,
        %get3A_303 = vector.shape_cast %get3A_302 : vector<1x1x16xf32> to vector<16xf32>
        %add3A_304 = arith.addf %get3A_298, %get3A_303 : vector<16xf32>
        %max3A_305 = arith.constant 0.000000e+00 : f32
        %max3A_306 = vector.broadcast %max3A_305 : f32 to vector<16xf32>
        %max3A_307 = arith.maximumf %add3A_304, %max3A_306 : vector<16xf32>
        %swap3A_308 = arith.index_cast %rem3A_109 : i32 to index
        %swap3A_309 = arith.index_cast %add3A_253 : i32 to index
        %swap3A_310 = arith.constant 32 : index
        %swap3A_311 = tpu.vector_load %arg11[%swap3A_308, %swap3A_309, %swap3A_310] {strides = array<i32>} : memref<4x80x64xf32, #tpu.memory_space<vmem>>, vector<1x1x16xf32>,
        %swap3A_312 = vector.shape_cast %swap3A_311 : vector<1x1x16xf32> to vector<16xf32>
        %swap3A_313 = vector.shape_cast %max3A_307 : vector<16xf32> to vector<1x1x16xf32>
        tpu.vector_store %arg11[%swap3A_308, %swap3A_309, %swap3A_310], %swap3A_313 {strides = array<i32>} : memref<4x80x64xf32, #tpu.memory_space<vmem>>, vector<1x1x16xf32>,
        %get3A_314 = arith.index_cast %rem3A_109 : i32 to index
        %get3A_315 = arith.index_cast %add3A_253 : i32 to index
        %get3A_316 = arith.constant 48 : index
        %get3A_317 = tpu.vector_load %arg11[%get3A_314, %get3A_315, %get3A_316] {strides = array<i32>} : memref<4x80x64xf32, #tpu.memory_space<vmem>>, vector<1x1x16xf32>,
        %get3A_318 = vector.shape_cast %get3A_317 : vector<1x1x16xf32> to vector<16xf32>
        %get3A_319 = arith.index_cast %rem3A_109 : i32 to index
        %get3A_320 = arith.index_cast %add3A_253 : i32 to index
        %get3A_321 = arith.constant 48 : index
        %get3A_322 = tpu.vector_load %arg12[%get3A_319, %get3A_320, %get3A_321] {strides = array<i32>} : memref<4x80x64xf32, #tpu.memory_space<vmem>>, vector<1x1x16xf32>,
        %get3A_323 = vector.shape_cast %get3A_322 : vector<1x1x16xf32> to vector<16xf32>
        %add3A_324 = arith.addf %get3A_318, %get3A_323 : vector<16xf32>
        %max3A_325 = arith.constant 0.000000e+00 : f32
        %max3A_326 = vector.broadcast %max3A_325 : f32 to vector<16xf32>
        %max3A_327 = arith.maximumf %add3A_324, %max3A_326 : vector<16xf32>
        %swap3A_328 = arith.index_cast %rem3A_109 : i32 to index
        %swap3A_329 = arith.index_cast %add3A_253 : i32 to index
        %swap3A_330 = arith.constant 48 : index
        %swap3A_331 = tpu.vector_load %arg11[%swap3A_328, %swap3A_329, %swap3A_330] {strides = array<i32>} : memref<4x80x64xf32, #tpu.memory_space<vmem>>, vector<1x1x16xf32>,
        %swap3A_332 = vector.shape_cast %swap3A_331 : vector<1x1x16xf32> to vector<16xf32>
        %swap3A_333 = vector.shape_cast %max3A_327 : vector<16xf32> to vector<1x1x16xf32>
        tpu.vector_store %arg11[%swap3A_328, %swap3A_329, %swap3A_330], %swap3A_333 {strides = array<i32>} : memref<4x80x64xf32, #tpu.memory_space<vmem>>, vector<1x1x16xf32>,
        %scan3A_334 = arith.constant 2 : i32
        %scan3A_335 = arith.addi %scan3A_166, %scan3A_334 : i32
        %mul3A_336 = arith.constant 1 : i32
        %mul3A_337 = arith.muli %scan3A_335, %mul3A_336 : i32
        %add3A_338 = arith.constant 0 : i32
        %add3A_339 = arith.addi %add3A_338, %mul3A_337 : i32
        %get3A_340 = arith.index_cast %rem3A_109 : i32 to index
        %get3A_341 = arith.index_cast %add3A_339 : i32 to index
        %get3A_342 = arith.constant 0 : index
        %get3A_343 = tpu.vector_load %arg11[%get3A_340, %get3A_341, %get3A_342] {strides = array<i32>} : memref<4x80x64xf32, #tpu.memory_space<vmem>>, vector<1x1x16xf32>,
        %get3A_344 = vector.shape_cast %get3A_343 : vector<1x1x16xf32> to vector<16xf32>
        %get3A_345 = arith.index_cast %rem3A_109 : i32 to index
        %get3A_346 = arith.index_cast %add3A_339 : i32 to index
        %get3A_347 = arith.constant 0 : index
        %get3A_348 = tpu.vector_load %arg12[%get3A_345, %get3A_346, %get3A_347] {strides = array<i32>} : memref<4x80x64xf32, #tpu.memory_space<vmem>>, vector<1x1x16xf32>,
        %get3A_349 = vector.shape_cast %get3A_348 : vector<1x1x16xf32> to vector<16xf32>
        %add3A_350 = arith.addf %get3A_344, %get3A_349 : vector<16xf32>
        %max3A_351 = arith.constant 0.000000e+00 : f32
        %max3A_352 = vector.broadcast %max3A_351 : f32 to vector<16xf32>
        %max3A_353 = arith.maximumf %add3A_350, %max3A_352 : vector<16xf32>
        %swap3A_354 = arith.index_cast %rem3A_109 : i32 to index
        %swap3A_355 = arith.index_cast %add3A_339 : i32 to index
        %swap3A_356 = arith.constant 0 : index
        %swap3A_357 = tpu.vector_load %arg11[%swap3A_354, %swap3A_355, %swap3A_356] {strides = array<i32>} : memref<4x80x64xf32, #tpu.memory_space<vmem>>, vector<1x1x16xf32>,
        %swap3A_358 = vector.shape_cast %swap3A_357 : vector<1x1x16xf32> to vector<16xf32>
        %swap3A_359 = vector.shape_cast %max3A_353 : vector<16xf32> to vector<1x1x16xf32>
        tpu.vector_store %arg11[%swap3A_354, %swap3A_355, %swap3A_356], %swap3A_359 {strides = array<i32>} : memref<4x80x64xf32, #tpu.memory_space<vmem>>, vector<1x1x16xf32>,
        %get3A_360 = arith.index_cast %rem3A_109 : i32 to index
        %get3A_361 = arith.index_cast %add3A_339 : i32 to index
        %get3A_362 = arith.constant 16 : index
        %get3A_363 = tpu.vector_load %arg11[%get3A_360, %get3A_361, %get3A_362] {strides = array<i32>} : memref<4x80x64xf32, #tpu.memory_space<vmem>>, vector<1x1x16xf32>,
        %get3A_364 = vector.shape_cast %get3A_363 : vector<1x1x16xf32> to vector<16xf32>
        %get3A_365 = arith.index_cast %rem3A_109 : i32 to index
        %get3A_366 = arith.index_cast %add3A_339 : i32 to index
        %get3A_367 = arith.constant 16 : index
        %get3A_368 = tpu.vector_load %arg12[%get3A_365, %get3A_366, %get3A_367] {strides = array<i32>} : memref<4x80x64xf32, #tpu.memory_space<vmem>>, vector<1x1x16xf32>,
        %get3A_369 = vector.shape_cast %get3A_368 : vector<1x1x16xf32> to vector<16xf32>
        %add3A_370 = arith.addf %get3A_364, %get3A_369 : vector<16xf32>
        %max3A_371 = arith.constant 0.000000e+00 : f32
        %max3A_372 = vector.broadcast %max3A_371 : f32 to vector<16xf32>
        %max3A_373 = arith.maximumf %add3A_370, %max3A_372 : vector<16xf32>
        %swap3A_374 = arith.index_cast %rem3A_109 : i32 to index
        %swap3A_375 = arith.index_cast %add3A_339 : i32 to index
        %swap3A_376 = arith.constant 16 : index
        %swap3A_377 = tpu.vector_load %arg11[%swap3A_374, %swap3A_375, %swap3A_376] {strides = array<i32>} : memref<4x80x64xf32, #tpu.memory_space<vmem>>, vector<1x1x16xf32>,
        %swap3A_378 = vector.shape_cast %swap3A_377 : vector<1x1x16xf32> to vector<16xf32>
        %swap3A_379 = vector.shape_cast %max3A_373 : vector<16xf32> to vector<1x1x16xf32>
        tpu.vector_store %arg11[%swap3A_374, %swap3A_375, %swap3A_376], %swap3A_379 {strides = array<i32>} : memref<4x80x64xf32, #tpu.memory_space<vmem>>, vector<1x1x16xf32>,
        %get3A_380 = arith.index_cast %rem3A_109 : i32 to index
        %get3A_381 = arith.index_cast %add3A_339 : i32 to index
        %get3A_382 = arith.constant 32 : index
        %get3A_383 = tpu.vector_load %arg11[%get3A_380, %get3A_381, %get3A_382] {strides = array<i32>} : memref<4x80x64xf32, #tpu.memory_space<vmem>>, vector<1x1x16xf32>,
        %get3A_384 = vector.shape_cast %get3A_383 : vector<1x1x16xf32> to vector<16xf32>
        %get3A_385 = arith.index_cast %rem3A_109 : i32 to index
        %get3A_386 = arith.index_cast %add3A_339 : i32 to index
        %get3A_387 = arith.constant 32 : index
        %get3A_388 = tpu.vector_load %arg12[%get3A_385, %get3A_386, %get3A_387] {strides = array<i32>} : memref<4x80x64xf32, #tpu.memory_space<vmem>>, vector<1x1x16xf32>,
        %get3A_389 = vector.shape_cast %get3A_388 : vector<1x1x16xf32> to vector<16xf32>
        %add3A_390 = arith.addf %get3A_384, %get3A_389 : vector<16xf32>
        %max3A_391 = arith.constant 0.000000e+00 : f32
        %max3A_392 = vector.broadcast %max3A_391 : f32 to vector<16xf32>
        %max3A_393 = arith.maximumf %add3A_390, %max3A_392 : vector<16xf32>
        %swap3A_394 = arith.index_cast %rem3A_109 : i32 to index
        %swap3A_395 = arith.index_cast %add3A_339 : i32 to index
        %swap3A_396 = arith.constant 32 : index
        %swap3A_397 = tpu.vector_load %arg11[%swap3A_394, %swap3A_395, %swap3A_396] {strides = array<i32>} : memref<4x80x64xf32, #tpu.memory_space<vmem>>, vector<1x1x16xf32>,
        %swap3A_398 = vector.shape_cast %swap3A_397 : vector<1x1x16xf32> to vector<16xf32>
        %swap3A_399 = vector.shape_cast %max3A_393 : vector<16xf32> to vector<1x1x16xf32>
        tpu.vector_store %arg11[%swap3A_394, %swap3A_395, %swap3A_396], %swap3A_399 {strides = array<i32>} : memref<4x80x64xf32, #tpu.memory_space<vmem>>, vector<1x1x16xf32>,
        %get3A_400 = arith.index_cast %rem3A_109 : i32 to index
        %get3A_401 = arith.index_cast %add3A_339 : i32 to index
        %get3A_402 = arith.constant 48 : index
        %get3A_403 = tpu.vector_load %arg11[%get3A_400, %get3A_401, %get3A_402] {strides = array<i32>} : memref<4x80x64xf32, #tpu.memory_space<vmem>>, vector<1x1x16xf32>,
        %get3A_404 = vector.shape_cast %get3A_403 : vector<1x1x16xf32> to vector<16xf32>
        %get3A_405 = arith.index_cast %rem3A_109 : i32 to index
        %get3A_406 = arith.index_cast %add3A_339 : i32 to index
        %get3A_407 = arith.constant 48 : index
        %get3A_408 = tpu.vector_load %arg12[%get3A_405, %get3A_406, %get3A_407] {strides = array<i32>} : memref<4x80x64xf32, #tpu.memory_space<vmem>>, vector<1x1x16xf32>,
        %get3A_409 = vector.shape_cast %get3A_408 : vector<1x1x16xf32> to vector<16xf32>
        %add3A_410 = arith.addf %get3A_404, %get3A_409 : vector<16xf32>
        %max3A_411 = arith.constant 0.000000e+00 : f32
        %max3A_412 = vector.broadcast %max3A_411 : f32 to vector<16xf32>
        %max3A_413 = arith.maximumf %add3A_410, %max3A_412 : vector<16xf32>
        %swap3A_414 = arith.index_cast %rem3A_109 : i32 to index
        %swap3A_415 = arith.index_cast %add3A_339 : i32 to index
        %swap3A_416 = arith.constant 48 : index
        %swap3A_417 = tpu.vector_load %arg11[%swap3A_414, %swap3A_415, %swap3A_416] {strides = array<i32>} : memref<4x80x64xf32, #tpu.memory_space<vmem>>, vector<1x1x16xf32>,
        %swap3A_418 = vector.shape_cast %swap3A_417 : vector<1x1x16xf32> to vector<16xf32>
        %swap3A_419 = vector.shape_cast %max3A_413 : vector<16xf32> to vector<1x1x16xf32>
        tpu.vector_store %arg11[%swap3A_414, %swap3A_415, %swap3A_416], %swap3A_419 {strides = array<i32>} : memref<4x80x64xf32, #tpu.memory_space<vmem>>, vector<1x1x16xf32>,
        %scan3A_420 = arith.constant 3 : i32
        %scan3A_421 = arith.addi %scan3A_166, %scan3A_420 : i32
        %mul3A_422 = arith.constant 1 : i32
        %mul3A_423 = arith.muli %scan3A_421, %mul3A_422 : i32
        %add3A_424 = arith.constant 0 : i32
        %add3A_425 = arith.addi %add3A_424, %mul3A_423 : i32
        %get3A_426 = arith.index_cast %rem3A_109 : i32 to index
        %get3A_427 = arith.index_cast %add3A_425 : i32 to index
        %get3A_428 = arith.constant 0 : index
        %get3A_429 = tpu.vector_load %arg11[%get3A_426, %get3A_427, %get3A_428] {strides = array<i32>} : memref<4x80x64xf32, #tpu.memory_space<vmem>>, vector<1x1x16xf32>,
        %get3A_430 = vector.shape_cast %get3A_429 : vector<1x1x16xf32> to vector<16xf32>
        %get3A_431 = arith.index_cast %rem3A_109 : i32 to index
        %get3A_432 = arith.index_cast %add3A_425 : i32 to index
        %get3A_433 = arith.constant 0 : index
        %get3A_434 = tpu.vector_load %arg12[%get3A_431, %get3A_432, %get3A_433] {strides = array<i32>} : memref<4x80x64xf32, #tpu.memory_space<vmem>>, vector<1x1x16xf32>,
        %get3A_435 = vector.shape_cast %get3A_434 : vector<1x1x16xf32> to vector<16xf32>
        %add3A_436 = arith.addf %get3A_430, %get3A_435 : vector<16xf32>
        %max3A_437 = arith.constant 0.000000e+00 : f32
        %max3A_438 = vector.broadcast %max3A_437 : f32 to vector<16xf32>
        %max3A_439 = arith.maximumf %add3A_436, %max3A_438 : vector<16xf32>
        %swap3A_440 = arith.index_cast %rem3A_109 : i32 to index
        %swap3A_441 = arith.index_cast %add3A_425 : i32 to index
        %swap3A_442 = arith.constant 0 : index
        %swap3A_443 = tpu.vector_load %arg11[%swap3A_440, %swap3A_441, %swap3A_442] {strides = array<i32>} : memref<4x80x64xf32, #tpu.memory_space<vmem>>, vector<1x1x16xf32>,
        %swap3A_444 = vector.shape_cast %swap3A_443 : vector<1x1x16xf32> to vector<16xf32>
        %swap3A_445 = vector.shape_cast %max3A_439 : vector<16xf32> to vector<1x1x16xf32>
        tpu.vector_store %arg11[%swap3A_440, %swap3A_441, %swap3A_442], %swap3A_445 {strides = array<i32>} : memref<4x80x64xf32, #tpu.memory_space<vmem>>, vector<1x1x16xf32>,
        %get3A_446 = arith.index_cast %rem3A_109 : i32 to index
        %get3A_447 = arith.index_cast %add3A_425 : i32 to index
        %get3A_448 = arith.constant 16 : index
        %get3A_449 = tpu.vector_load %arg11[%get3A_446, %get3A_447, %get3A_448] {strides = array<i32>} : memref<4x80x64xf32, #tpu.memory_space<vmem>>, vector<1x1x16xf32>,
        %get3A_450 = vector.shape_cast %get3A_449 : vector<1x1x16xf32> to vector<16xf32>
        %get3A_451 = arith.index_cast %rem3A_109 : i32 to index
        %get3A_452 = arith.index_cast %add3A_425 : i32 to index
        %get3A_453 = arith.constant 16 : index
        %get3A_454 = tpu.vector_load %arg12[%get3A_451, %get3A_452, %get3A_453] {strides = array<i32>} : memref<4x80x64xf32, #tpu.memory_space<vmem>>, vector<1x1x16xf32>,
        %get3A_455 = vector.shape_cast %get3A_454 : vector<1x1x16xf32> to vector<16xf32>
        %add3A_456 = arith.addf %get3A_450, %get3A_455 : vector<16xf32>
        %max3A_457 = arith.constant 0.000000e+00 : f32
        %max3A_458 = vector.broadcast %max3A_457 : f32 to vector<16xf32>
        %max3A_459 = arith.maximumf %add3A_456, %max3A_458 : vector<16xf32>
        %swap3A_460 = arith.index_cast %rem3A_109 : i32 to index
        %swap3A_461 = arith.index_cast %add3A_425 : i32 to index
        %swap3A_462 = arith.constant 16 : index
        %swap3A_463 = tpu.vector_load %arg11[%swap3A_460, %swap3A_461, %swap3A_462] {strides = array<i32>} : memref<4x80x64xf32, #tpu.memory_space<vmem>>, vector<1x1x16xf32>,
        %swap3A_464 = vector.shape_cast %swap3A_463 : vector<1x1x16xf32> to vector<16xf32>
        %swap3A_465 = vector.shape_cast %max3A_459 : vector<16xf32> to vector<1x1x16xf32>
        tpu.vector_store %arg11[%swap3A_460, %swap3A_461, %swap3A_462], %swap3A_465 {strides = array<i32>} : memref<4x80x64xf32, #tpu.memory_space<vmem>>, vector<1x1x16xf32>,
        %get3A_466 = arith.index_cast %rem3A_109 : i32 to index
        %get3A_467 = arith.index_cast %add3A_425 : i32 to index
        %get3A_468 = arith.constant 32 : index
        %get3A_469 = tpu.vector_load %arg11[%get3A_466, %get3A_467, %get3A_468] {strides = array<i32>} : memref<4x80x64xf32, #tpu.memory_space<vmem>>, vector<1x1x16xf32>,
        %get3A_470 = vector.shape_cast %get3A_469 : vector<1x1x16xf32> to vector<16xf32>
        %get3A_471 = arith.index_cast %rem3A_109 : i32 to index
        %get3A_472 = arith.index_cast %add3A_425 : i32 to index
        %get3A_473 = arith.constant 32 : index
        %get3A_474 = tpu.vector_load %arg12[%get3A_471, %get3A_472, %get3A_473] {strides = array<i32>} : memref<4x80x64xf32, #tpu.memory_space<vmem>>, vector<1x1x16xf32>,
        %get3A_475 = vector.shape_cast %get3A_474 : vector<1x1x16xf32> to vector<16xf32>
        %add3A_476 = arith.addf %get3A_470, %get3A_475 : vector<16xf32>
        %max3A_477 = arith.constant 0.000000e+00 : f32
        %max3A_478 = vector.broadcast %max3A_477 : f32 to vector<16xf32>
        %max3A_479 = arith.maximumf %add3A_476, %max3A_478 : vector<16xf32>
        %swap3A_480 = arith.index_cast %rem3A_109 : i32 to index
        %swap3A_481 = arith.index_cast %add3A_425 : i32 to index
        %swap3A_482 = arith.constant 32 : index
        %swap3A_483 = tpu.vector_load %arg11[%swap3A_480, %swap3A_481, %swap3A_482] {strides = array<i32>} : memref<4x80x64xf32, #tpu.memory_space<vmem>>, vector<1x1x16xf32>,
        %swap3A_484 = vector.shape_cast %swap3A_483 : vector<1x1x16xf32> to vector<16xf32>
        %swap3A_485 = vector.shape_cast %max3A_479 : vector<16xf32> to vector<1x1x16xf32>
        tpu.vector_store %arg11[%swap3A_480, %swap3A_481, %swap3A_482], %swap3A_485 {strides = array<i32>} : memref<4x80x64xf32, #tpu.memory_space<vmem>>, vector<1x1x16xf32>,
        %get3A_486 = arith.index_cast %rem3A_109 : i32 to index
        %get3A_487 = arith.index_cast %add3A_425 : i32 to index
        %get3A_488 = arith.constant 48 : index
        %get3A_489 = tpu.vector_load %arg11[%get3A_486, %get3A_487, %get3A_488] {strides = array<i32>} : memref<4x80x64xf32, #tpu.memory_space<vmem>>, vector<1x1x16xf32>,
        %get3A_490 = vector.shape_cast %get3A_489 : vector<1x1x16xf32> to vector<16xf32>
        %get3A_491 = arith.index_cast %rem3A_109 : i32 to index
        %get3A_492 = arith.index_cast %add3A_425 : i32 to index
        %get3A_493 = arith.constant 48 : index
        %get3A_494 = tpu.vector_load %arg12[%get3A_491, %get3A_492, %get3A_493] {strides = array<i32>} : memref<4x80x64xf32, #tpu.memory_space<vmem>>, vector<1x1x16xf32>,
        %get3A_495 = vector.shape_cast %get3A_494 : vector<1x1x16xf32> to vector<16xf32>
        %add3A_496 = arith.addf %get3A_490, %get3A_495 : vector<16xf32>
        %max3A_497 = arith.constant 0.000000e+00 : f32
        %max3A_498 = vector.broadcast %max3A_497 : f32 to vector<16xf32>
        %max3A_499 = arith.maximumf %add3A_496, %max3A_498 : vector<16xf32>
        %swap3A_500 = arith.index_cast %rem3A_109 : i32 to index
        %swap3A_501 = arith.index_cast %add3A_425 : i32 to index
        %swap3A_502 = arith.constant 48 : index
        %swap3A_503 = tpu.vector_load %arg11[%swap3A_500, %swap3A_501, %swap3A_502] {strides = array<i32>} : memref<4x80x64xf32, #tpu.memory_space<vmem>>, vector<1x1x16xf32>,
        %swap3A_504 = vector.shape_cast %swap3A_503 : vector<1x1x16xf32> to vector<16xf32>
        %swap3A_505 = vector.shape_cast %max3A_499 : vector<16xf32> to vector<1x1x16xf32>
        tpu.vector_store %arg11[%swap3A_500, %swap3A_501, %swap3A_502], %swap3A_505 {strides = array<i32>} : memref<4x80x64xf32, #tpu.memory_space<vmem>>, vector<1x1x16xf32>,
      }
      %scan3A_153 = arith.constant 80 : i32
      %dma_start3A_154 = arith.constant 0 : i32
      %dma_start3A_155 = arith.constant 0 : i32
      %dma_start3A_156 = tpu.memref_slice %arg11[%rem3A_109, %dma_start3A_154, %dma_start3A_155] : memref<4x80x64xf32, #tpu.memory_space<vmem>> -> memref<1x80x64xf32, #tpu.memory_space<vmem>>
      %dma_start3A_157 = tpu.memref_squeeze %dma_start3A_156 : memref<1x80x64xf32, #tpu.memory_space<vmem>> -> memref<80x64xf32, #tpu.memory_space<vmem>>
      %dma_start3A_158 = arith.constant 0 : i32
      %dma_start3A_159 = tpu.memref_slice %arg10[%add3A_108, %dma_start3A_158] : memref<125x80xi32, #tpu.memory_space<vmem>> -> memref<1x80xi32, #tpu.memory_space<vmem>>
      %dma_start3A_160 = tpu.memref_squeeze %dma_start3A_159 : memref<1x80xi32, #tpu.memory_space<vmem>> -> memref<80xi32, #tpu.memory_space<vmem>>
      %dma_start3A_161 = arith.constant 0 : i32
      %dma_start3A_162 = arith.constant 0 : i32
      %dma_start3A_163 = tpu.memref_slice %arg8[%dma_start3A_161, %dma_start3A_162] : memref<10112x64xf32, #tpu.memory_space<vmem_shared>> -> memref<10112x64xf32, #tpu.memory_space<vmem_shared>>
      %dma_start3A_164 = tpu.memref_slice %arg15[%rem3A_109] : memref<4x!tpu.dma_semaphore, #tpu.memory_space<semaphore_mem>> -> memref<1x!tpu.dma_semaphore, #tpu.memory_space<semaphore_mem>>
      %dma_start3A_165 = tpu.memref_squeeze %dma_start3A_164 : memref<1x!tpu.dma_semaphore, #tpu.memory_space<semaphore_mem>> -> memref<!tpu.dma_semaphore, #tpu.memory_space<semaphore_mem>>
      tpu.enqueue_indirect_dma source(%dma_start3A_157 : memref<80x64xf32, #tpu.memory_space<vmem>>) target(%dma_start3A_163 : memref<10112x64xf32, #tpu.memory_space<vmem_shared>>) offsets(%dma_start3A_160 : memref<80xi32, #tpu.memory_space<vmem>>) semaphore(%dma_start3A_165 : memref<!tpu.dma_semaphore, #tpu.memory_space<semaphore_mem>>) {add = true}
    }
    %scan3A_73 = arith.constant 125 : i32
    %dma_wait3A = arith.constant 3 : i32
    %dma_wait3A_74 = arith.constant 123 : i32
    %dma_wait3A_75 = arith.constant 3 : i32
    %dma_wait3A_76 = arith.constant 0 : i32
    %dma_wait3A_77 = arith.constant 0 : i32
    %dma_wait3A_78 = tpu.memref_slice %arg11[%dma_wait3A, %dma_wait3A_76, %dma_wait3A_77] : memref<4x80x64xf32, #tpu.memory_space<vmem>> -> memref<1x80x64xf32, #tpu.memory_space<vmem>>
    %dma_wait3A_79 = tpu.memref_squeeze %dma_wait3A_78 : memref<1x80x64xf32, #tpu.memory_space<vmem>> -> memref<80x64xf32, #tpu.memory_space<vmem>>
    %dma_wait3A_80 = arith.constant 0 : i32
    %dma_wait3A_81 = tpu.memref_slice %arg10[%dma_wait3A_74, %dma_wait3A_80] : memref<125x80xi32, #tpu.memory_space<vmem>> -> memref<1x80xi32, #tpu.memory_space<vmem>>
    %dma_wait3A_82 = tpu.memref_squeeze %dma_wait3A_81 : memref<1x80xi32, #tpu.memory_space<vmem>> -> memref<80xi32, #tpu.memory_space<vmem>>
    %dma_wait3A_83 = arith.constant 0 : i32
    %dma_wait3A_84 = arith.constant 0 : i32
    %dma_wait3A_85 = tpu.memref_slice %arg8[%dma_wait3A_83, %dma_wait3A_84] : memref<10112x64xf32, #tpu.memory_space<vmem_shared>> -> memref<10112x64xf32, #tpu.memory_space<vmem_shared>>
    %dma_wait3A_86 = tpu.memref_slice %arg15[%dma_wait3A_75] : memref<4x!tpu.dma_semaphore, #tpu.memory_space<semaphore_mem>> -> memref<1x!tpu.dma_semaphore, #tpu.memory_space<semaphore_mem>>
    %dma_wait3A_87 = tpu.memref_squeeze %dma_wait3A_86 : memref<1x!tpu.dma_semaphore, #tpu.memory_space<semaphore_mem>> -> memref<!tpu.dma_semaphore, #tpu.memory_space<semaphore_mem>>
    tpu.wait_indirect_dma semaphore(%dma_wait3A_87 : memref<!tpu.dma_semaphore, #tpu.memory_space<semaphore_mem>>) src(%dma_wait3A_79 : memref<80x64xf32, #tpu.memory_space<vmem>>) dst(%dma_wait3A_85 : memref<10112x64xf32, #tpu.memory_space<vmem_shared>>)
    %dma_wait3A_88 = arith.constant 0 : i32
    %dma_wait3A_89 = arith.constant 124 : i32
    %dma_wait3A_90 = arith.constant 0 : i32
    %dma_wait3A_91 = arith.constant 0 : i32
    %dma_wait3A_92 = arith.constant 0 : i32
    %dma_wait3A_93 = tpu.memref_slice %arg11[%dma_wait3A_88, %dma_wait3A_91, %dma_wait3A_92] : memref<4x80x64xf32, #tpu.memory_space<vmem>> -> memref<1x80x64xf32, #tpu.memory_space<vmem>>
    %dma_wait3A_94 = tpu.memref_squeeze %dma_wait3A_93 : memref<1x80x64xf32, #tpu.memory_space<vmem>> -> memref<80x64xf32, #tpu.memory_space<vmem>>
    %dma_wait3A_95 = arith.constant 0 : i32
    %dma_wait3A_96 = tpu.memref_slice %arg10[%dma_wait3A_89, %dma_wait3A_95] : memref<125x80xi32, #tpu.memory_space<vmem>> -> memref<1x80xi32, #tpu.memory_space<vmem>>
    %dma_wait3A_97 = tpu.memref_squeeze %dma_wait3A_96 : memref<1x80xi32, #tpu.memory_space<vmem>> -> memref<80xi32, #tpu.memory_space<vmem>>
    %dma_wait3A_98 = arith.constant 0 : i32
    %dma_wait3A_99 = arith.constant 0 : i32
    %dma_wait3A_100 = tpu.memref_slice %arg8[%dma_wait3A_98, %dma_wait3A_99] : memref<10112x64xf32, #tpu.memory_space<vmem_shared>> -> memref<10112x64xf32, #tpu.memory_space<vmem_shared>>
    %dma_wait3A_101 = tpu.memref_slice %arg15[%dma_wait3A_90] : memref<4x!tpu.dma_semaphore, #tpu.memory_space<semaphore_mem>> -> memref<1x!tpu.dma_semaphore, #tpu.memory_space<semaphore_mem>>
    %dma_wait3A_102 = tpu.memref_squeeze %dma_wait3A_101 : memref<1x!tpu.dma_semaphore, #tpu.memory_space<semaphore_mem>> -> memref<!tpu.dma_semaphore, #tpu.memory_space<semaphore_mem>>
    tpu.wait_indirect_dma semaphore(%dma_wait3A_102 : memref<!tpu.dma_semaphore, #tpu.memory_space<semaphore_mem>>) src(%dma_wait3A_94 : memref<80x64xf32, #tpu.memory_space<vmem>>) dst(%dma_wait3A_100 : memref<10112x64xf32, #tpu.memory_space<vmem_shared>>)
    %barrier3A_103 = arith.constant 0 : index
    tpu.barrier barrier_id(%barrier3A_103)
    "tpu.region"() ({
      %run_scoped3A = tpu.sem_alloc : memref<!tpu.dma_semaphore, #tpu.memory_space<semaphore_mem>>
      %dma_start3A_104 = arith.constant 0 : i32
      %dma_start3A_105 = tpu.memref_slice %arg7[%arg0, %mul3A_2, %dma_start3A_104] : memref<2x10112x64xf32, #tpu.memory_space<hbm>> -> memref<1x632x64xf32, #tpu.memory_space<hbm>>
      %dma_start3A_106 = tpu.memref_squeeze %dma_start3A_105 : memref<1x632x64xf32, #tpu.memory_space<hbm>> -> memref<632x64xf32, #tpu.memory_space<hbm>>
      %dma_start3A_107 = arith.constant 0 : i32
      %dma_start3A_108 = tpu.memref_slice %arg8[%mul3A_2, %dma_start3A_107] : memref<10112x64xf32, #tpu.memory_space<vmem_shared>> -> memref<632x64xf32, #tpu.memory_space<vmem_shared>>
      tpu.enqueue_dma source(%dma_start3A_108 : memref<632x64xf32, #tpu.memory_space<vmem_shared>>) target(%dma_start3A_106 : memref<632x64xf32, #tpu.memory_space<hbm>>) target_semaphore(%run_scoped3A : memref<!tpu.dma_semaphore, #tpu.memory_space<semaphore_mem>>)
      %dma_wait3A_109 = arith.constant 0 : i32
      %dma_wait3A_110 = tpu.memref_slice %arg7[%arg0, %mul3A_2, %dma_wait3A_109] : memref<2x10112x64xf32, #tpu.memory_space<hbm>> -> memref<1x632x64xf32, #tpu.memory_space<hbm>>
      %dma_wait3A_111 = tpu.memref_squeeze %dma_wait3A_110 : memref<1x632x64xf32, #tpu.memory_space<hbm>> -> memref<632x64xf32, #tpu.memory_space<hbm>>
      %dma_wait3A_112 = arith.constant 0 : i32
      %dma_wait3A_113 = tpu.memref_slice %arg8[%mul3A_2, %dma_wait3A_112] : memref<10112x64xf32, #tpu.memory_space<vmem_shared>> -> memref<632x64xf32, #tpu.memory_space<vmem_shared>>
      tpu.wait_dma2 semaphore(%run_scoped3A : memref<!tpu.dma_semaphore, #tpu.memory_space<semaphore_mem>>) src(%dma_wait3A_113 : memref<632x64xf32, #tpu.memory_space<vmem_shared>>) dst(%dma_wait3A_111 : memref<632x64xf32, #tpu.memory_space<hbm>>)
      tpu.yield
    }) : () -> ()
    return
  }
}

#map = affine_map<(d0, d1) -> (0, 0)>
#map1 = affine_map<(d0, d1) -> (0, 0, 0)>
module attributes {stable_mosaic.version = 14 : i64} {
  func.func @k(%arg0: i32, %arg1: i32, %arg2: memref<10112x64xf32, #tpu.memory_space<hbm>>, %arg3: memref<320000x128xf32, #tpu.memory_space<hbm>>, %arg4: memref<32x125x80xi32, #tpu.memory_space<hbm>>, %arg5: memref<32x125x80xi32, #tpu.memory_space<hbm>>, %arg6: memref<10112x64xf32, #tpu.memory_space<hbm>>, %arg7: memref<2x10112x64xf32, #tpu.memory_space<hbm>>, %arg8: memref<10112x64xf32, #tpu.memory_space<vmem_shared>>, %arg9: memref<125x80xi32, #tpu.memory_space<vmem>>, %arg10: memref<125x80xi32, #tpu.memory_space<vmem>>, %arg11: memref<4x80x64xf32, #tpu.memory_space<vmem>>, %arg12: memref<4x80x64xf32, #tpu.memory_space<vmem>>, %arg13: memref<4x!tpu.dma_semaphore, #tpu.memory_space<semaphore_mem>>, %arg14: memref<4x!tpu.dma_semaphore, #tpu.memory_space<semaphore_mem>>, %arg15: memref<4x!tpu.dma_semaphore, #tpu.memory_space<semaphore_mem>>) attributes {dimension_semantics = [#tpu.dimension_semantics<core_parallel>, #tpu.dimension_semantics<subcore_parallel>], iteration_bounds = array<i64: 2, 16>, scalar_prefetch = 0 : i64, scratch_operands = 8 : i64, tpu.core_type = #tpu.core_type<sc_vector_subcore>, window_params = [{transform_indices = #map}, {transform_indices = #map}, {transform_indices = #map1}, {transform_indices = #map1}, {transform_indices = #map}, {transform_indices = #map1}]} {
    %mul3A = arith.constant 2 : i32
    %mul3A_0 = arith.muli %arg1, %mul3A : i32
    %add3A = arith.addi %mul3A_0, %arg0 : i32
    %mul3A_1 = arith.constant 632 : i32
    %mul3A_2 = arith.muli %arg1, %mul3A_1 : i32
    "tpu.region"() ({
      %run_scoped3A = tpu.sem_alloc : memref<!tpu.dma_semaphore, #tpu.memory_space<semaphore_mem>>
      %dma_start3A_104 = arith.constant 0 : i32
      %dma_start3A_105 = tpu.memref_slice %arg8[%mul3A_2, %dma_start3A_104] : memref<10112x64xf32, #tpu.memory_space<vmem_shared>> -> memref<632x64xf32, #tpu.memory_space<vmem_shared>>
      %dma_start3A_106 = arith.constant 0 : i32
      %dma_start3A_107 = tpu.memref_slice %arg6[%mul3A_2, %dma_start3A_106] : memref<10112x64xf32, #tpu.memory_space<hbm>> -> memref<632x64xf32, #tpu.memory_space<hbm>>
      tpu.enqueue_dma source(%dma_start3A_107 : memref<632x64xf32, #tpu.memory_space<hbm>>) target(%dma_start3A_105 : memref<632x64xf32, #tpu.memory_space<vmem_shared>>) target_semaphore(%run_scoped3A : memref<!tpu.dma_semaphore, #tpu.memory_space<semaphore_mem>>)
      %dma_wait3A_108 = arith.constant 0 : i32
      %dma_wait3A_109 = tpu.memref_slice %arg8[%mul3A_2, %dma_wait3A_108] : memref<10112x64xf32, #tpu.memory_space<vmem_shared>> -> memref<632x64xf32, #tpu.memory_space<vmem_shared>>
      %dma_wait3A_110 = arith.constant 0 : i32
      %dma_wait3A_111 = tpu.memref_slice %arg6[%mul3A_2, %dma_wait3A_110] : memref<10112x64xf32, #tpu.memory_space<hbm>> -> memref<632x64xf32, #tpu.memory_space<hbm>>
      tpu.wait_dma2 semaphore(%run_scoped3A : memref<!tpu.dma_semaphore, #tpu.memory_space<semaphore_mem>>) src(%dma_wait3A_111 : memref<632x64xf32, #tpu.memory_space<hbm>>) dst(%dma_wait3A_109 : memref<632x64xf32, #tpu.memory_space<vmem_shared>>)
      tpu.yield
    }) : () -> ()
    "tpu.region"() ({
      %run_scoped3A = tpu.sem_alloc : memref<!tpu.dma_semaphore, #tpu.memory_space<semaphore_mem>>
      %dma_start3A_104 = arith.constant 0 : i32
      %dma_start3A_105 = arith.constant 0 : i32
      %dma_start3A_106 = tpu.memref_slice %arg4[%add3A, %dma_start3A_104, %dma_start3A_105] : memref<32x125x80xi32, #tpu.memory_space<hbm>> -> memref<1x125x80xi32, #tpu.memory_space<hbm>>
      %dma_start3A_107 = tpu.memref_squeeze %dma_start3A_106 : memref<1x125x80xi32, #tpu.memory_space<hbm>> -> memref<125x80xi32, #tpu.memory_space<hbm>>
      %dma_start3A_108 = arith.constant 0 : i32
      %dma_start3A_109 = arith.constant 0 : i32
      %dma_start3A_110 = tpu.memref_slice %arg4[%add3A, %dma_start3A_108, %dma_start3A_109] : memref<32x125x80xi32, #tpu.memory_space<hbm>> -> memref<1x125x80xi32, #tpu.memory_space<hbm>>
      %dma_start3A_111 = tpu.memref_squeeze %dma_start3A_110 : memref<1x125x80xi32, #tpu.memory_space<hbm>> -> memref<125x80xi32, #tpu.memory_space<hbm>>
      tpu.enqueue_dma source(%dma_start3A_111 : memref<125x80xi32, #tpu.memory_space<hbm>>) target(%arg9 : memref<125x80xi32, #tpu.memory_space<vmem>>) target_semaphore(%run_scoped3A : memref<!tpu.dma_semaphore, #tpu.memory_space<semaphore_mem>>)
      %dma_wait3A_112 = arith.constant 0 : i32
      %dma_wait3A_113 = arith.constant 0 : i32
      %dma_wait3A_114 = tpu.memref_slice %arg4[%add3A, %dma_wait3A_112, %dma_wait3A_113] : memref<32x125x80xi32, #tpu.memory_space<hbm>> -> memref<1x125x80xi32, #tpu.memory_space<hbm>>
      %dma_wait3A_115 = tpu.memref_squeeze %dma_wait3A_114 : memref<1x125x80xi32, #tpu.memory_space<hbm>> -> memref<125x80xi32, #tpu.memory_space<hbm>>
      %dma_wait3A_116 = arith.constant 0 : i32
      %dma_wait3A_117 = arith.constant 0 : i32
      %dma_wait3A_118 = tpu.memref_slice %arg4[%add3A, %dma_wait3A_116, %dma_wait3A_117] : memref<32x125x80xi32, #tpu.memory_space<hbm>> -> memref<1x125x80xi32, #tpu.memory_space<hbm>>
      %dma_wait3A_119 = tpu.memref_squeeze %dma_wait3A_118 : memref<1x125x80xi32, #tpu.memory_space<hbm>> -> memref<125x80xi32, #tpu.memory_space<hbm>>
      tpu.wait_dma2 semaphore(%run_scoped3A : memref<!tpu.dma_semaphore, #tpu.memory_space<semaphore_mem>>) src(%dma_wait3A_119 : memref<125x80xi32, #tpu.memory_space<hbm>>) dst(%arg9 : memref<125x80xi32, #tpu.memory_space<vmem>>)
      tpu.yield
    }) : () -> ()
    "tpu.region"() ({
      %run_scoped3A = tpu.sem_alloc : memref<!tpu.dma_semaphore, #tpu.memory_space<semaphore_mem>>
      %dma_start3A_104 = arith.constant 0 : i32
      %dma_start3A_105 = arith.constant 0 : i32
      %dma_start3A_106 = tpu.memref_slice %arg5[%add3A, %dma_start3A_104, %dma_start3A_105] : memref<32x125x80xi32, #tpu.memory_space<hbm>> -> memref<1x125x80xi32, #tpu.memory_space<hbm>>
      %dma_start3A_107 = tpu.memref_squeeze %dma_start3A_106 : memref<1x125x80xi32, #tpu.memory_space<hbm>> -> memref<125x80xi32, #tpu.memory_space<hbm>>
      %dma_start3A_108 = arith.constant 0 : i32
      %dma_start3A_109 = arith.constant 0 : i32
      %dma_start3A_110 = tpu.memref_slice %arg5[%add3A, %dma_start3A_108, %dma_start3A_109] : memref<32x125x80xi32, #tpu.memory_space<hbm>> -> memref<1x125x80xi32, #tpu.memory_space<hbm>>
      %dma_start3A_111 = tpu.memref_squeeze %dma_start3A_110 : memref<1x125x80xi32, #tpu.memory_space<hbm>> -> memref<125x80xi32, #tpu.memory_space<hbm>>
      tpu.enqueue_dma source(%dma_start3A_111 : memref<125x80xi32, #tpu.memory_space<hbm>>) target(%arg10 : memref<125x80xi32, #tpu.memory_space<vmem>>) target_semaphore(%run_scoped3A : memref<!tpu.dma_semaphore, #tpu.memory_space<semaphore_mem>>)
      %dma_wait3A_112 = arith.constant 0 : i32
      %dma_wait3A_113 = arith.constant 0 : i32
      %dma_wait3A_114 = tpu.memref_slice %arg5[%add3A, %dma_wait3A_112, %dma_wait3A_113] : memref<32x125x80xi32, #tpu.memory_space<hbm>> -> memref<1x125x80xi32, #tpu.memory_space<hbm>>
      %dma_wait3A_115 = tpu.memref_squeeze %dma_wait3A_114 : memref<1x125x80xi32, #tpu.memory_space<hbm>> -> memref<125x80xi32, #tpu.memory_space<hbm>>
      %dma_wait3A_116 = arith.constant 0 : i32
      %dma_wait3A_117 = arith.constant 0 : i32
      %dma_wait3A_118 = tpu.memref_slice %arg5[%add3A, %dma_wait3A_116, %dma_wait3A_117] : memref<32x125x80xi32, #tpu.memory_space<hbm>> -> memref<1x125x80xi32, #tpu.memory_space<hbm>>
      %dma_wait3A_119 = tpu.memref_squeeze %dma_wait3A_118 : memref<1x125x80xi32, #tpu.memory_space<hbm>> -> memref<125x80xi32, #tpu.memory_space<hbm>>
      tpu.wait_dma2 semaphore(%run_scoped3A : memref<!tpu.dma_semaphore, #tpu.memory_space<semaphore_mem>>) src(%dma_wait3A_119 : memref<125x80xi32, #tpu.memory_space<hbm>>) dst(%arg10 : memref<125x80xi32, #tpu.memory_space<vmem>>)
      tpu.yield
    }) : () -> ()
    %barrier3A = arith.constant 0 : index
    tpu.barrier barrier_id(%barrier3A)
    %mul3A_3 = arith.constant 10000 : i32
    %mul3A_4 = arith.muli %add3A, %mul3A_3 : i32
    %add3A_5 = arith.constant 0 : i32
    %add3A_6 = arith.addi %mul3A_4, %add3A_5 : i32
    %dma_start3A = arith.constant 0 : i32
    %dma_start3A_7 = arith.constant 0 : i32
    %dma_start3A_8 = arith.constant 0 : i32
    %dma_start3A_9 = arith.constant 0 : i32
    %dma_start3A_10 = tpu.memref_slice %arg12[%dma_start3A, %dma_start3A_8, %dma_start3A_9] : memref<4x80x64xf32, #tpu.memory_space<vmem>> -> memref<1x80x64xf32, #tpu.memory_space<vmem>>
    %dma_start3A_11 = tpu.memref_squeeze %dma_start3A_10 : memref<1x80x64xf32, #tpu.memory_space<vmem>> -> memref<80x64xf32, #tpu.memory_space<vmem>>
    %dma_start3A_12 = arith.constant 64 : i32
    %dma_start3A_13 = tpu.memref_slice %arg3[%add3A_6, %dma_start3A_12] : memref<320000x128xf32, #tpu.memory_space<hbm>> -> memref<80x64xf32, #tpu.memory_space<hbm>>
    %dma_start3A_14 = tpu.memref_slice %arg14[%dma_start3A_7] : memref<4x!tpu.dma_semaphore, #tpu.memory_space<semaphore_mem>> -> memref<1x!tpu.dma_semaphore, #tpu.memory_space<semaphore_mem>>
    %dma_start3A_15 = tpu.memref_squeeze %dma_start3A_14 : memref<1x!tpu.dma_semaphore, #tpu.memory_space<semaphore_mem>> -> memref<!tpu.dma_semaphore, #tpu.memory_space<semaphore_mem>>
    %dma_start3A_16 = arith.constant 0 : i32
    %dma_start3A_17 = arith.constant 0 : i32
    %dma_start3A_18 = tpu.memref_slice %arg12[%dma_start3A, %dma_start3A_16, %dma_start3A_17] : memref<4x80x64xf32, #tpu.memory_space<vmem>> -> memref<1x80x64xf32, #tpu.memory_space<vmem>>
    %dma_start3A_19 = tpu.memref_squeeze %dma_start3A_18 : memref<1x80x64xf32, #tpu.memory_space<vmem>> -> memref<80x64xf32, #tpu.memory_space<vmem>>
    %dma_start3A_20 = arith.constant 64 : i32
    %dma_start3A_21 = tpu.memref_slice %arg3[%add3A_6, %dma_start3A_20] : memref<320000x128xf32, #tpu.memory_space<hbm>> -> memref<80x64xf32, #tpu.memory_space<hbm>>
    tpu.enqueue_dma source(%dma_start3A_21 : memref<80x64xf32, #tpu.memory_space<hbm>>) target(%dma_start3A_19 : memref<80x64xf32, #tpu.memory_space<vmem>>) target_semaphore(%dma_start3A_15 : memref<!tpu.dma_semaphore, #tpu.memory_space<semaphore_mem>>)
    %dma_start3A_22 = arith.constant 0 : i32
    %dma_start3A_23 = arith.constant 0 : i32
    %dma_start3A_24 = arith.constant 0 : i32
    %dma_start3A_25 = arith.constant 0 : i32
    %dma_start3A_26 = arith.constant 0 : i32
    %dma_start3A_27 = tpu.memref_slice %arg11[%dma_start3A_23, %dma_start3A_25, %dma_start3A_26] : memref<4x80x64xf32, #tpu.memory_space<vmem>> -> memref<1x80x64xf32, #tpu.memory_space<vmem>>
    %dma_start3A_28 = tpu.memref_squeeze %dma_start3A_27 : memref<1x80x64xf32, #tpu.memory_space<vmem>> -> memref<80x64xf32, #tpu.memory_space<vmem>>
    %dma_start3A_29 = arith.constant 0 : i32
    %dma_start3A_30 = tpu.memref_slice %arg9[%dma_start3A_22, %dma_start3A_29] : memref<125x80xi32, #tpu.memory_space<vmem>> -> memref<1x80xi32, #tpu.memory_space<vmem>>
    %dma_start3A_31 = tpu.memref_squeeze %dma_start3A_30 : memref<1x80xi32, #tpu.memory_space<vmem>> -> memref<80xi32, #tpu.memory_space<vmem>>
    %dma_start3A_32 = arith.constant 0 : i32
    %dma_start3A_33 = arith.constant 0 : i32
    %dma_start3A_34 = tpu.memref_slice %arg2[%dma_start3A_32, %dma_start3A_33] : memref<10112x64xf32, #tpu.memory_space<hbm>> -> memref<10112x64xf32, #tpu.memory_space<hbm>>
    %dma_start3A_35 = tpu.memref_slice %arg13[%dma_start3A_24] : memref<4x!tpu.dma_semaphore, #tpu.memory_space<semaphore_mem>> -> memref<1x!tpu.dma_semaphore, #tpu.memory_space<semaphore_mem>>
    %dma_start3A_36 = tpu.memref_squeeze %dma_start3A_35 : memref<1x!tpu.dma_semaphore, #tpu.memory_space<semaphore_mem>> -> memref<!tpu.dma_semaphore, #tpu.memory_space<semaphore_mem>>
    tpu.enqueue_indirect_dma source(%dma_start3A_34 : memref<10112x64xf32, #tpu.memory_space<hbm>>) target(%dma_start3A_28 : memref<80x64xf32, #tpu.memory_space<vmem>>) offsets(%dma_start3A_31 : memref<80xi32, #tpu.memory_space<vmem>>) semaphore(%dma_start3A_36 : memref<!tpu.dma_semaphore, #tpu.memory_space<semaphore_mem>>)
    %add3A_37 = arith.constant 80 : i32
    %add3A_38 = arith.addi %mul3A_4, %add3A_37 : i32
    %dma_start3A_39 = arith.constant 1 : i32
    %dma_start3A_40 = arith.constant 1 : i32
    %dma_start3A_41 = arith.constant 0 : i32
    %dma_start3A_42 = arith.constant 0 : i32
    %dma_start3A_43 = tpu.memref_slice %arg12[%dma_start3A_39, %dma_start3A_41, %dma_start3A_42] : memref<4x80x64xf32, #tpu.memory_space<vmem>> -> memref<1x80x64xf32, #tpu.memory_space<vmem>>
    %dma_start3A_44 = tpu.memref_squeeze %dma_start3A_43 : memref<1x80x64xf32, #tpu.memory_space<vmem>> -> memref<80x64xf32, #tpu.memory_space<vmem>>
    %dma_start3A_45 = arith.constant 64 : i32
    %dma_start3A_46 = tpu.memref_slice %arg3[%add3A_38, %dma_start3A_45] : memref<320000x128xf32, #tpu.memory_space<hbm>> -> memref<80x64xf32, #tpu.memory_space<hbm>>
    %dma_start3A_47 = tpu.memref_slice %arg14[%dma_start3A_40] : memref<4x!tpu.dma_semaphore, #tpu.memory_space<semaphore_mem>> -> memref<1x!tpu.dma_semaphore, #tpu.memory_space<semaphore_mem>>
    %dma_start3A_48 = tpu.memref_squeeze %dma_start3A_47 : memref<1x!tpu.dma_semaphore, #tpu.memory_space<semaphore_mem>> -> memref<!tpu.dma_semaphore, #tpu.memory_space<semaphore_mem>>
    %dma_start3A_49 = arith.constant 0 : i32
    %dma_start3A_50 = arith.constant 0 : i32
    %dma_start3A_51 = tpu.memref_slice %arg12[%dma_start3A_39, %dma_start3A_49, %dma_start3A_50] : memref<4x80x64xf32, #tpu.memory_space<vmem>> -> memref<1x80x64xf32, #tpu.memory_space<vmem>>
    %dma_start3A_52 = tpu.memref_squeeze %dma_start3A_51 : memref<1x80x64xf32, #tpu.memory_space<vmem>> -> memref<80x64xf32, #tpu.memory_space<vmem>>
    %dma_start3A_53 = arith.constant 64 : i32
    %dma_start3A_54 = tpu.memref_slice %arg3[%add3A_38, %dma_start3A_53] : memref<320000x128xf32, #tpu.memory_space<hbm>> -> memref<80x64xf32, #tpu.memory_space<hbm>>
    tpu.enqueue_dma source(%dma_start3A_54 : memref<80x64xf32, #tpu.memory_space<hbm>>) target(%dma_start3A_52 : memref<80x64xf32, #tpu.memory_space<vmem>>) target_semaphore(%dma_start3A_48 : memref<!tpu.dma_semaphore, #tpu.memory_space<semaphore_mem>>)
    %dma_start3A_55 = arith.constant 1 : i32
    %dma_start3A_56 = arith.constant 1 : i32
    %dma_start3A_57 = arith.constant 1 : i32
    %dma_start3A_58 = arith.constant 0 : i32
    %dma_start3A_59 = arith.constant 0 : i32
    %dma_start3A_60 = tpu.memref_slice %arg11[%dma_start3A_56, %dma_start3A_58, %dma_start3A_59] : memref<4x80x64xf32, #tpu.memory_space<vmem>> -> memref<1x80x64xf32, #tpu.memory_space<vmem>>
    %dma_start3A_61 = tpu.memref_squeeze %dma_start3A_60 : memref<1x80x64xf32, #tpu.memory_space<vmem>> -> memref<80x64xf32, #tpu.memory_space<vmem>>
    %dma_start3A_62 = arith.constant 0 : i32
    %dma_start3A_63 = tpu.memref_slice %arg9[%dma_start3A_55, %dma_start3A_62] : memref<125x80xi32, #tpu.memory_space<vmem>> -> memref<1x80xi32, #tpu.memory_space<vmem>>
    %dma_start3A_64 = tpu.memref_squeeze %dma_start3A_63 : memref<1x80xi32, #tpu.memory_space<vmem>> -> memref<80xi32, #tpu.memory_space<vmem>>
    %dma_start3A_65 = arith.constant 0 : i32
    %dma_start3A_66 = arith.constant 0 : i32
    %dma_start3A_67 = tpu.memref_slice %arg2[%dma_start3A_65, %dma_start3A_66] : memref<10112x64xf32, #tpu.memory_space<hbm>> -> memref<10112x64xf32, #tpu.memory_space<hbm>>
    %dma_start3A_68 = tpu.memref_slice %arg13[%dma_start3A_57] : memref<4x!tpu.dma_semaphore, #tpu.memory_space<semaphore_mem>> -> memref<1x!tpu.dma_semaphore, #tpu.memory_space<semaphore_mem>>
    %dma_start3A_69 = tpu.memref_squeeze %dma_start3A_68 : memref<1x!tpu.dma_semaphore, #tpu.memory_space<semaphore_mem>> -> memref<!tpu.dma_semaphore, #tpu.memory_space<semaphore_mem>>
    tpu.enqueue_indirect_dma source(%dma_start3A_67 : memref<10112x64xf32, #tpu.memory_space<hbm>>) target(%dma_start3A_61 : memref<80x64xf32, #tpu.memory_space<vmem>>) offsets(%dma_start3A_64 : memref<80xi32, #tpu.memory_space<vmem>>) semaphore(%dma_start3A_69 : memref<!tpu.dma_semaphore, #tpu.memory_space<semaphore_mem>>)
    %scan3A = arith.constant 0 : i32
    %scan3A_70 = arith.constant 125 : i32
    %scan3A_71 = arith.addi %scan3A, %scan3A_70 : i32
    %scan3A_72 = arith.constant 1 : i32
    scf.for %scan3A_104 = %scan3A to %scan3A_71 step %scan3A_72  : i32 {
      %mul3A_105 = arith.constant 1 : i32
      %mul3A_106 = arith.muli %scan3A_104, %mul3A_105 : i32
      %add3A_107 = arith.constant 0 : i32
      %add3A_108 = arith.addi %add3A_107, %mul3A_106 : i32
      %rem3A = arith.constant 4 : i32
      %rem3A_109 = arith.remsi %add3A_108, %rem3A : i32
      %add3A_110 = arith.constant 2 : i32
      %add3A_111 = arith.addi %add3A_108, %add3A_110 : i32
      %rem3A_112 = arith.constant 4 : i32
      %rem3A_113 = arith.remsi %add3A_111, %rem3A_112 : i32
      %ge3A = arith.constant 2 : i32
      %ge3A_114 = arith.cmpi sge, %add3A_108, %ge3A : i32
      %convert_element_type3A = arith.extui %ge3A_114 : i1 to i32
      %cond3A = arith.constant 0 : i32
      %cond3A_115 = arith.cmpi ne, %convert_element_type3A, %cond3A : i32
      scf.if %cond3A_115 {
        %sub3A = arith.constant 2 : i32
        %sub3A_166 = arith.subi %add3A_108, %sub3A : i32
        %dma_wait3A_167 = arith.constant 0 : i32
        %dma_wait3A_168 = arith.constant 0 : i32
        %dma_wait3A_169 = tpu.memref_slice %arg11[%rem3A_113, %dma_wait3A_167, %dma_wait3A_168] : memref<4x80x64xf32, #tpu.memory_space<vmem>> -> memref<1x80x64xf32, #tpu.memory_space<vmem>>
        %dma_wait3A_170 = tpu.memref_squeeze %dma_wait3A_169 : memref<1x80x64xf32, #tpu.memory_space<vmem>> -> memref<80x64xf32, #tpu.memory_space<vmem>>
        %dma_wait3A_171 = arith.constant 0 : i32
        %dma_wait3A_172 = tpu.memref_slice %arg10[%sub3A_166, %dma_wait3A_171] : memref<125x80xi32, #tpu.memory_space<vmem>> -> memref<1x80xi32, #tpu.memory_space<vmem>>
        %dma_wait3A_173 = tpu.memref_squeeze %dma_wait3A_172 : memref<1x80xi32, #tpu.memory_space<vmem>> -> memref<80xi32, #tpu.memory_space<vmem>>
        %dma_wait3A_174 = arith.constant 0 : i32
        %dma_wait3A_175 = arith.constant 0 : i32
        %dma_wait3A_176 = tpu.memref_slice %arg8[%dma_wait3A_174, %dma_wait3A_175] : memref<10112x64xf32, #tpu.memory_space<vmem_shared>> -> memref<10112x64xf32, #tpu.memory_space<vmem_shared>>
        %dma_wait3A_177 = tpu.memref_slice %arg15[%rem3A_113] : memref<4x!tpu.dma_semaphore, #tpu.memory_space<semaphore_mem>> -> memref<1x!tpu.dma_semaphore, #tpu.memory_space<semaphore_mem>>
        %dma_wait3A_178 = tpu.memref_squeeze %dma_wait3A_177 : memref<1x!tpu.dma_semaphore, #tpu.memory_space<semaphore_mem>> -> memref<!tpu.dma_semaphore, #tpu.memory_space<semaphore_mem>>
        tpu.wait_indirect_dma semaphore(%dma_wait3A_178 : memref<!tpu.dma_semaphore, #tpu.memory_space<semaphore_mem>>) src(%dma_wait3A_170 : memref<80x64xf32, #tpu.memory_space<vmem>>) dst(%dma_wait3A_176 : memref<10112x64xf32, #tpu.memory_space<vmem_shared>>)
      } else {
      }
      %lt3A = arith.constant 123 : i32
      %lt3A_116 = arith.cmpi slt, %add3A_108, %lt3A : i32
      %convert_element_type3A_117 = arith.extui %lt3A_116 : i1 to i32
      %cond3A_118 = arith.constant 0 : i32
      %cond3A_119 = arith.cmpi ne, %convert_element_type3A_117, %cond3A_118 : i32
      scf.if %cond3A_119 {
        %add3A_166 = arith.constant 2 : i32
        %add3A_167 = arith.addi %add3A_108, %add3A_166 : i32
        %mul3A_168 = arith.constant 80 : i32
        %mul3A_169 = arith.muli %add3A_167, %mul3A_168 : i32
        %add3A_170 = arith.addi %mul3A_4, %mul3A_169 : i32
        %dma_start3A_171 = arith.constant 0 : i32
        %dma_start3A_172 = arith.constant 0 : i32
        %dma_start3A_173 = tpu.memref_slice %arg12[%rem3A_113, %dma_start3A_171, %dma_start3A_172] : memref<4x80x64xf32, #tpu.memory_space<vmem>> -> memref<1x80x64xf32, #tpu.memory_space<vmem>>
        %dma_start3A_174 = tpu.memref_squeeze %dma_start3A_173 : memref<1x80x64xf32, #tpu.memory_space<vmem>> -> memref<80x64xf32, #tpu.memory_space<vmem>>
        %dma_start3A_175 = arith.constant 64 : i32
        %dma_start3A_176 = tpu.memref_slice %arg3[%add3A_170, %dma_start3A_175] : memref<320000x128xf32, #tpu.memory_space<hbm>> -> memref<80x64xf32, #tpu.memory_space<hbm>>
        %dma_start3A_177 = tpu.memref_slice %arg14[%rem3A_113] : memref<4x!tpu.dma_semaphore, #tpu.memory_space<semaphore_mem>> -> memref<1x!tpu.dma_semaphore, #tpu.memory_space<semaphore_mem>>
        %dma_start3A_178 = tpu.memref_squeeze %dma_start3A_177 : memref<1x!tpu.dma_semaphore, #tpu.memory_space<semaphore_mem>> -> memref<!tpu.dma_semaphore, #tpu.memory_space<semaphore_mem>>
        %dma_start3A_179 = arith.constant 0 : i32
        %dma_start3A_180 = arith.constant 0 : i32
        %dma_start3A_181 = tpu.memref_slice %arg12[%rem3A_113, %dma_start3A_179, %dma_start3A_180] : memref<4x80x64xf32, #tpu.memory_space<vmem>> -> memref<1x80x64xf32, #tpu.memory_space<vmem>>
        %dma_start3A_182 = tpu.memref_squeeze %dma_start3A_181 : memref<1x80x64xf32, #tpu.memory_space<vmem>> -> memref<80x64xf32, #tpu.memory_space<vmem>>
        %dma_start3A_183 = arith.constant 64 : i32
        %dma_start3A_184 = tpu.memref_slice %arg3[%add3A_170, %dma_start3A_183] : memref<320000x128xf32, #tpu.memory_space<hbm>> -> memref<80x64xf32, #tpu.memory_space<hbm>>
        tpu.enqueue_dma source(%dma_start3A_184 : memref<80x64xf32, #tpu.memory_space<hbm>>) target(%dma_start3A_182 : memref<80x64xf32, #tpu.memory_space<vmem>>) target_semaphore(%dma_start3A_178 : memref<!tpu.dma_semaphore, #tpu.memory_space<semaphore_mem>>)
        %dma_start3A_185 = arith.constant 0 : i32
        %dma_start3A_186 = arith.constant 0 : i32
        %dma_start3A_187 = tpu.memref_slice %arg11[%rem3A_113, %dma_start3A_185, %dma_start3A_186] : memref<4x80x64xf32, #tpu.memory_space<vmem>> -> memref<1x80x64xf32, #tpu.memory_space<vmem>>
        %dma_start3A_188 = tpu.memref_squeeze %dma_start3A_187 : memref<1x80x64xf32, #tpu.memory_space<vmem>> -> memref<80x64xf32, #tpu.memory_space<vmem>>
        %dma_start3A_189 = arith.constant 0 : i32
        %dma_start3A_190 = tpu.memref_slice %arg9[%add3A_167, %dma_start3A_189] : memref<125x80xi32, #tpu.memory_space<vmem>> -> memref<1x80xi32, #tpu.memory_space<vmem>>
        %dma_start3A_191 = tpu.memref_squeeze %dma_start3A_190 : memref<1x80xi32, #tpu.memory_space<vmem>> -> memref<80xi32, #tpu.memory_space<vmem>>
        %dma_start3A_192 = arith.constant 0 : i32
        %dma_start3A_193 = arith.constant 0 : i32
        %dma_start3A_194 = tpu.memref_slice %arg2[%dma_start3A_192, %dma_start3A_193] : memref<10112x64xf32, #tpu.memory_space<hbm>> -> memref<10112x64xf32, #tpu.memory_space<hbm>>
        %dma_start3A_195 = tpu.memref_slice %arg13[%rem3A_113] : memref<4x!tpu.dma_semaphore, #tpu.memory_space<semaphore_mem>> -> memref<1x!tpu.dma_semaphore, #tpu.memory_space<semaphore_mem>>
        %dma_start3A_196 = tpu.memref_squeeze %dma_start3A_195 : memref<1x!tpu.dma_semaphore, #tpu.memory_space<semaphore_mem>> -> memref<!tpu.dma_semaphore, #tpu.memory_space<semaphore_mem>>
        tpu.enqueue_indirect_dma source(%dma_start3A_194 : memref<10112x64xf32, #tpu.memory_space<hbm>>) target(%dma_start3A_188 : memref<80x64xf32, #tpu.memory_space<vmem>>) offsets(%dma_start3A_191 : memref<80xi32, #tpu.memory_space<vmem>>) semaphore(%dma_start3A_196 : memref<!tpu.dma_semaphore, #tpu.memory_space<semaphore_mem>>)
      } else {
      }
      %mul3A_120 = arith.constant 80 : i32
      %mul3A_121 = arith.muli %add3A_108, %mul3A_120 : i32
      %add3A_122 = arith.addi %mul3A_4, %mul3A_121 : i32
      %dma_wait3A_123 = arith.constant 0 : i32
      %dma_wait3A_124 = arith.constant 0 : i32
      %dma_wait3A_125 = tpu.memref_slice %arg12[%rem3A_109, %dma_wait3A_123, %dma_wait3A_124] : memref<4x80x64xf32, #tpu.memory_space<vmem>> -> memref<1x80x64xf32, #tpu.memory_space<vmem>>
      %dma_wait3A_126 = tpu.memref_squeeze %dma_wait3A_125 : memref<1x80x64xf32, #tpu.memory_space<vmem>> -> memref<80x64xf32, #tpu.memory_space<vmem>>
      %dma_wait3A_127 = arith.constant 64 : i32
      %dma_wait3A_128 = tpu.memref_slice %arg3[%add3A_122, %dma_wait3A_127] : memref<320000x128xf32, #tpu.memory_space<hbm>> -> memref<80x64xf32, #tpu.memory_space<hbm>>
      %dma_wait3A_129 = tpu.memref_slice %arg14[%rem3A_109] : memref<4x!tpu.dma_semaphore, #tpu.memory_space<semaphore_mem>> -> memref<1x!tpu.dma_semaphore, #tpu.memory_space<semaphore_mem>>
      %dma_wait3A_130 = tpu.memref_squeeze %dma_wait3A_129 : memref<1x!tpu.dma_semaphore, #tpu.memory_space<semaphore_mem>> -> memref<!tpu.dma_semaphore, #tpu.memory_space<semaphore_mem>>
      %dma_wait3A_131 = arith.constant 0 : i32
      %dma_wait3A_132 = arith.constant 0 : i32
      %dma_wait3A_133 = tpu.memref_slice %arg12[%rem3A_109, %dma_wait3A_131, %dma_wait3A_132] : memref<4x80x64xf32, #tpu.memory_space<vmem>> -> memref<1x80x64xf32, #tpu.memory_space<vmem>>
      %dma_wait3A_134 = tpu.memref_squeeze %dma_wait3A_133 : memref<1x80x64xf32, #tpu.memory_space<vmem>> -> memref<80x64xf32, #tpu.memory_space<vmem>>
      %dma_wait3A_135 = arith.constant 64 : i32
      %dma_wait3A_136 = tpu.memref_slice %arg3[%add3A_122, %dma_wait3A_135] : memref<320000x128xf32, #tpu.memory_space<hbm>> -> memref<80x64xf32, #tpu.memory_space<hbm>>
      tpu.wait_dma2 semaphore(%dma_wait3A_130 : memref<!tpu.dma_semaphore, #tpu.memory_space<semaphore_mem>>) src(%dma_wait3A_136 : memref<80x64xf32, #tpu.memory_space<hbm>>) dst(%dma_wait3A_134 : memref<80x64xf32, #tpu.memory_space<vmem>>)
      %dma_wait3A_137 = arith.constant 0 : i32
      %dma_wait3A_138 = arith.constant 0 : i32
      %dma_wait3A_139 = tpu.memref_slice %arg11[%rem3A_109, %dma_wait3A_137, %dma_wait3A_138] : memref<4x80x64xf32, #tpu.memory_space<vmem>> -> memref<1x80x64xf32, #tpu.memory_space<vmem>>
      %dma_wait3A_140 = tpu.memref_squeeze %dma_wait3A_139 : memref<1x80x64xf32, #tpu.memory_space<vmem>> -> memref<80x64xf32, #tpu.memory_space<vmem>>
      %dma_wait3A_141 = arith.constant 0 : i32
      %dma_wait3A_142 = tpu.memref_slice %arg9[%add3A_108, %dma_wait3A_141] : memref<125x80xi32, #tpu.memory_space<vmem>> -> memref<1x80xi32, #tpu.memory_space<vmem>>
      %dma_wait3A_143 = tpu.memref_squeeze %dma_wait3A_142 : memref<1x80xi32, #tpu.memory_space<vmem>> -> memref<80xi32, #tpu.memory_space<vmem>>
      %dma_wait3A_144 = arith.constant 0 : i32
      %dma_wait3A_145 = arith.constant 0 : i32
      %dma_wait3A_146 = tpu.memref_slice %arg2[%dma_wait3A_144, %dma_wait3A_145] : memref<10112x64xf32, #tpu.memory_space<hbm>> -> memref<10112x64xf32, #tpu.memory_space<hbm>>
      %dma_wait3A_147 = tpu.memref_slice %arg13[%rem3A_109] : memref<4x!tpu.dma_semaphore, #tpu.memory_space<semaphore_mem>> -> memref<1x!tpu.dma_semaphore, #tpu.memory_space<semaphore_mem>>
      %dma_wait3A_148 = tpu.memref_squeeze %dma_wait3A_147 : memref<1x!tpu.dma_semaphore, #tpu.memory_space<semaphore_mem>> -> memref<!tpu.dma_semaphore, #tpu.memory_space<semaphore_mem>>
      tpu.wait_indirect_dma semaphore(%dma_wait3A_148 : memref<!tpu.dma_semaphore, #tpu.memory_space<semaphore_mem>>) src(%dma_wait3A_146 : memref<10112x64xf32, #tpu.memory_space<hbm>>) dst(%dma_wait3A_140 : memref<80x64xf32, #tpu.memory_space<vmem>>)
      %scan3A_149 = arith.constant 0 : i32
      %scan3A_150 = arith.constant 80 : i32
      %scan3A_151 = arith.addi %scan3A_149, %scan3A_150 : i32
      %scan3A_152 = arith.constant 4 : i32
      scf.for %scan3A_166 = %scan3A_149 to %scan3A_151 step %scan3A_152  : i32 {
        %mul3A_167 = arith.constant 1 : i32
        %mul3A_168 = arith.muli %scan3A_166, %mul3A_167 : i32
        %add3A_169 = arith.constant 0 : i32
        %add3A_170 = arith.addi %add3A_169, %mul3A_168 : i32
        %get3A = arith.index_cast %rem3A_109 : i32 to index
        %get3A_171 = arith.index_cast %add3A_170 : i32 to index
        %get3A_172 = arith.constant 0 : index
        %get3A_173 = tpu.vector_load %arg11[%get3A, %get3A_171, %get3A_172] {strides = array<i32>} : memref<4x80x64xf32, #tpu.memory_space<vmem>>, vector<1x1x16xf32>,
        %get3A_174 = vector.shape_cast %get3A_173 : vector<1x1x16xf32> to vector<16xf32>
        %get3A_175 = arith.index_cast %rem3A_109 : i32 to index
        %get3A_176 = arith.index_cast %add3A_170 : i32 to index
        %get3A_177 = arith.constant 0 : index
        %get3A_178 = tpu.vector_load %arg12[%get3A_175, %get3A_176, %get3A_177] {strides = array<i32>} : memref<4x80x64xf32, #tpu.memory_space<vmem>>, vector<1x1x16xf32>,
        %get3A_179 = vector.shape_cast %get3A_178 : vector<1x1x16xf32> to vector<16xf32>
        %add3A_180 = arith.addf %get3A_174, %get3A_179 : vector<16xf32>
        %max3A = arith.constant 0.000000e+00 : f32
        %max3A_181 = vector.broadcast %max3A : f32 to vector<16xf32>
        %max3A_182 = arith.maximumf %add3A_180, %max3A_181 : vector<16xf32>
        %swap3A = arith.index_cast %rem3A_109 : i32 to index
        %swap3A_183 = arith.index_cast %add3A_170 : i32 to index
        %swap3A_184 = arith.constant 0 : index
        %swap3A_185 = tpu.vector_load %arg11[%swap3A, %swap3A_183, %swap3A_184] {strides = array<i32>} : memref<4x80x64xf32, #tpu.memory_space<vmem>>, vector<1x1x16xf32>,
        %swap3A_186 = vector.shape_cast %swap3A_185 : vector<1x1x16xf32> to vector<16xf32>
        %swap3A_187 = vector.shape_cast %max3A_182 : vector<16xf32> to vector<1x1x16xf32>
        tpu.vector_store %arg11[%swap3A, %swap3A_183, %swap3A_184], %swap3A_187 {strides = array<i32>} : memref<4x80x64xf32, #tpu.memory_space<vmem>>, vector<1x1x16xf32>,
        %get3A_188 = arith.index_cast %rem3A_109 : i32 to index
        %get3A_189 = arith.index_cast %add3A_170 : i32 to index
        %get3A_190 = arith.constant 16 : index
        %get3A_191 = tpu.vector_load %arg11[%get3A_188, %get3A_189, %get3A_190] {strides = array<i32>} : memref<4x80x64xf32, #tpu.memory_space<vmem>>, vector<1x1x16xf32>,
        %get3A_192 = vector.shape_cast %get3A_191 : vector<1x1x16xf32> to vector<16xf32>
        %get3A_193 = arith.index_cast %rem3A_109 : i32 to index
        %get3A_194 = arith.index_cast %add3A_170 : i32 to index
        %get3A_195 = arith.constant 16 : index
        %get3A_196 = tpu.vector_load %arg12[%get3A_193, %get3A_194, %get3A_195] {strides = array<i32>} : memref<4x80x64xf32, #tpu.memory_space<vmem>>, vector<1x1x16xf32>,
        %get3A_197 = vector.shape_cast %get3A_196 : vector<1x1x16xf32> to vector<16xf32>
        %add3A_198 = arith.addf %get3A_192, %get3A_197 : vector<16xf32>
        %max3A_199 = arith.constant 0.000000e+00 : f32
        %max3A_200 = vector.broadcast %max3A_199 : f32 to vector<16xf32>
        %max3A_201 = arith.maximumf %add3A_198, %max3A_200 : vector<16xf32>
        %swap3A_202 = arith.index_cast %rem3A_109 : i32 to index
        %swap3A_203 = arith.index_cast %add3A_170 : i32 to index
        %swap3A_204 = arith.constant 16 : index
        %swap3A_205 = tpu.vector_load %arg11[%swap3A_202, %swap3A_203, %swap3A_204] {strides = array<i32>} : memref<4x80x64xf32, #tpu.memory_space<vmem>>, vector<1x1x16xf32>,
        %swap3A_206 = vector.shape_cast %swap3A_205 : vector<1x1x16xf32> to vector<16xf32>
        %swap3A_207 = vector.shape_cast %max3A_201 : vector<16xf32> to vector<1x1x16xf32>
        tpu.vector_store %arg11[%swap3A_202, %swap3A_203, %swap3A_204], %swap3A_207 {strides = array<i32>} : memref<4x80x64xf32, #tpu.memory_space<vmem>>, vector<1x1x16xf32>,
        %get3A_208 = arith.index_cast %rem3A_109 : i32 to index
        %get3A_209 = arith.index_cast %add3A_170 : i32 to index
        %get3A_210 = arith.constant 32 : index
        %get3A_211 = tpu.vector_load %arg11[%get3A_208, %get3A_209, %get3A_210] {strides = array<i32>} : memref<4x80x64xf32, #tpu.memory_space<vmem>>, vector<1x1x16xf32>,
        %get3A_212 = vector.shape_cast %get3A_211 : vector<1x1x16xf32> to vector<16xf32>
        %get3A_213 = arith.index_cast %rem3A_109 : i32 to index
        %get3A_214 = arith.index_cast %add3A_170 : i32 to index
        %get3A_215 = arith.constant 32 : index
        %get3A_216 = tpu.vector_load %arg12[%get3A_213, %get3A_214, %get3A_215] {strides = array<i32>} : memref<4x80x64xf32, #tpu.memory_space<vmem>>, vector<1x1x16xf32>,
        %get3A_217 = vector.shape_cast %get3A_216 : vector<1x1x16xf32> to vector<16xf32>
        %add3A_218 = arith.addf %get3A_212, %get3A_217 : vector<16xf32>
        %max3A_219 = arith.constant 0.000000e+00 : f32
        %max3A_220 = vector.broadcast %max3A_219 : f32 to vector<16xf32>
        %max3A_221 = arith.maximumf %add3A_218, %max3A_220 : vector<16xf32>
        %swap3A_222 = arith.index_cast %rem3A_109 : i32 to index
        %swap3A_223 = arith.index_cast %add3A_170 : i32 to index
        %swap3A_224 = arith.constant 32 : index
        %swap3A_225 = tpu.vector_load %arg11[%swap3A_222, %swap3A_223, %swap3A_224] {strides = array<i32>} : memref<4x80x64xf32, #tpu.memory_space<vmem>>, vector<1x1x16xf32>,
        %swap3A_226 = vector.shape_cast %swap3A_225 : vector<1x1x16xf32> to vector<16xf32>
        %swap3A_227 = vector.shape_cast %max3A_221 : vector<16xf32> to vector<1x1x16xf32>
        tpu.vector_store %arg11[%swap3A_222, %swap3A_223, %swap3A_224], %swap3A_227 {strides = array<i32>} : memref<4x80x64xf32, #tpu.memory_space<vmem>>, vector<1x1x16xf32>,
        %get3A_228 = arith.index_cast %rem3A_109 : i32 to index
        %get3A_229 = arith.index_cast %add3A_170 : i32 to index
        %get3A_230 = arith.constant 48 : index
        %get3A_231 = tpu.vector_load %arg11[%get3A_228, %get3A_229, %get3A_230] {strides = array<i32>} : memref<4x80x64xf32, #tpu.memory_space<vmem>>, vector<1x1x16xf32>,
        %get3A_232 = vector.shape_cast %get3A_231 : vector<1x1x16xf32> to vector<16xf32>
        %get3A_233 = arith.index_cast %rem3A_109 : i32 to index
        %get3A_234 = arith.index_cast %add3A_170 : i32 to index
        %get3A_235 = arith.constant 48 : index
        %get3A_236 = tpu.vector_load %arg12[%get3A_233, %get3A_234, %get3A_235] {strides = array<i32>} : memref<4x80x64xf32, #tpu.memory_space<vmem>>, vector<1x1x16xf32>,
        %get3A_237 = vector.shape_cast %get3A_236 : vector<1x1x16xf32> to vector<16xf32>
        %add3A_238 = arith.addf %get3A_232, %get3A_237 : vector<16xf32>
        %max3A_239 = arith.constant 0.000000e+00 : f32
        %max3A_240 = vector.broadcast %max3A_239 : f32 to vector<16xf32>
        %max3A_241 = arith.maximumf %add3A_238, %max3A_240 : vector<16xf32>
        %swap3A_242 = arith.index_cast %rem3A_109 : i32 to index
        %swap3A_243 = arith.index_cast %add3A_170 : i32 to index
        %swap3A_244 = arith.constant 48 : index
        %swap3A_245 = tpu.vector_load %arg11[%swap3A_242, %swap3A_243, %swap3A_244] {strides = array<i32>} : memref<4x80x64xf32, #tpu.memory_space<vmem>>, vector<1x1x16xf32>,
        %swap3A_246 = vector.shape_cast %swap3A_245 : vector<1x1x16xf32> to vector<16xf32>
        %swap3A_247 = vector.shape_cast %max3A_241 : vector<16xf32> to vector<1x1x16xf32>
        tpu.vector_store %arg11[%swap3A_242, %swap3A_243, %swap3A_244], %swap3A_247 {strides = array<i32>} : memref<4x80x64xf32, #tpu.memory_space<vmem>>, vector<1x1x16xf32>,
        %scan3A_248 = arith.constant 1 : i32
        %scan3A_249 = arith.addi %scan3A_166, %scan3A_248 : i32
        %mul3A_250 = arith.constant 1 : i32
        %mul3A_251 = arith.muli %scan3A_249, %mul3A_250 : i32
        %add3A_252 = arith.constant 0 : i32
        %add3A_253 = arith.addi %add3A_252, %mul3A_251 : i32
        %get3A_254 = arith.index_cast %rem3A_109 : i32 to index
        %get3A_255 = arith.index_cast %add3A_253 : i32 to index
        %get3A_256 = arith.constant 0 : index
        %get3A_257 = tpu.vector_load %arg11[%get3A_254, %get3A_255, %get3A_256] {strides = array<i32>} : memref<4x80x64xf32, #tpu.memory_space<vmem>>, vector<1x1x16xf32>,
        %get3A_258 = vector.shape_cast %get3A_257 : vector<1x1x16xf32> to vector<16xf32>
        %get3A_259 = arith.index_cast %rem3A_109 : i32 to index
        %get3A_260 = arith.index_cast %add3A_253 : i32 to index
        %get3A_261 = arith.constant 0 : index
        %get3A_262 = tpu.vector_load %arg12[%get3A_259, %get3A_260, %get3A_261] {strides = array<i32>} : memref<4x80x64xf32, #tpu.memory_space<vmem>>, vector<1x1x16xf32>,
        %get3A_263 = vector.shape_cast %get3A_262 : vector<1x1x16xf32> to vector<16xf32>
        %add3A_264 = arith.addf %get3A_258, %get3A_263 : vector<16xf32>
        %max3A_265 = arith.constant 0.000000e+00 : f32
        %max3A_266 = vector.broadcast %max3A_265 : f32 to vector<16xf32>
        %max3A_267 = arith.maximumf %add3A_264, %max3A_266 : vector<16xf32>
        %swap3A_268 = arith.index_cast %rem3A_109 : i32 to index
        %swap3A_269 = arith.index_cast %add3A_253 : i32 to index
        %swap3A_270 = arith.constant 0 : index
        %swap3A_271 = tpu.vector_load %arg11[%swap3A_268, %swap3A_269, %swap3A_270] {strides = array<i32>} : memref<4x80x64xf32, #tpu.memory_space<vmem>>, vector<1x1x16xf32>,
        %swap3A_272 = vector.shape_cast %swap3A_271 : vector<1x1x16xf32> to vector<16xf32>
        %swap3A_273 = vector.shape_cast %max3A_267 : vector<16xf32> to vector<1x1x16xf32>
        tpu.vector_store %arg11[%swap3A_268, %swap3A_269, %swap3A_270], %swap3A_273 {strides = array<i32>} : memref<4x80x64xf32, #tpu.memory_space<vmem>>, vector<1x1x16xf32>,
        %get3A_274 = arith.index_cast %rem3A_109 : i32 to index
        %get3A_275 = arith.index_cast %add3A_253 : i32 to index
        %get3A_276 = arith.constant 16 : index
        %get3A_277 = tpu.vector_load %arg11[%get3A_274, %get3A_275, %get3A_276] {strides = array<i32>} : memref<4x80x64xf32, #tpu.memory_space<vmem>>, vector<1x1x16xf32>,
        %get3A_278 = vector.shape_cast %get3A_277 : vector<1x1x16xf32> to vector<16xf32>
        %get3A_279 = arith.index_cast %rem3A_109 : i32 to index
        %get3A_280 = arith.index_cast %add3A_253 : i32 to index
        %get3A_281 = arith.constant 16 : index
        %get3A_282 = tpu.vector_load %arg12[%get3A_279, %get3A_280, %get3A_281] {strides = array<i32>} : memref<4x80x64xf32, #tpu.memory_space<vmem>>, vector<1x1x16xf32>,
        %get3A_283 = vector.shape_cast %get3A_282 : vector<1x1x16xf32> to vector<16xf32>
        %add3A_284 = arith.addf %get3A_278, %get3A_283 : vector<16xf32>
        %max3A_285 = arith.constant 0.000000e+00 : f32
        %max3A_286 = vector.broadcast %max3A_285 : f32 to vector<16xf32>
        %max3A_287 = arith.maximumf %add3A_284, %max3A_286 : vector<16xf32>
        %swap3A_288 = arith.index_cast %rem3A_109 : i32 to index
        %swap3A_289 = arith.index_cast %add3A_253 : i32 to index
        %swap3A_290 = arith.constant 16 : index
        %swap3A_291 = tpu.vector_load %arg11[%swap3A_288, %swap3A_289, %swap3A_290] {strides = array<i32>} : memref<4x80x64xf32, #tpu.memory_space<vmem>>, vector<1x1x16xf32>,
        %swap3A_292 = vector.shape_cast %swap3A_291 : vector<1x1x16xf32> to vector<16xf32>
        %swap3A_293 = vector.shape_cast %max3A_287 : vector<16xf32> to vector<1x1x16xf32>
        tpu.vector_store %arg11[%swap3A_288, %swap3A_289, %swap3A_290], %swap3A_293 {strides = array<i32>} : memref<4x80x64xf32, #tpu.memory_space<vmem>>, vector<1x1x16xf32>,
        %get3A_294 = arith.index_cast %rem3A_109 : i32 to index
        %get3A_295 = arith.index_cast %add3A_253 : i32 to index
        %get3A_296 = arith.constant 32 : index
        %get3A_297 = tpu.vector_load %arg11[%get3A_294, %get3A_295, %get3A_296] {strides = array<i32>} : memref<4x80x64xf32, #tpu.memory_space<vmem>>, vector<1x1x16xf32>,
        %get3A_298 = vector.shape_cast %get3A_297 : vector<1x1x16xf32> to vector<16xf32>
        %get3A_299 = arith.index_cast %rem3A_109 : i32 to index
        %get3A_300 = arith.index_cast %add3A_253 : i32 to index
        %get3A_301 = arith.constant 32 : index
        %get3A_302 = tpu.vector_load %arg12[%get3A_299, %get3A_300, %get3A_301] {strides = array<i32>} : memref<4x80x64xf32, #tpu.memory_space<vmem>>, vector<1x1x16xf32>,
        %get3A_303 = vector.shape_cast %get3A_302 : vector<1x1x16xf32> to vector<16xf32>
        %add3A_304 = arith.addf %get3A_298, %get3A_303 : vector<16xf32>
        %max3A_305 = arith.constant 0.000000e+00 : f32
        %max3A_306 = vector.broadcast %max3A_305 : f32 to vector<16xf32>
        %max3A_307 = arith.maximumf %add3A_304, %max3A_306 : vector<16xf32>
        %swap3A_308 = arith.index_cast %rem3A_109 : i32 to index
        %swap3A_309 = arith.index_cast %add3A_253 : i32 to index
        %swap3A_310 = arith.constant 32 : index
        %swap3A_311 = tpu.vector_load %arg11[%swap3A_308, %swap3A_309, %swap3A_310] {strides = array<i32>} : memref<4x80x64xf32, #tpu.memory_space<vmem>>, vector<1x1x16xf32>,
        %swap3A_312 = vector.shape_cast %swap3A_311 : vector<1x1x16xf32> to vector<16xf32>
        %swap3A_313 = vector.shape_cast %max3A_307 : vector<16xf32> to vector<1x1x16xf32>
        tpu.vector_store %arg11[%swap3A_308, %swap3A_309, %swap3A_310], %swap3A_313 {strides = array<i32>} : memref<4x80x64xf32, #tpu.memory_space<vmem>>, vector<1x1x16xf32>,
        %get3A_314 = arith.index_cast %rem3A_109 : i32 to index
        %get3A_315 = arith.index_cast %add3A_253 : i32 to index
        %get3A_316 = arith.constant 48 : index
        %get3A_317 = tpu.vector_load %arg11[%get3A_314, %get3A_315, %get3A_316] {strides = array<i32>} : memref<4x80x64xf32, #tpu.memory_space<vmem>>, vector<1x1x16xf32>,
        %get3A_318 = vector.shape_cast %get3A_317 : vector<1x1x16xf32> to vector<16xf32>
        %get3A_319 = arith.index_cast %rem3A_109 : i32 to index
        %get3A_320 = arith.index_cast %add3A_253 : i32 to index
        %get3A_321 = arith.constant 48 : index
        %get3A_322 = tpu.vector_load %arg12[%get3A_319, %get3A_320, %get3A_321] {strides = array<i32>} : memref<4x80x64xf32, #tpu.memory_space<vmem>>, vector<1x1x16xf32>,
        %get3A_323 = vector.shape_cast %get3A_322 : vector<1x1x16xf32> to vector<16xf32>
        %add3A_324 = arith.addf %get3A_318, %get3A_323 : vector<16xf32>
        %max3A_325 = arith.constant 0.000000e+00 : f32
        %max3A_326 = vector.broadcast %max3A_325 : f32 to vector<16xf32>
        %max3A_327 = arith.maximumf %add3A_324, %max3A_326 : vector<16xf32>
        %swap3A_328 = arith.index_cast %rem3A_109 : i32 to index
        %swap3A_329 = arith.index_cast %add3A_253 : i32 to index
        %swap3A_330 = arith.constant 48 : index
        %swap3A_331 = tpu.vector_load %arg11[%swap3A_328, %swap3A_329, %swap3A_330] {strides = array<i32>} : memref<4x80x64xf32, #tpu.memory_space<vmem>>, vector<1x1x16xf32>,
        %swap3A_332 = vector.shape_cast %swap3A_331 : vector<1x1x16xf32> to vector<16xf32>
        %swap3A_333 = vector.shape_cast %max3A_327 : vector<16xf32> to vector<1x1x16xf32>
        tpu.vector_store %arg11[%swap3A_328, %swap3A_329, %swap3A_330], %swap3A_333 {strides = array<i32>} : memref<4x80x64xf32, #tpu.memory_space<vmem>>, vector<1x1x16xf32>,
        %scan3A_334 = arith.constant 2 : i32
        %scan3A_335 = arith.addi %scan3A_166, %scan3A_334 : i32
        %mul3A_336 = arith.constant 1 : i32
        %mul3A_337 = arith.muli %scan3A_335, %mul3A_336 : i32
        %add3A_338 = arith.constant 0 : i32
        %add3A_339 = arith.addi %add3A_338, %mul3A_337 : i32
        %get3A_340 = arith.index_cast %rem3A_109 : i32 to index
        %get3A_341 = arith.index_cast %add3A_339 : i32 to index
        %get3A_342 = arith.constant 0 : index
        %get3A_343 = tpu.vector_load %arg11[%get3A_340, %get3A_341, %get3A_342] {strides = array<i32>} : memref<4x80x64xf32, #tpu.memory_space<vmem>>, vector<1x1x16xf32>,
        %get3A_344 = vector.shape_cast %get3A_343 : vector<1x1x16xf32> to vector<16xf32>
        %get3A_345 = arith.index_cast %rem3A_109 : i32 to index
        %get3A_346 = arith.index_cast %add3A_339 : i32 to index
        %get3A_347 = arith.constant 0 : index
        %get3A_348 = tpu.vector_load %arg12[%get3A_345, %get3A_346, %get3A_347] {strides = array<i32>} : memref<4x80x64xf32, #tpu.memory_space<vmem>>, vector<1x1x16xf32>,
        %get3A_349 = vector.shape_cast %get3A_348 : vector<1x1x16xf32> to vector<16xf32>
        %add3A_350 = arith.addf %get3A_344, %get3A_349 : vector<16xf32>
        %max3A_351 = arith.constant 0.000000e+00 : f32
        %max3A_352 = vector.broadcast %max3A_351 : f32 to vector<16xf32>
        %max3A_353 = arith.maximumf %add3A_350, %max3A_352 : vector<16xf32>
        %swap3A_354 = arith.index_cast %rem3A_109 : i32 to index
        %swap3A_355 = arith.index_cast %add3A_339 : i32 to index
        %swap3A_356 = arith.constant 0 : index
        %swap3A_357 = tpu.vector_load %arg11[%swap3A_354, %swap3A_355, %swap3A_356] {strides = array<i32>} : memref<4x80x64xf32, #tpu.memory_space<vmem>>, vector<1x1x16xf32>,
        %swap3A_358 = vector.shape_cast %swap3A_357 : vector<1x1x16xf32> to vector<16xf32>
        %swap3A_359 = vector.shape_cast %max3A_353 : vector<16xf32> to vector<1x1x16xf32>
        tpu.vector_store %arg11[%swap3A_354, %swap3A_355, %swap3A_356], %swap3A_359 {strides = array<i32>} : memref<4x80x64xf32, #tpu.memory_space<vmem>>, vector<1x1x16xf32>,
        %get3A_360 = arith.index_cast %rem3A_109 : i32 to index
        %get3A_361 = arith.index_cast %add3A_339 : i32 to index
        %get3A_362 = arith.constant 16 : index
        %get3A_363 = tpu.vector_load %arg11[%get3A_360, %get3A_361, %get3A_362] {strides = array<i32>} : memref<4x80x64xf32, #tpu.memory_space<vmem>>, vector<1x1x16xf32>,
        %get3A_364 = vector.shape_cast %get3A_363 : vector<1x1x16xf32> to vector<16xf32>
        %get3A_365 = arith.index_cast %rem3A_109 : i32 to index
        %get3A_366 = arith.index_cast %add3A_339 : i32 to index
        %get3A_367 = arith.constant 16 : index
        %get3A_368 = tpu.vector_load %arg12[%get3A_365, %get3A_366, %get3A_367] {strides = array<i32>} : memref<4x80x64xf32, #tpu.memory_space<vmem>>, vector<1x1x16xf32>,
        %get3A_369 = vector.shape_cast %get3A_368 : vector<1x1x16xf32> to vector<16xf32>
        %add3A_370 = arith.addf %get3A_364, %get3A_369 : vector<16xf32>
        %max3A_371 = arith.constant 0.000000e+00 : f32
        %max3A_372 = vector.broadcast %max3A_371 : f32 to vector<16xf32>
        %max3A_373 = arith.maximumf %add3A_370, %max3A_372 : vector<16xf32>
        %swap3A_374 = arith.index_cast %rem3A_109 : i32 to index
        %swap3A_375 = arith.index_cast %add3A_339 : i32 to index
        %swap3A_376 = arith.constant 16 : index
        %swap3A_377 = tpu.vector_load %arg11[%swap3A_374, %swap3A_375, %swap3A_376] {strides = array<i32>} : memref<4x80x64xf32, #tpu.memory_space<vmem>>, vector<1x1x16xf32>,
        %swap3A_378 = vector.shape_cast %swap3A_377 : vector<1x1x16xf32> to vector<16xf32>
        %swap3A_379 = vector.shape_cast %max3A_373 : vector<16xf32> to vector<1x1x16xf32>
        tpu.vector_store %arg11[%swap3A_374, %swap3A_375, %swap3A_376], %swap3A_379 {strides = array<i32>} : memref<4x80x64xf32, #tpu.memory_space<vmem>>, vector<1x1x16xf32>,
        %get3A_380 = arith.index_cast %rem3A_109 : i32 to index
        %get3A_381 = arith.index_cast %add3A_339 : i32 to index
        %get3A_382 = arith.constant 32 : index
        %get3A_383 = tpu.vector_load %arg11[%get3A_380, %get3A_381, %get3A_382] {strides = array<i32>} : memref<4x80x64xf32, #tpu.memory_space<vmem>>, vector<1x1x16xf32>,
        %get3A_384 = vector.shape_cast %get3A_383 : vector<1x1x16xf32> to vector<16xf32>
        %get3A_385 = arith.index_cast %rem3A_109 : i32 to index
        %get3A_386 = arith.index_cast %add3A_339 : i32 to index
        %get3A_387 = arith.constant 32 : index
        %get3A_388 = tpu.vector_load %arg12[%get3A_385, %get3A_386, %get3A_387] {strides = array<i32>} : memref<4x80x64xf32, #tpu.memory_space<vmem>>, vector<1x1x16xf32>,
        %get3A_389 = vector.shape_cast %get3A_388 : vector<1x1x16xf32> to vector<16xf32>
        %add3A_390 = arith.addf %get3A_384, %get3A_389 : vector<16xf32>
        %max3A_391 = arith.constant 0.000000e+00 : f32
        %max3A_392 = vector.broadcast %max3A_391 : f32 to vector<16xf32>
        %max3A_393 = arith.maximumf %add3A_390, %max3A_392 : vector<16xf32>
        %swap3A_394 = arith.index_cast %rem3A_109 : i32 to index
        %swap3A_395 = arith.index_cast %add3A_339 : i32 to index
        %swap3A_396 = arith.constant 32 : index
        %swap3A_397 = tpu.vector_load %arg11[%swap3A_394, %swap3A_395, %swap3A_396] {strides = array<i32>} : memref<4x80x64xf32, #tpu.memory_space<vmem>>, vector<1x1x16xf32>,
        %swap3A_398 = vector.shape_cast %swap3A_397 : vector<1x1x16xf32> to vector<16xf32>
        %swap3A_399 = vector.shape_cast %max3A_393 : vector<16xf32> to vector<1x1x16xf32>
        tpu.vector_store %arg11[%swap3A_394, %swap3A_395, %swap3A_396], %swap3A_399 {strides = array<i32>} : memref<4x80x64xf32, #tpu.memory_space<vmem>>, vector<1x1x16xf32>,
        %get3A_400 = arith.index_cast %rem3A_109 : i32 to index
        %get3A_401 = arith.index_cast %add3A_339 : i32 to index
        %get3A_402 = arith.constant 48 : index
        %get3A_403 = tpu.vector_load %arg11[%get3A_400, %get3A_401, %get3A_402] {strides = array<i32>} : memref<4x80x64xf32, #tpu.memory_space<vmem>>, vector<1x1x16xf32>,
        %get3A_404 = vector.shape_cast %get3A_403 : vector<1x1x16xf32> to vector<16xf32>
        %get3A_405 = arith.index_cast %rem3A_109 : i32 to index
        %get3A_406 = arith.index_cast %add3A_339 : i32 to index
        %get3A_407 = arith.constant 48 : index
        %get3A_408 = tpu.vector_load %arg12[%get3A_405, %get3A_406, %get3A_407] {strides = array<i32>} : memref<4x80x64xf32, #tpu.memory_space<vmem>>, vector<1x1x16xf32>,
        %get3A_409 = vector.shape_cast %get3A_408 : vector<1x1x16xf32> to vector<16xf32>
        %add3A_410 = arith.addf %get3A_404, %get3A_409 : vector<16xf32>
        %max3A_411 = arith.constant 0.000000e+00 : f32
        %max3A_412 = vector.broadcast %max3A_411 : f32 to vector<16xf32>
        %max3A_413 = arith.maximumf %add3A_410, %max3A_412 : vector<16xf32>
        %swap3A_414 = arith.index_cast %rem3A_109 : i32 to index
        %swap3A_415 = arith.index_cast %add3A_339 : i32 to index
        %swap3A_416 = arith.constant 48 : index
        %swap3A_417 = tpu.vector_load %arg11[%swap3A_414, %swap3A_415, %swap3A_416] {strides = array<i32>} : memref<4x80x64xf32, #tpu.memory_space<vmem>>, vector<1x1x16xf32>,
        %swap3A_418 = vector.shape_cast %swap3A_417 : vector<1x1x16xf32> to vector<16xf32>
        %swap3A_419 = vector.shape_cast %max3A_413 : vector<16xf32> to vector<1x1x16xf32>
        tpu.vector_store %arg11[%swap3A_414, %swap3A_415, %swap3A_416], %swap3A_419 {strides = array<i32>} : memref<4x80x64xf32, #tpu.memory_space<vmem>>, vector<1x1x16xf32>,
        %scan3A_420 = arith.constant 3 : i32
        %scan3A_421 = arith.addi %scan3A_166, %scan3A_420 : i32
        %mul3A_422 = arith.constant 1 : i32
        %mul3A_423 = arith.muli %scan3A_421, %mul3A_422 : i32
        %add3A_424 = arith.constant 0 : i32
        %add3A_425 = arith.addi %add3A_424, %mul3A_423 : i32
        %get3A_426 = arith.index_cast %rem3A_109 : i32 to index
        %get3A_427 = arith.index_cast %add3A_425 : i32 to index
        %get3A_428 = arith.constant 0 : index
        %get3A_429 = tpu.vector_load %arg11[%get3A_426, %get3A_427, %get3A_428] {strides = array<i32>} : memref<4x80x64xf32, #tpu.memory_space<vmem>>, vector<1x1x16xf32>,
        %get3A_430 = vector.shape_cast %get3A_429 : vector<1x1x16xf32> to vector<16xf32>
        %get3A_431 = arith.index_cast %rem3A_109 : i32 to index
        %get3A_432 = arith.index_cast %add3A_425 : i32 to index
        %get3A_433 = arith.constant 0 : index
        %get3A_434 = tpu.vector_load %arg12[%get3A_431, %get3A_432, %get3A_433] {strides = array<i32>} : memref<4x80x64xf32, #tpu.memory_space<vmem>>, vector<1x1x16xf32>,
        %get3A_435 = vector.shape_cast %get3A_434 : vector<1x1x16xf32> to vector<16xf32>
        %add3A_436 = arith.addf %get3A_430, %get3A_435 : vector<16xf32>
        %max3A_437 = arith.constant 0.000000e+00 : f32
        %max3A_438 = vector.broadcast %max3A_437 : f32 to vector<16xf32>
        %max3A_439 = arith.maximumf %add3A_436, %max3A_438 : vector<16xf32>
        %swap3A_440 = arith.index_cast %rem3A_109 : i32 to index
        %swap3A_441 = arith.index_cast %add3A_425 : i32 to index
        %swap3A_442 = arith.constant 0 : index
        %swap3A_443 = tpu.vector_load %arg11[%swap3A_440, %swap3A_441, %swap3A_442] {strides = array<i32>} : memref<4x80x64xf32, #tpu.memory_space<vmem>>, vector<1x1x16xf32>,
        %swap3A_444 = vector.shape_cast %swap3A_443 : vector<1x1x16xf32> to vector<16xf32>
        %swap3A_445 = vector.shape_cast %max3A_439 : vector<16xf32> to vector<1x1x16xf32>
        tpu.vector_store %arg11[%swap3A_440, %swap3A_441, %swap3A_442], %swap3A_445 {strides = array<i32>} : memref<4x80x64xf32, #tpu.memory_space<vmem>>, vector<1x1x16xf32>,
        %get3A_446 = arith.index_cast %rem3A_109 : i32 to index
        %get3A_447 = arith.index_cast %add3A_425 : i32 to index
        %get3A_448 = arith.constant 16 : index
        %get3A_449 = tpu.vector_load %arg11[%get3A_446, %get3A_447, %get3A_448] {strides = array<i32>} : memref<4x80x64xf32, #tpu.memory_space<vmem>>, vector<1x1x16xf32>,
        %get3A_450 = vector.shape_cast %get3A_449 : vector<1x1x16xf32> to vector<16xf32>
        %get3A_451 = arith.index_cast %rem3A_109 : i32 to index
        %get3A_452 = arith.index_cast %add3A_425 : i32 to index
        %get3A_453 = arith.constant 16 : index
        %get3A_454 = tpu.vector_load %arg12[%get3A_451, %get3A_452, %get3A_453] {strides = array<i32>} : memref<4x80x64xf32, #tpu.memory_space<vmem>>, vector<1x1x16xf32>,
        %get3A_455 = vector.shape_cast %get3A_454 : vector<1x1x16xf32> to vector<16xf32>
        %add3A_456 = arith.addf %get3A_450, %get3A_455 : vector<16xf32>
        %max3A_457 = arith.constant 0.000000e+00 : f32
        %max3A_458 = vector.broadcast %max3A_457 : f32 to vector<16xf32>
        %max3A_459 = arith.maximumf %add3A_456, %max3A_458 : vector<16xf32>
        %swap3A_460 = arith.index_cast %rem3A_109 : i32 to index
        %swap3A_461 = arith.index_cast %add3A_425 : i32 to index
        %swap3A_462 = arith.constant 16 : index
        %swap3A_463 = tpu.vector_load %arg11[%swap3A_460, %swap3A_461, %swap3A_462] {strides = array<i32>} : memref<4x80x64xf32, #tpu.memory_space<vmem>>, vector<1x1x16xf32>,
        %swap3A_464 = vector.shape_cast %swap3A_463 : vector<1x1x16xf32> to vector<16xf32>
        %swap3A_465 = vector.shape_cast %max3A_459 : vector<16xf32> to vector<1x1x16xf32>
        tpu.vector_store %arg11[%swap3A_460, %swap3A_461, %swap3A_462], %swap3A_465 {strides = array<i32>} : memref<4x80x64xf32, #tpu.memory_space<vmem>>, vector<1x1x16xf32>,
        %get3A_466 = arith.index_cast %rem3A_109 : i32 to index
        %get3A_467 = arith.index_cast %add3A_425 : i32 to index
        %get3A_468 = arith.constant 32 : index
        %get3A_469 = tpu.vector_load %arg11[%get3A_466, %get3A_467, %get3A_468] {strides = array<i32>} : memref<4x80x64xf32, #tpu.memory_space<vmem>>, vector<1x1x16xf32>,
        %get3A_470 = vector.shape_cast %get3A_469 : vector<1x1x16xf32> to vector<16xf32>
        %get3A_471 = arith.index_cast %rem3A_109 : i32 to index
        %get3A_472 = arith.index_cast %add3A_425 : i32 to index
        %get3A_473 = arith.constant 32 : index
        %get3A_474 = tpu.vector_load %arg12[%get3A_471, %get3A_472, %get3A_473] {strides = array<i32>} : memref<4x80x64xf32, #tpu.memory_space<vmem>>, vector<1x1x16xf32>,
        %get3A_475 = vector.shape_cast %get3A_474 : vector<1x1x16xf32> to vector<16xf32>
        %add3A_476 = arith.addf %get3A_470, %get3A_475 : vector<16xf32>
        %max3A_477 = arith.constant 0.000000e+00 : f32
        %max3A_478 = vector.broadcast %max3A_477 : f32 to vector<16xf32>
        %max3A_479 = arith.maximumf %add3A_476, %max3A_478 : vector<16xf32>
        %swap3A_480 = arith.index_cast %rem3A_109 : i32 to index
        %swap3A_481 = arith.index_cast %add3A_425 : i32 to index
        %swap3A_482 = arith.constant 32 : index
        %swap3A_483 = tpu.vector_load %arg11[%swap3A_480, %swap3A_481, %swap3A_482] {strides = array<i32>} : memref<4x80x64xf32, #tpu.memory_space<vmem>>, vector<1x1x16xf32>,
        %swap3A_484 = vector.shape_cast %swap3A_483 : vector<1x1x16xf32> to vector<16xf32>
        %swap3A_485 = vector.shape_cast %max3A_479 : vector<16xf32> to vector<1x1x16xf32>
        tpu.vector_store %arg11[%swap3A_480, %swap3A_481, %swap3A_482], %swap3A_485 {strides = array<i32>} : memref<4x80x64xf32, #tpu.memory_space<vmem>>, vector<1x1x16xf32>,
        %get3A_486 = arith.index_cast %rem3A_109 : i32 to index
        %get3A_487 = arith.index_cast %add3A_425 : i32 to index
        %get3A_488 = arith.constant 48 : index
        %get3A_489 = tpu.vector_load %arg11[%get3A_486, %get3A_487, %get3A_488] {strides = array<i32>} : memref<4x80x64xf32, #tpu.memory_space<vmem>>, vector<1x1x16xf32>,
        %get3A_490 = vector.shape_cast %get3A_489 : vector<1x1x16xf32> to vector<16xf32>
        %get3A_491 = arith.index_cast %rem3A_109 : i32 to index
        %get3A_492 = arith.index_cast %add3A_425 : i32 to index
        %get3A_493 = arith.constant 48 : index
        %get3A_494 = tpu.vector_load %arg12[%get3A_491, %get3A_492, %get3A_493] {strides = array<i32>} : memref<4x80x64xf32, #tpu.memory_space<vmem>>, vector<1x1x16xf32>,
        %get3A_495 = vector.shape_cast %get3A_494 : vector<1x1x16xf32> to vector<16xf32>
        %add3A_496 = arith.addf %get3A_490, %get3A_495 : vector<16xf32>
        %max3A_497 = arith.constant 0.000000e+00 : f32
        %max3A_498 = vector.broadcast %max3A_497 : f32 to vector<16xf32>
        %max3A_499 = arith.maximumf %add3A_496, %max3A_498 : vector<16xf32>
        %swap3A_500 = arith.index_cast %rem3A_109 : i32 to index
        %swap3A_501 = arith.index_cast %add3A_425 : i32 to index
        %swap3A_502 = arith.constant 48 : index
        %swap3A_503 = tpu.vector_load %arg11[%swap3A_500, %swap3A_501, %swap3A_502] {strides = array<i32>} : memref<4x80x64xf32, #tpu.memory_space<vmem>>, vector<1x1x16xf32>,
        %swap3A_504 = vector.shape_cast %swap3A_503 : vector<1x1x16xf32> to vector<16xf32>
        %swap3A_505 = vector.shape_cast %max3A_499 : vector<16xf32> to vector<1x1x16xf32>
        tpu.vector_store %arg11[%swap3A_500, %swap3A_501, %swap3A_502], %swap3A_505 {strides = array<i32>} : memref<4x80x64xf32, #tpu.memory_space<vmem>>, vector<1x1x16xf32>,
      }
      %scan3A_153 = arith.constant 80 : i32
      %dma_start3A_154 = arith.constant 0 : i32
      %dma_start3A_155 = arith.constant 0 : i32
      %dma_start3A_156 = tpu.memref_slice %arg11[%rem3A_109, %dma_start3A_154, %dma_start3A_155] : memref<4x80x64xf32, #tpu.memory_space<vmem>> -> memref<1x80x64xf32, #tpu.memory_space<vmem>>
      %dma_start3A_157 = tpu.memref_squeeze %dma_start3A_156 : memref<1x80x64xf32, #tpu.memory_space<vmem>> -> memref<80x64xf32, #tpu.memory_space<vmem>>
      %dma_start3A_158 = arith.constant 0 : i32
      %dma_start3A_159 = tpu.memref_slice %arg10[%add3A_108, %dma_start3A_158] : memref<125x80xi32, #tpu.memory_space<vmem>> -> memref<1x80xi32, #tpu.memory_space<vmem>>
      %dma_start3A_160 = tpu.memref_squeeze %dma_start3A_159 : memref<1x80xi32, #tpu.memory_space<vmem>> -> memref<80xi32, #tpu.memory_space<vmem>>
      %dma_start3A_161 = arith.constant 0 : i32
      %dma_start3A_162 = arith.constant 0 : i32
      %dma_start3A_163 = tpu.memref_slice %arg8[%dma_start3A_161, %dma_start3A_162] : memref<10112x64xf32, #tpu.memory_space<vmem_shared>> -> memref<10112x64xf32, #tpu.memory_space<vmem_shared>>
      %dma_start3A_164 = tpu.memref_slice %arg15[%rem3A_109] : memref<4x!tpu.dma_semaphore, #tpu.memory_space<semaphore_mem>> -> memref<1x!tpu.dma_semaphore, #tpu.memory_space<semaphore_mem>>
      %dma_start3A_165 = tpu.memref_squeeze %dma_start3A_164 : memref<1x!tpu.dma_semaphore, #tpu.memory_space<semaphore_mem>> -> memref<!tpu.dma_semaphore, #tpu.memory_space<semaphore_mem>>
      tpu.enqueue_indirect_dma source(%dma_start3A_157 : memref<80x64xf32, #tpu.memory_space<vmem>>) target(%dma_start3A_163 : memref<10112x64xf32, #tpu.memory_space<vmem_shared>>) offsets(%dma_start3A_160 : memref<80xi32, #tpu.memory_space<vmem>>) semaphore(%dma_start3A_165 : memref<!tpu.dma_semaphore, #tpu.memory_space<semaphore_mem>>) {add = true}
    }
    %scan3A_73 = arith.constant 125 : i32
    %dma_wait3A = arith.constant 3 : i32
    %dma_wait3A_74 = arith.constant 123 : i32
    %dma_wait3A_75 = arith.constant 3 : i32
    %dma_wait3A_76 = arith.constant 0 : i32
    %dma_wait3A_77 = arith.constant 0 : i32
    %dma_wait3A_78 = tpu.memref_slice %arg11[%dma_wait3A, %dma_wait3A_76, %dma_wait3A_77] : memref<4x80x64xf32, #tpu.memory_space<vmem>> -> memref<1x80x64xf32, #tpu.memory_space<vmem>>
    %dma_wait3A_79 = tpu.memref_squeeze %dma_wait3A_78 : memref<1x80x64xf32, #tpu.memory_space<vmem>> -> memref<80x64xf32, #tpu.memory_space<vmem>>
    %dma_wait3A_80 = arith.constant 0 : i32
    %dma_wait3A_81 = tpu.memref_slice %arg10[%dma_wait3A_74, %dma_wait3A_80] : memref<125x80xi32, #tpu.memory_space<vmem>> -> memref<1x80xi32, #tpu.memory_space<vmem>>
    %dma_wait3A_82 = tpu.memref_squeeze %dma_wait3A_81 : memref<1x80xi32, #tpu.memory_space<vmem>> -> memref<80xi32, #tpu.memory_space<vmem>>
    %dma_wait3A_83 = arith.constant 0 : i32
    %dma_wait3A_84 = arith.constant 0 : i32
    %dma_wait3A_85 = tpu.memref_slice %arg8[%dma_wait3A_83, %dma_wait3A_84] : memref<10112x64xf32, #tpu.memory_space<vmem_shared>> -> memref<10112x64xf32, #tpu.memory_space<vmem_shared>>
    %dma_wait3A_86 = tpu.memref_slice %arg15[%dma_wait3A_75] : memref<4x!tpu.dma_semaphore, #tpu.memory_space<semaphore_mem>> -> memref<1x!tpu.dma_semaphore, #tpu.memory_space<semaphore_mem>>
    %dma_wait3A_87 = tpu.memref_squeeze %dma_wait3A_86 : memref<1x!tpu.dma_semaphore, #tpu.memory_space<semaphore_mem>> -> memref<!tpu.dma_semaphore, #tpu.memory_space<semaphore_mem>>
    tpu.wait_indirect_dma semaphore(%dma_wait3A_87 : memref<!tpu.dma_semaphore, #tpu.memory_space<semaphore_mem>>) src(%dma_wait3A_79 : memref<80x64xf32, #tpu.memory_space<vmem>>) dst(%dma_wait3A_85 : memref<10112x64xf32, #tpu.memory_space<vmem_shared>>)
    %dma_wait3A_88 = arith.constant 0 : i32
    %dma_wait3A_89 = arith.constant 124 : i32
    %dma_wait3A_90 = arith.constant 0 : i32
    %dma_wait3A_91 = arith.constant 0 : i32
    %dma_wait3A_92 = arith.constant 0 : i32
    %dma_wait3A_93 = tpu.memref_slice %arg11[%dma_wait3A_88, %dma_wait3A_91, %dma_wait3A_92] : memref<4x80x64xf32, #tpu.memory_space<vmem>> -> memref<1x80x64xf32, #tpu.memory_space<vmem>>
    %dma_wait3A_94 = tpu.memref_squeeze %dma_wait3A_93 : memref<1x80x64xf32, #tpu.memory_space<vmem>> -> memref<80x64xf32, #tpu.memory_space<vmem>>
    %dma_wait3A_95 = arith.constant 0 : i32
    %dma_wait3A_96 = tpu.memref_slice %arg10[%dma_wait3A_89, %dma_wait3A_95] : memref<125x80xi32, #tpu.memory_space<vmem>> -> memref<1x80xi32, #tpu.memory_space<vmem>>
    %dma_wait3A_97 = tpu.memref_squeeze %dma_wait3A_96 : memref<1x80xi32, #tpu.memory_space<vmem>> -> memref<80xi32, #tpu.memory_space<vmem>>
    %dma_wait3A_98 = arith.constant 0 : i32
    %dma_wait3A_99 = arith.constant 0 : i32
    %dma_wait3A_100 = tpu.memref_slice %arg8[%dma_wait3A_98, %dma_wait3A_99] : memref<10112x64xf32, #tpu.memory_space<vmem_shared>> -> memref<10112x64xf32, #tpu.memory_space<vmem_shared>>
    %dma_wait3A_101 = tpu.memref_slice %arg15[%dma_wait3A_90] : memref<4x!tpu.dma_semaphore, #tpu.memory_space<semaphore_mem>> -> memref<1x!tpu.dma_semaphore, #tpu.memory_space<semaphore_mem>>
    %dma_wait3A_102 = tpu.memref_squeeze %dma_wait3A_101 : memref<1x!tpu.dma_semaphore, #tpu.memory_space<semaphore_mem>> -> memref<!tpu.dma_semaphore, #tpu.memory_space<semaphore_mem>>
    tpu.wait_indirect_dma semaphore(%dma_wait3A_102 : memref<!tpu.dma_semaphore, #tpu.memory_space<semaphore_mem>>) src(%dma_wait3A_94 : memref<80x64xf32, #tpu.memory_space<vmem>>) dst(%dma_wait3A_100 : memref<10112x64xf32, #tpu.memory_space<vmem_shared>>)
    %barrier3A_103 = arith.constant 0 : index
    tpu.barrier barrier_id(%barrier3A_103)
    "tpu.region"() ({
      %run_scoped3A = tpu.sem_alloc : memref<!tpu.dma_semaphore, #tpu.memory_space<semaphore_mem>>
      %dma_start3A_104 = arith.constant 0 : i32
      %dma_start3A_105 = tpu.memref_slice %arg7[%arg0, %mul3A_2, %dma_start3A_104] : memref<2x10112x64xf32, #tpu.memory_space<hbm>> -> memref<1x632x64xf32, #tpu.memory_space<hbm>>
      %dma_start3A_106 = tpu.memref_squeeze %dma_start3A_105 : memref<1x632x64xf32, #tpu.memory_space<hbm>> -> memref<632x64xf32, #tpu.memory_space<hbm>>
      %dma_start3A_107 = arith.constant 0 : i32
      %dma_start3A_108 = tpu.memref_slice %arg8[%mul3A_2, %dma_start3A_107] : memref<10112x64xf32, #tpu.memory_space<vmem_shared>> -> memref<632x64xf32, #tpu.memory_space<vmem_shared>>
      tpu.enqueue_dma source(%dma_start3A_108 : memref<632x64xf32, #tpu.memory_space<vmem_shared>>) target(%dma_start3A_106 : memref<632x64xf32, #tpu.memory_space<hbm>>) target_semaphore(%run_scoped3A : memref<!tpu.dma_semaphore, #tpu.memory_space<semaphore_mem>>)
      %dma_wait3A_109 = arith.constant 0 : i32
      %dma_wait3A_110 = tpu.memref_slice %arg7[%arg0, %mul3A_2, %dma_wait3A_109] : memref<2x10112x64xf32, #tpu.memory_space<hbm>> -> memref<1x632x64xf32, #tpu.memory_space<hbm>>
      %dma_wait3A_111 = tpu.memref_squeeze %dma_wait3A_110 : memref<1x632x64xf32, #tpu.memory_space<hbm>> -> memref<632x64xf32, #tpu.memory_space<hbm>>
      %dma_wait3A_112 = arith.constant 0 : i32
      %dma_wait3A_113 = tpu.memref_slice %arg8[%mul3A_2, %dma_wait3A_112] : memref<10112x64xf32, #tpu.memory_space<vmem_shared>> -> memref<632x64xf32, #tpu.memory_space<vmem_shared>>
      tpu.wait_dma2 semaphore(%run_scoped3A : memref<!tpu.dma_semaphore, #tpu.memory_space<semaphore_mem>>) src(%dma_wait3A_113 : memref<632x64xf32, #tpu.memory_space<vmem_shared>>) dst(%dma_wait3A_111 : memref<632x64xf32, #tpu.memory_space<hbm>>)
      tpu.yield
    }) : () -> ()
    return
  }
}

module attributes {stable_mosaic.version = 14 : i64} {
  func.func @_node0_body(%arg0: i32, %arg1: memref<10000x128xf32, #tpu.memory_space<vmem>>, %arg2: memref<128x64xf32, #tpu.memory_space<vmem>>, %arg3: memref<1x64xf32, #tpu.memory_space<vmem>>, %arg4: memref<64x64xf32, #tpu.memory_space<vmem>>, %arg5: memref<10000x64xf32, #tpu.memory_space<vmem>>, %arg6: memref<10000x64xf32, #tpu.memory_space<vmem>>) attributes {dimension_semantics = [#tpu.dimension_semantics<arbitrary>], iteration_bounds = array<i64: 1>, scalar_prefetch = 0 : i64, scratch_operands = 0 : i64, tpu.core_type = #tpu.core_type<tc>, window_params = [{transform_indices = @transform_0, window_bounds = array<i64: 10000, 128>}, {pipeline_mode = #tpu.pipeline_mode<synchronous>, transform_indices = @transform_1, window_bounds = array<i64: 128, 64>}, {pipeline_mode = #tpu.pipeline_mode<synchronous>, transform_indices = @transform_2, window_bounds = array<i64: 1, 64>}, {pipeline_mode = #tpu.pipeline_mode<synchronous>, transform_indices = @transform_3, window_bounds = array<i64: 64, 64>}, {transform_indices = @transform_4, window_bounds = array<i64: 10000, 64>}, {transform_indices = @transform_5, window_bounds = array<i64: 10000, 64>}]} {
    %get3A = arith.constant 0 : index
    %get3A_0 = arith.constant 0 : index
    %get3A_1 = vector.load %arg1[%get3A, %get3A_0] : memref<10000x128xf32, #tpu.memory_space<vmem>>, vector<10000x128xf32>
    %get3A_2 = arith.constant 0 : index
    %get3A_3 = arith.constant 0 : index
    %get3A_4 = vector.load %arg2[%get3A_2, %get3A_3] : memref<128x64xf32, #tpu.memory_space<vmem>>, vector<128x64xf32>
    %dot_general3A = arith.constant dense<0.000000e+00> : vector<10000x64xf32>
    %dot_general3A_5 = tpu.matmul %get3A_1, %get3A_4, %dot_general3A {dimension_numbers = #tpu.dot_dimension_numbers<[1], [0], [0], [1], [0, 0, 1, 1], [], []>, transpose_lhs_hint = false} : vector<10000x128xf32>, vector<128x64xf32>, vector<10000x64xf32> -> vector<10000x64xf32>
    %get3A_6 = arith.constant 0 : index
    %get3A_7 = arith.constant 0 : index
    %get3A_8 = vector.load %arg3[%get3A_6, %get3A_7] : memref<1x64xf32, #tpu.memory_space<vmem>>, vector<1x64xf32>
    %add3A = vector.broadcast %get3A_8 : vector<1x64xf32> to vector<10000x64xf32>
    %add3A_9 = arith.addf %dot_general3A_5, %add3A : vector<10000x64xf32>
    %max3A = arith.constant 0.000000e+00 : f32
    %max3A_10 = vector.broadcast %max3A : f32 to vector<10000x64xf32>
    %max3A_11 = arith.maximumf %add3A_9, %max3A_10 : vector<10000x64xf32>
    %swap3A = arith.constant 0 : index
    %swap3A_12 = arith.constant 0 : index
    %swap3A_13 = vector.load %arg5[%swap3A, %swap3A_12] : memref<10000x64xf32, #tpu.memory_space<vmem>>, vector<10000x64xf32>
    tpu.vector_store %arg5[%swap3A, %swap3A_12], %max3A_11 {strides = array<i32>} : memref<10000x64xf32, #tpu.memory_space<vmem>>, vector<10000x64xf32>,
    %get3A_14 = arith.constant 0 : index
    %get3A_15 = arith.constant 0 : index
    %get3A_16 = vector.load %arg4[%get3A_14, %get3A_15] : memref<64x64xf32, #tpu.memory_space<vmem>>, vector<64x64xf32>
    %dot_general3A_17 = arith.constant dense<0.000000e+00> : vector<10000x64xf32>
    %dot_general3A_18 = tpu.matmul %max3A_11, %get3A_16, %dot_general3A_17 {dimension_numbers = #tpu.dot_dimension_numbers<[1], [0], [0], [1], [0, 0, 1, 1], [], []>, transpose_lhs_hint = false} : vector<10000x64xf32>, vector<64x64xf32>, vector<10000x64xf32> -> vector<10000x64xf32>
    %swap3A_19 = arith.constant 0 : index
    %swap3A_20 = arith.constant 0 : index
    %swap3A_21 = vector.load %arg6[%swap3A_19, %swap3A_20] : memref<10000x64xf32, #tpu.memory_space<vmem>>, vector<10000x64xf32>
    tpu.vector_store %arg6[%swap3A_19, %swap3A_20], %dot_general3A_18 {strides = array<i32>} : memref<10000x64xf32, #tpu.memory_space<vmem>>, vector<10000x64xf32>,
    return
  }
  func.func @transform_0(%arg0: i32) -> (i32, i32) {
    %c0_i32 = arith.constant 0 : i32
    %c0_i32_0 = arith.constant 0 : i32
    return %arg0, %c0_i32 : i32, i32
  }
  func.func @transform_1(%arg0: i32) -> (i32, i32) {
    %c0_i32 = arith.constant 0 : i32
    %c0_i32_0 = arith.constant 0 : i32
    %c0_i32_1 = arith.constant 0 : i32
    return %c0_i32, %c0_i32_0 : i32, i32
  }
  func.func @transform_2(%arg0: i32) -> (i32, i32) {
    %c0_i32 = arith.constant 0 : i32
    %c0_i32_0 = arith.constant 0 : i32
    %c0_i32_1 = arith.constant 0 : i32
    return %c0_i32, %c0_i32_0 : i32, i32
  }
  func.func @transform_3(%arg0: i32) -> (i32, i32) {
    %c0_i32 = arith.constant 0 : i32
    %c0_i32_0 = arith.constant 0 : i32
    %c0_i32_1 = arith.constant 0 : i32
    return %c0_i32, %c0_i32_0 : i32, i32
  }
  func.func @transform_4(%arg0: i32) -> (i32, i32) {
    %c0_i32 = arith.constant 0 : i32
    %c0_i32_0 = arith.constant 0 : i32
    return %arg0, %c0_i32 : i32, i32
  }
  func.func @transform_5(%arg0: i32) -> (i32, i32) {
    %c0_i32 = arith.constant 0 : i32
    %c0_i32_0 = arith.constant 0 : i32
    return %arg0, %c0_i32 : i32, i32
  }
}

module attributes {stable_mosaic.version = 14 : i64} {
  func.func @_edge_pre_body(%arg0: i32, %arg1: memref<16000x16xf32, #tpu.memory_space<vmem>>, %arg2: memref<16x64xf32, #tpu.memory_space<vmem>>, %arg3: memref<1x64xf32, #tpu.memory_space<vmem>>, %arg4: memref<64x128xf32, #tpu.memory_space<vmem>>, %arg5: memref<1x128xf32, #tpu.memory_space<vmem>>, %arg6: memref<16000x128xf32, #tpu.memory_space<vmem>>) attributes {dimension_semantics = [#tpu.dimension_semantics<arbitrary>], iteration_bounds = array<i64: 20>, scalar_prefetch = 0 : i64, scratch_operands = 0 : i64, tpu.core_type = #tpu.core_type<tc>, window_params = [{transform_indices = @transform_0, window_bounds = array<i64: 16000, 16>}, {pipeline_mode = #tpu.pipeline_mode<synchronous>, transform_indices = @transform_1, window_bounds = array<i64: 16, 64>}, {pipeline_mode = #tpu.pipeline_mode<synchronous>, transform_indices = @transform_2, window_bounds = array<i64: 1, 64>}, {pipeline_mode = #tpu.pipeline_mode<synchronous>, transform_indices = @transform_3, window_bounds = array<i64: 64, 128>}, {pipeline_mode = #tpu.pipeline_mode<synchronous>, transform_indices = @transform_4, window_bounds = array<i64: 1, 128>}, {transform_indices = @transform_5, window_bounds = array<i64: 16000, 128>}]} {
    %get3A = arith.constant 0 : index
    %get3A_0 = arith.constant 0 : index
    %get3A_1 = vector.load %arg1[%get3A, %get3A_0] : memref<16000x16xf32, #tpu.memory_space<vmem>>, vector<16000x16xf32>
    %get3A_2 = arith.constant 0 : index
    %get3A_3 = arith.constant 0 : index
    %get3A_4 = vector.load %arg2[%get3A_2, %get3A_3] : memref<16x64xf32, #tpu.memory_space<vmem>>, vector<16x64xf32>
    %dot_general3A = arith.constant dense<0.000000e+00> : vector<16000x64xf32>
    %dot_general3A_5 = tpu.matmul %get3A_1, %get3A_4, %dot_general3A {dimension_numbers = #tpu.dot_dimension_numbers<[1], [0], [0], [1], [0, 0, 1, 1], [], []>, transpose_lhs_hint = false} : vector<16000x16xf32>, vector<16x64xf32>, vector<16000x64xf32> -> vector<16000x64xf32>
    %get3A_6 = arith.constant 0 : index
    %get3A_7 = arith.constant 0 : index
    %get3A_8 = vector.load %arg3[%get3A_6, %get3A_7] : memref<1x64xf32, #tpu.memory_space<vmem>>, vector<1x64xf32>
    %add3A = vector.broadcast %get3A_8 : vector<1x64xf32> to vector<16000x64xf32>
    %add3A_9 = arith.addf %dot_general3A_5, %add3A : vector<16000x64xf32>
    %max3A = arith.constant 0.000000e+00 : f32
    %max3A_10 = vector.broadcast %max3A : f32 to vector<16000x64xf32>
    %max3A_11 = arith.maximumf %add3A_9, %max3A_10 : vector<16000x64xf32>
    %get3A_12 = arith.constant 0 : index
    %get3A_13 = arith.constant 0 : index
    %get3A_14 = vector.load %arg4[%get3A_12, %get3A_13] : memref<64x128xf32, #tpu.memory_space<vmem>>, vector<64x128xf32>
    %dot_general3A_15 = arith.constant dense<0.000000e+00> : vector<16000x128xf32>
    %dot_general3A_16 = tpu.matmul %max3A_11, %get3A_14, %dot_general3A_15 {dimension_numbers = #tpu.dot_dimension_numbers<[1], [0], [0], [1], [0, 0, 1, 1], [], []>, transpose_lhs_hint = false} : vector<16000x64xf32>, vector<64x128xf32>, vector<16000x128xf32> -> vector<16000x128xf32>
    %get3A_17 = arith.constant 0 : index
    %get3A_18 = arith.constant 0 : index
    %get3A_19 = vector.load %arg5[%get3A_17, %get3A_18] : memref<1x128xf32, #tpu.memory_space<vmem>>, vector<1x128xf32>
    %add3A_20 = vector.broadcast %get3A_19 : vector<1x128xf32> to vector<16000x128xf32>
    %add3A_21 = arith.addf %dot_general3A_16, %add3A_20 : vector<16000x128xf32>
    %swap3A = arith.constant 0 : index
    %swap3A_22 = arith.constant 0 : index
    %swap3A_23 = vector.load %arg6[%swap3A, %swap3A_22] : memref<16000x128xf32, #tpu.memory_space<vmem>>, vector<16000x128xf32>
    tpu.vector_store %arg6[%swap3A, %swap3A_22], %add3A_21 {strides = array<i32>} : memref<16000x128xf32, #tpu.memory_space<vmem>>, vector<16000x128xf32>,
    return
  }
  func.func @transform_0(%arg0: i32) -> (i32, i32) {
    %c0_i32 = arith.constant 0 : i32
    %c0_i32_0 = arith.constant 0 : i32
    return %arg0, %c0_i32 : i32, i32
  }
  func.func @transform_1(%arg0: i32) -> (i32, i32) {
    %c0_i32 = arith.constant 0 : i32
    %c0_i32_0 = arith.constant 0 : i32
    %c0_i32_1 = arith.constant 0 : i32
    return %c0_i32, %c0_i32_0 : i32, i32
  }
  func.func @transform_2(%arg0: i32) -> (i32, i32) {
    %c0_i32 = arith.constant 0 : i32
    %c0_i32_0 = arith.constant 0 : i32
    %c0_i32_1 = arith.constant 0 : i32
    return %c0_i32, %c0_i32_0 : i32, i32
  }
  func.func @transform_3(%arg0: i32) -> (i32, i32) {
    %c0_i32 = arith.constant 0 : i32
    %c0_i32_0 = arith.constant 0 : i32
    %c0_i32_1 = arith.constant 0 : i32
    return %c0_i32, %c0_i32_0 : i32, i32
  }
  func.func @transform_4(%arg0: i32) -> (i32, i32) {
    %c0_i32 = arith.constant 0 : i32
    %c0_i32_0 = arith.constant 0 : i32
    %c0_i32_1 = arith.constant 0 : i32
    return %c0_i32, %c0_i32_0 : i32, i32
  }
  func.func @transform_5(%arg0: i32) -> (i32, i32) {
    %c0_i32 = arith.constant 0 : i32
    %c0_i32_0 = arith.constant 0 : i32
    return %arg0, %c0_i32 : i32, i32
  }
}

module attributes {stable_mosaic.version = 14 : i64} {
  func.func @_update_body(%arg0: i32, %arg1: memref<10000x64xf32, #tpu.memory_space<vmem>>, %arg2: memref<2x10000x64xf32, #tpu.memory_space<vmem>>, %arg3: memref<64x64xf32, #tpu.memory_space<vmem>>, %arg4: memref<64x64xf32, #tpu.memory_space<vmem>>, %arg5: memref<1x64xf32, #tpu.memory_space<vmem>>, %arg6: memref<64x64xf32, #tpu.memory_space<vmem>>, %arg7: memref<1x64xf32, #tpu.memory_space<vmem>>, %arg8: memref<10000x64xf32, #tpu.memory_space<vmem>>, %arg9: memref<10000x64xf32, #tpu.memory_space<vmem>>) attributes {dimension_semantics = [#tpu.dimension_semantics<arbitrary>], iteration_bounds = array<i64: 1>, scalar_prefetch = 0 : i64, scratch_operands = 0 : i64, tpu.core_type = #tpu.core_type<tc>, window_params = [{transform_indices = @transform_0, window_bounds = array<i64: 10000, 64>}, {transform_indices = @transform_1, window_bounds = array<i64: 2, 10000, 64>}, {pipeline_mode = #tpu.pipeline_mode<synchronous>, transform_indices = @transform_2, window_bounds = array<i64: 64, 64>}, {pipeline_mode = #tpu.pipeline_mode<synchronous>, transform_indices = @transform_3, window_bounds = array<i64: 64, 64>}, {pipeline_mode = #tpu.pipeline_mode<synchronous>, transform_indices = @transform_4, window_bounds = array<i64: 1, 64>}, {pipeline_mode = #tpu.pipeline_mode<synchronous>, transform_indices = @transform_5, window_bounds = array<i64: 64, 64>}, {pipeline_mode = #tpu.pipeline_mode<synchronous>, transform_indices = @transform_6, window_bounds = array<i64: 1, 64>}, {transform_indices = @transform_7, window_bounds = array<i64: 10000, 64>}, {transform_indices = @transform_8, window_bounds = array<i64: 10000, 64>}]} {
    %get3A = arith.constant 0 : index
    %get3A_0 = arith.constant 0 : index
    %get3A_1 = arith.constant 0 : index
    %get3A_2 = vector.load %arg2[%get3A, %get3A_0, %get3A_1] : memref<2x10000x64xf32, #tpu.memory_space<vmem>>, vector<1x10000x64xf32>
    %get3A_3 = vector.shape_cast %get3A_2 : vector<1x10000x64xf32> to vector<10000x64xf32>
    %get3A_4 = arith.constant 1 : index
    %get3A_5 = arith.constant 0 : index
    %get3A_6 = arith.constant 0 : index
    %get3A_7 = vector.load %arg2[%get3A_4, %get3A_5, %get3A_6] : memref<2x10000x64xf32, #tpu.memory_space<vmem>>, vector<1x10000x64xf32>
    %get3A_8 = vector.shape_cast %get3A_7 : vector<1x10000x64xf32> to vector<10000x64xf32>
    %add3A = arith.addf %get3A_3, %get3A_8 : vector<10000x64xf32>
    %get3A_9 = arith.constant 0 : index
    %get3A_10 = arith.constant 0 : index
    %get3A_11 = vector.load %arg1[%get3A_9, %get3A_10] : memref<10000x64xf32, #tpu.memory_space<vmem>>, vector<10000x64xf32>
    %get3A_12 = arith.constant 0 : index
    %get3A_13 = arith.constant 0 : index
    %get3A_14 = vector.load %arg3[%get3A_12, %get3A_13] : memref<64x64xf32, #tpu.memory_space<vmem>>, vector<64x64xf32>
    %dot_general3A = arith.constant dense<0.000000e+00> : vector<10000x64xf32>
    %dot_general3A_15 = tpu.matmul %get3A_11, %get3A_14, %dot_general3A {dimension_numbers = #tpu.dot_dimension_numbers<[1], [0], [0], [1], [0, 0, 1, 1], [], []>, transpose_lhs_hint = false} : vector<10000x64xf32>, vector<64x64xf32>, vector<10000x64xf32> -> vector<10000x64xf32>
    %get3A_16 = arith.constant 0 : index
    %get3A_17 = arith.constant 0 : index
    %get3A_18 = vector.load %arg4[%get3A_16, %get3A_17] : memref<64x64xf32, #tpu.memory_space<vmem>>, vector<64x64xf32>
    %dot_general3A_19 = arith.constant dense<0.000000e+00> : vector<10000x64xf32>
    %dot_general3A_20 = tpu.matmul %add3A, %get3A_18, %dot_general3A_19 {dimension_numbers = #tpu.dot_dimension_numbers<[1], [0], [0], [1], [0, 0, 1, 1], [], []>, transpose_lhs_hint = false} : vector<10000x64xf32>, vector<64x64xf32>, vector<10000x64xf32> -> vector<10000x64xf32>
    %add3A_21 = arith.addf %dot_general3A_15, %dot_general3A_20 : vector<10000x64xf32>
    %get3A_22 = arith.constant 0 : index
    %get3A_23 = arith.constant 0 : index
    %get3A_24 = vector.load %arg5[%get3A_22, %get3A_23] : memref<1x64xf32, #tpu.memory_space<vmem>>, vector<1x64xf32>
    %add3A_25 = vector.broadcast %get3A_24 : vector<1x64xf32> to vector<10000x64xf32>
    %add3A_26 = arith.addf %add3A_21, %add3A_25 : vector<10000x64xf32>
    %max3A = arith.constant 0.000000e+00 : f32
    %max3A_27 = vector.broadcast %max3A : f32 to vector<10000x64xf32>
    %max3A_28 = arith.maximumf %add3A_26, %max3A_27 : vector<10000x64xf32>
    %swap3A = arith.constant 0 : index
    %swap3A_29 = arith.constant 0 : index
    %swap3A_30 = vector.load %arg8[%swap3A, %swap3A_29] : memref<10000x64xf32, #tpu.memory_space<vmem>>, vector<10000x64xf32>
    tpu.vector_store %arg8[%swap3A, %swap3A_29], %max3A_28 {strides = array<i32>} : memref<10000x64xf32, #tpu.memory_space<vmem>>, vector<10000x64xf32>,
    %get3A_31 = arith.constant 0 : index
    %get3A_32 = arith.constant 0 : index
    %get3A_33 = vector.load %arg6[%get3A_31, %get3A_32] : memref<64x64xf32, #tpu.memory_space<vmem>>, vector<64x64xf32>
    %dot_general3A_34 = arith.constant dense<0.000000e+00> : vector<10000x64xf32>
    %dot_general3A_35 = tpu.matmul %max3A_28, %get3A_33, %dot_general3A_34 {dimension_numbers = #tpu.dot_dimension_numbers<[1], [0], [0], [1], [0, 0, 1, 1], [], []>, transpose_lhs_hint = false} : vector<10000x64xf32>, vector<64x64xf32>, vector<10000x64xf32> -> vector<10000x64xf32>
    %get3A_36 = arith.constant 0 : index
    %get3A_37 = arith.constant 0 : index
    %get3A_38 = vector.load %arg7[%get3A_36, %get3A_37] : memref<1x64xf32, #tpu.memory_space<vmem>>, vector<1x64xf32>
    %add3A_39 = vector.broadcast %get3A_38 : vector<1x64xf32> to vector<10000x64xf32>
    %add3A_40 = arith.addf %dot_general3A_35, %add3A_39 : vector<10000x64xf32>
    %swap3A_41 = arith.constant 0 : index
    %swap3A_42 = arith.constant 0 : index
    %swap3A_43 = vector.load %arg9[%swap3A_41, %swap3A_42] : memref<10000x64xf32, #tpu.memory_space<vmem>>, vector<10000x64xf32>
    tpu.vector_store %arg9[%swap3A_41, %swap3A_42], %add3A_40 {strides = array<i32>} : memref<10000x64xf32, #tpu.memory_space<vmem>>, vector<10000x64xf32>,
    return
  }
  func.func @transform_0(%arg0: i32) -> (i32, i32) {
    %c0_i32 = arith.constant 0 : i32
    %c0_i32_0 = arith.constant 0 : i32
    return %arg0, %c0_i32 : i32, i32
  }
  func.func @transform_1(%arg0: i32) -> (i32, i32, i32) {
    %c0_i32 = arith.constant 0 : i32
    %c0_i32_0 = arith.constant 0 : i32
    %c0_i32_1 = arith.constant 0 : i32
    return %c0_i32, %arg0, %c0_i32_0 : i32, i32, i32
  }
  func.func @transform_2(%arg0: i32) -> (i32, i32) {
    %c0_i32 = arith.constant 0 : i32
    %c0_i32_0 = arith.constant 0 : i32
    %c0_i32_1 = arith.constant 0 : i32
    return %c0_i32, %c0_i32_0 : i32, i32
  }
  func.func @transform_3(%arg0: i32) -> (i32, i32) {
    %c0_i32 = arith.constant 0 : i32
    %c0_i32_0 = arith.constant 0 : i32
    %c0_i32_1 = arith.constant 0 : i32
    return %c0_i32, %c0_i32_0 : i32, i32
  }
  func.func @transform_4(%arg0: i32) -> (i32, i32) {
    %c0_i32 = arith.constant 0 : i32
    %c0_i32_0 = arith.constant 0 : i32
    %c0_i32_1 = arith.constant 0 : i32
    return %c0_i32, %c0_i32_0 : i32, i32
  }
  func.func @transform_5(%arg0: i32) -> (i32, i32) {
    %c0_i32 = arith.constant 0 : i32
    %c0_i32_0 = arith.constant 0 : i32
    %c0_i32_1 = arith.constant 0 : i32
    return %c0_i32, %c0_i32_0 : i32, i32
  }
  func.func @transform_6(%arg0: i32) -> (i32, i32) {
    %c0_i32 = arith.constant 0 : i32
    %c0_i32_0 = arith.constant 0 : i32
    %c0_i32_1 = arith.constant 0 : i32
    return %c0_i32, %c0_i32_0 : i32, i32
  }
  func.func @transform_7(%arg0: i32) -> (i32, i32) {
    %c0_i32 = arith.constant 0 : i32
    %c0_i32_0 = arith.constant 0 : i32
    return %arg0, %c0_i32 : i32, i32
  }
  func.func @transform_8(%arg0: i32) -> (i32, i32) {
    %c0_i32 = arith.constant 0 : i32
    %c0_i32_0 = arith.constant 0 : i32
    return %arg0, %c0_i32 : i32, i32
  }
}

module attributes {stable_mosaic.version = 14 : i64} {
  func.func @_update_body(%arg0: i32, %arg1: memref<10000x64xf32, #tpu.memory_space<vmem>>, %arg2: memref<2x10000x64xf32, #tpu.memory_space<vmem>>, %arg3: memref<64x64xf32, #tpu.memory_space<vmem>>, %arg4: memref<64x64xf32, #tpu.memory_space<vmem>>, %arg5: memref<1x64xf32, #tpu.memory_space<vmem>>, %arg6: memref<64x8xf32, #tpu.memory_space<vmem>>, %arg7: memref<1x8xf32, #tpu.memory_space<vmem>>, %arg8: memref<10000x64xf32, #tpu.memory_space<vmem>>, %arg9: memref<10000x8xf32, #tpu.memory_space<vmem>>) attributes {dimension_semantics = [#tpu.dimension_semantics<arbitrary>], iteration_bounds = array<i64: 1>, scalar_prefetch = 0 : i64, scratch_operands = 0 : i64, tpu.core_type = #tpu.core_type<tc>, window_params = [{transform_indices = @transform_0, window_bounds = array<i64: 10000, 64>}, {transform_indices = @transform_1, window_bounds = array<i64: 2, 10000, 64>}, {pipeline_mode = #tpu.pipeline_mode<synchronous>, transform_indices = @transform_2, window_bounds = array<i64: 64, 64>}, {pipeline_mode = #tpu.pipeline_mode<synchronous>, transform_indices = @transform_3, window_bounds = array<i64: 64, 64>}, {pipeline_mode = #tpu.pipeline_mode<synchronous>, transform_indices = @transform_4, window_bounds = array<i64: 1, 64>}, {pipeline_mode = #tpu.pipeline_mode<synchronous>, transform_indices = @transform_5, window_bounds = array<i64: 64, 8>}, {pipeline_mode = #tpu.pipeline_mode<synchronous>, transform_indices = @transform_6, window_bounds = array<i64: 1, 8>}, {transform_indices = @transform_7, window_bounds = array<i64: 10000, 64>}, {transform_indices = @transform_8, window_bounds = array<i64: 10000, 8>}]} {
    %get3A = arith.constant 0 : index
    %get3A_0 = arith.constant 0 : index
    %get3A_1 = arith.constant 0 : index
    %get3A_2 = vector.load %arg2[%get3A, %get3A_0, %get3A_1] : memref<2x10000x64xf32, #tpu.memory_space<vmem>>, vector<1x10000x64xf32>
    %get3A_3 = vector.shape_cast %get3A_2 : vector<1x10000x64xf32> to vector<10000x64xf32>
    %get3A_4 = arith.constant 1 : index
    %get3A_5 = arith.constant 0 : index
    %get3A_6 = arith.constant 0 : index
    %get3A_7 = vector.load %arg2[%get3A_4, %get3A_5, %get3A_6] : memref<2x10000x64xf32, #tpu.memory_space<vmem>>, vector<1x10000x64xf32>
    %get3A_8 = vector.shape_cast %get3A_7 : vector<1x10000x64xf32> to vector<10000x64xf32>
    %add3A = arith.addf %get3A_3, %get3A_8 : vector<10000x64xf32>
    %get3A_9 = arith.constant 0 : index
    %get3A_10 = arith.constant 0 : index
    %get3A_11 = vector.load %arg1[%get3A_9, %get3A_10] : memref<10000x64xf32, #tpu.memory_space<vmem>>, vector<10000x64xf32>
    %get3A_12 = arith.constant 0 : index
    %get3A_13 = arith.constant 0 : index
    %get3A_14 = vector.load %arg3[%get3A_12, %get3A_13] : memref<64x64xf32, #tpu.memory_space<vmem>>, vector<64x64xf32>
    %dot_general3A = arith.constant dense<0.000000e+00> : vector<10000x64xf32>
    %dot_general3A_15 = tpu.matmul %get3A_11, %get3A_14, %dot_general3A {dimension_numbers = #tpu.dot_dimension_numbers<[1], [0], [0], [1], [0, 0, 1, 1], [], []>, transpose_lhs_hint = false} : vector<10000x64xf32>, vector<64x64xf32>, vector<10000x64xf32> -> vector<10000x64xf32>
    %get3A_16 = arith.constant 0 : index
    %get3A_17 = arith.constant 0 : index
    %get3A_18 = vector.load %arg4[%get3A_16, %get3A_17] : memref<64x64xf32, #tpu.memory_space<vmem>>, vector<64x64xf32>
    %dot_general3A_19 = arith.constant dense<0.000000e+00> : vector<10000x64xf32>
    %dot_general3A_20 = tpu.matmul %add3A, %get3A_18, %dot_general3A_19 {dimension_numbers = #tpu.dot_dimension_numbers<[1], [0], [0], [1], [0, 0, 1, 1], [], []>, transpose_lhs_hint = false} : vector<10000x64xf32>, vector<64x64xf32>, vector<10000x64xf32> -> vector<10000x64xf32>
    %add3A_21 = arith.addf %dot_general3A_15, %dot_general3A_20 : vector<10000x64xf32>
    %get3A_22 = arith.constant 0 : index
    %get3A_23 = arith.constant 0 : index
    %get3A_24 = vector.load %arg5[%get3A_22, %get3A_23] : memref<1x64xf32, #tpu.memory_space<vmem>>, vector<1x64xf32>
    %add3A_25 = vector.broadcast %get3A_24 : vector<1x64xf32> to vector<10000x64xf32>
    %add3A_26 = arith.addf %add3A_21, %add3A_25 : vector<10000x64xf32>
    %max3A = arith.constant 0.000000e+00 : f32
    %max3A_27 = vector.broadcast %max3A : f32 to vector<10000x64xf32>
    %max3A_28 = arith.maximumf %add3A_26, %max3A_27 : vector<10000x64xf32>
    %swap3A = arith.constant 0 : index
    %swap3A_29 = arith.constant 0 : index
    %swap3A_30 = vector.load %arg8[%swap3A, %swap3A_29] : memref<10000x64xf32, #tpu.memory_space<vmem>>, vector<10000x64xf32>
    tpu.vector_store %arg8[%swap3A, %swap3A_29], %max3A_28 {strides = array<i32>} : memref<10000x64xf32, #tpu.memory_space<vmem>>, vector<10000x64xf32>,
    %get3A_31 = arith.constant 0 : index
    %get3A_32 = arith.constant 0 : index
    %get3A_33 = vector.load %arg6[%get3A_31, %get3A_32] : memref<64x8xf32, #tpu.memory_space<vmem>>, vector<64x8xf32>
    %dot_general3A_34 = arith.constant dense<0.000000e+00> : vector<10000x8xf32>
    %dot_general3A_35 = tpu.matmul %max3A_28, %get3A_33, %dot_general3A_34 {dimension_numbers = #tpu.dot_dimension_numbers<[1], [0], [0], [1], [0, 0, 1, 1], [], []>, transpose_lhs_hint = false} : vector<10000x64xf32>, vector<64x8xf32>, vector<10000x8xf32> -> vector<10000x8xf32>
    %get3A_36 = arith.constant 0 : index
    %get3A_37 = arith.constant 0 : index
    %get3A_38 = vector.load %arg7[%get3A_36, %get3A_37] : memref<1x8xf32, #tpu.memory_space<vmem>>, vector<1x8xf32>
    %add3A_39 = vector.broadcast %get3A_38 : vector<1x8xf32> to vector<10000x8xf32>
    %add3A_40 = arith.addf %dot_general3A_35, %add3A_39 : vector<10000x8xf32>
    %swap3A_41 = arith.constant 0 : index
    %swap3A_42 = arith.constant 0 : index
    %swap3A_43 = vector.load %arg9[%swap3A_41, %swap3A_42] : memref<10000x8xf32, #tpu.memory_space<vmem>>, vector<10000x8xf32>
    tpu.vector_store %arg9[%swap3A_41, %swap3A_42], %add3A_40 {strides = array<i32>} : memref<10000x8xf32, #tpu.memory_space<vmem>>, vector<10000x8xf32>,
    return
  }
  func.func @transform_0(%arg0: i32) -> (i32, i32) {
    %c0_i32 = arith.constant 0 : i32
    %c0_i32_0 = arith.constant 0 : i32
    return %arg0, %c0_i32 : i32, i32
  }
  func.func @transform_1(%arg0: i32) -> (i32, i32, i32) {
    %c0_i32 = arith.constant 0 : i32
    %c0_i32_0 = arith.constant 0 : i32
    %c0_i32_1 = arith.constant 0 : i32
    return %c0_i32, %arg0, %c0_i32_0 : i32, i32, i32
  }
  func.func @transform_2(%arg0: i32) -> (i32, i32) {
    %c0_i32 = arith.constant 0 : i32
    %c0_i32_0 = arith.constant 0 : i32
    %c0_i32_1 = arith.constant 0 : i32
    return %c0_i32, %c0_i32_0 : i32, i32
  }
  func.func @transform_3(%arg0: i32) -> (i32, i32) {
    %c0_i32 = arith.constant 0 : i32
    %c0_i32_0 = arith.constant 0 : i32
    %c0_i32_1 = arith.constant 0 : i32
    return %c0_i32, %c0_i32_0 : i32, i32
  }
  func.func @transform_4(%arg0: i32) -> (i32, i32) {
    %c0_i32 = arith.constant 0 : i32
    %c0_i32_0 = arith.constant 0 : i32
    %c0_i32_1 = arith.constant 0 : i32
    return %c0_i32, %c0_i32_0 : i32, i32
  }
  func.func @transform_5(%arg0: i32) -> (i32, i32) {
    %c0_i32 = arith.constant 0 : i32
    %c0_i32_0 = arith.constant 0 : i32
    %c0_i32_1 = arith.constant 0 : i32
    return %c0_i32, %c0_i32_0 : i32, i32
  }
  func.func @transform_6(%arg0: i32) -> (i32, i32) {
    %c0_i32 = arith.constant 0 : i32
    %c0_i32_0 = arith.constant 0 : i32
    %c0_i32_1 = arith.constant 0 : i32
    return %c0_i32, %c0_i32_0 : i32, i32
  }
  func.func @transform_7(%arg0: i32) -> (i32, i32) {
    %c0_i32 = arith.constant 0 : i32
    %c0_i32_0 = arith.constant 0 : i32
    return %arg0, %c0_i32 : i32, i32
  }
  func.func @transform_8(%arg0: i32) -> (i32, i32) {
    %c0_i32 = arith.constant 0 : i32
    %c0_i32_0 = arith.constant 0 : i32
    return %arg0, %c0_i32 : i32, i32
  }
}

</mosaic_0001>

<sc_bundles>
// kernel: kernel.11.cloned.1.call-start
scs
__scs_entry_jumppad:
0x0: {  	(pc) =	sbr.rel $0x88, $3  }
0x1: {  	(tag) =	ssettag $0x0;
	lr =	simm.s32 $0x1  }
0x2: {  	[smem:$0x3F90] =	sst lr;
	_ =	strace $0xD0000000  }
0x3: {  	_ = 	snop  }
0x4: {  	_ = 	snop  }
0x5: {  	_ = 	snop  }
0x6: {  	_ = 	snop  }
0x7: {  	_ = 	snop  }
__scs_overlays_trampoline_lowered:
0x8: {  	[smem:$0x3F9F] =	sst s0  }
0x9: {  	[smem:$0x3FA0] =	sst s1  }
0xa: {  	[smem:$0x3FA1] =	sst s2  }
0xb: {  	[smem:$0x3FA2] =	sst s3  }
0xc: {  	[smem:$0x3FA3] =	sst s4  }
0xd: {  	[smem:$0x3FA4] =	sst s5  }
0xe: {  	[smem:$0x3FA5] =	sst s6  }
0xf: {  	[smem:$0x3FA6] =	sst s7  }
0x10: {  	[smem:$0x3FA7] =	sst s8  }
0x11: {  	[smem:$0x3FA8] =	sst s9;
	s0 =	simm.s32 @!p0 $0x0  }
0x12: {  	s1 =	sld [smem:$0x3F8E];
	s0 =	simm.s32 @p0 $0x1  }
0x13: {  	[smem:$0x3FA9] =	sst s0;
	s0 =	simm.s32 @!p1 $0x0  }
0x14: {  	s2 =	sld [smem:$0x3F8D];
	s0 =	simm.s32 @p1 $0x1  }
0x15: {  	[smem:$0x3FAA] =	sst s0;
	s0 =	simm.s32 @!p2 $0x0  }
0x16: {  	s3 =	sld [smem:$0x3FDB];
	s0 =	simm.s32 @p2 $0x1  }
0x17: {  	s4 =	simm.s32 $0x1BF5;
	[smem:$0x3FAC] =	sst s0  }
0x18: {  	s0 =	sld [smem:$0x3F8F];
	_ =	swait.ge [sflag:s4], $0x0  }
0x19: {  	s7 =	sld [smem:$0x3F90]  }
0x1a: {  	s8 =	sadd.s32 $0xFFFFE003, lr  }
0x1b: {  	s9 =	sadd.s32 $0xFFFFFEF7, lr;
	s5 =	simm.s32 $0xFFFFFFFF;
	p2 =	slt.u32 s8, $0xFFFFF086  }
0x1c: {  	p1 =	slt.u32 s9, $0xF7A;
	s5 =	simm.s32 @!p2 $0x0  }
0x1d: {  	s5 =	simm.s32 @p1 $0x1;
	p0 =	seq.s32 s7, s2  }
0x1e: {  	s7 =	smul.u32 @!p0 $0xF7A, s2;
	p2 =	seq.s32 @!p0 s5, $0x0  }
0x1f: {  	s9 =	smul.u32 $0xF7A, s1;
	s8 =	simm.s32 @!p0 $0x1BF5;
	p2 =	por !p2, p0  }
0x20: {  	[sflag:s8] =	ssyncset.s32 @!p0 $0xFFFFF086;
	s6 =	sadd.s32 @!p0 s3, s7;
	s7 =	simm.s32 @!p0 $0x108  }
0x21: {  	s3 =	sadd.s32 s3, s9;
	s6 =	sadd.s32 @!p0 $0x88, s6;
	s7 =	simm.s32 @p2 $0x1082  }
0x22: {  	[simem:s7], [sflag:s8] =	dma.local @!p0 [hbm:s6], $0xF7A  }
0x23: {  	s9 =	sor.u32 $0xD0000000, s2;
	s6 =	simm.s32 $0x108;
	_ =	swait.ge @!p0 [sflag:s8], $0x0  }
0x24: {  	s3 =	sadd.s32 $0x88, s3;
	s6 =	simm.s32 @!p1 $0x1082;
	[sflag:s4] =	ssyncset.s32 $0xFFFFF086  }
0x25: {  	[simem:s6], [sflag:s4] =	dma.local [hbm:s3], $0xF7A  }
0x26: {  	[smem:$0x3F90] =	sst s1;
	(tag) =	ssettag s2;
	_ =	strace s9  }
0x27: {  	s1 =	sld [smem:$0x3FA0]  }
0x28: {  	s2 =	sld [smem:$0x3FA1]  }
0x29: {  	s4 =	sld [smem:$0x3FA3]  }
0x2a: {  	p0 =	seq.s32 s5, $0x0;
	s5 =	sld [smem:$0x3FA4]  }
0x2b: {  	s6 =	sld [smem:$0x3FA5]  }
0x2c: {  	s7 =	sld [smem:$0x3FA6]  }
0x2d: {  	s3 =	simm.s32 $0x108;
	s8 =	sld [smem:$0x3FA7]  }
0x2e: {  	s3 =	simm.s32 @!p0 $0x1082;
	s9 =	sld [smem:$0x3FA8]  }
0x2f: {  	lr =	sadd.s32 s0, s3;
	s0 =	sld [smem:$0x3F9F]  }
0x30: {  	s3 =	sld [smem:$0x3FA2]  }
0x31: {  	[smem:$0x3FAB] =	sst s10  }
0x32: {  	s10 =	sld [smem:$0x3FA9];
	_ =	sdelay $0x3  }
0x33: {  	p0 =	seq.s32 s10, $0x1;
	s10 =	sld [smem:$0x3FAB];
	_ =	sdelay $0x3  }
0x34: {  	[smem:$0x3FAB] =	sst s10  }
0x35: {  	s10 =	sld [smem:$0x3FAA];
	_ =	sdelay $0x3  }
0x36: {  	p1 =	seq.s32 s10, $0x1;
	s10 =	sld [smem:$0x3FAB];
	_ =	sdelay $0x3  }
0x37: {  	[smem:$0x3FAB] =	sst s10  }
0x38: {  	s10 =	sld [smem:$0x3FAC]  }
0x39: {  	_ = 	snop;
	(pc) =	sbr.ind lr, $3  }
0x3a: {  	_ = 	snop  }
0x3b: {  	_ = 	snop  }
0x3c: {  	p2 =	seq.s32 s10, $0x1;
	s10 =	sld [smem:$0x3FAB]  }
0x3d: {  	_ =	shalt  }
0x3e: {  	_ =	shalt  }
0x3f: {  	_ =	shalt  }
0x40: {  	_ =	shalt  }
0x41: {  	_ =	shalt  }
0x42: {  	_ =	shalt  }
0x43: {  	_ =	shalt  }
0x44: {  	_ =	shalt  }
0x45: {  	_ =	shalt  }
0x46: {  	_ =	shalt  }
0x47: {  	_ =	shalt  }
0x48: {  	_ =	shalt  }
0x49: {  	_ =	shalt  }
0x4a: {  	_ =	shalt  }
0x4b: {  	_ =	shalt  }
0x4c: {  	_ =	shalt  }
0x4d: {  	_ =	shalt  }
0x4e: {  	_ =	shalt  }
0x4f: {  	_ =	shalt  }
0x50: {  	_ =	shalt  }
0x51: {  	_ =	shalt  }
0x52: {  	_ =	shalt  }
0x53: {  	_ =	shalt  }
0x54: {  	_ =	shalt  }
0x55: {  	_ =	shalt  }
0x56: {  	_ =	shalt  }
0x57: {  	_ =	shalt  }
0x58: {  	_ =	shalt  }
0x59: {  	_ =	shalt  }
0x5a: {  	_ =	shalt  }
0x5b: {  	_ =	shalt  }
0x5c: {  	_ =	shalt  }
0x5d: {  	_ =	shalt  }
0x5e: {  	_ =	shalt  }
0x5f: {  	_ =	shalt  }
0x60: {  	_ =	shalt  }
0x61: {  	_ =	shalt  }
0x62: {  	_ =	shalt  }
0x63: {  	_ =	shalt  }
0x64: {  	_ =	shalt  }
0x65: {  	_ =	shalt  }
0x66: {  	_ =	shalt  }
0x67: {  	_ =	shalt  }
0x68: {  	_ =	shalt  }
0x69: {  	_ =	shalt  }
0x6a: {  	_ =	shalt  }
0x6b: {  	_ =	shalt  }
0x6c: {  	_ =	shalt  }
0x6d: {  	_ =	shalt  }
0x6e: {  	_ =	shalt  }
0x6f: {  	_ =	shalt  }
0x70: {  	_ =	shalt  }
0x71: {  	_ =	shalt  }
0x72: {  	_ =	shalt  }
0x73: {  	_ =	shalt  }
0x74: {  	_ =	shalt  }
0x75: {  	_ =	shalt  }
0x76: {  	_ =	shalt  }
0x77: {  	_ =	shalt  }
0x78: {  	_ =	shalt  }
0x79: {  	_ =	shalt  }
0x7a: {  	_ =	shalt  }
0x7b: {  	_ =	shalt  }
0x7c: {  	_ =	shalt  }
0x7d: {  	_ =	shalt  }
0x7e: {  	_ =	shalt  }
0x7f: {  	_ =	shalt  }
0x80: {  	_ =	shalt  }
0x81: {  	_ =	shalt  }
0x82: {  	_ =	shalt  }
0x83: {  	_ =	shalt  }
0x84: {  	_ =	shalt  }
0x85: {  	_ =	shalt  }
0x86: {  	_ =	shalt  }
0x87: {  	_ =	shalt  }
.Lfunc_end0:
.L_simem_size_0:
called_computation.1_lowered:
.L_overlay_start_0:
0x88: {  	s2 =	sld [smem:$0x3FD9]  }
0x89: {  	s3 =	sld [smem:$0x3FFE];
	_ =	sdelay $0x1  }
0x8a: {  	s1 =	srdreg.scid  }
0x8b: {  	s0 =	sand.u32 $0x1, s1  }
0x8c: {  	s16 =	sshll.u32 s0, $0xA;
	s2 =	sadd.s32 s3, s2  }
0x8d: {  	s2 =	sadd.s32 s2, s16  }
0x8e: {  	[smem:$0x3FB7] =	sst s2  }
0x8f: {  	_ = 	snop  }
0x90: {  	(tm) =	ssettm $0x1  }
0x91: {  	s17 =	sld [smem:$0x3FFB];
	_ =	sdelay $0x3  }
0x92: {  	_ =	strace s17  }
0x93: {  	s2 =	sld [smem:$0x3FFC];
	_ =	sdelay $0x3  }
0x94: {  	_ =	strace s2  }
0x95: {  	s2 =	sld [smem:$0x3FFD];
	_ =	sdelay $0x3  }
0x96: {  	_ =	strace s2  }
0x97: {  	_ =	strace $0x8FFFFFFF  }
0x98: {  	s18 =	sld [smem:$0x3FDB];
	_ =	sdelay $0x1  }
0x99: {  	s19 =	simm.s32 $_scs_section_size  }
0x9a: {  	s4 =	simm.s32 $_size__tile_overlayer_lowered;
	s5 =	simm.s32 $_tile_overlayer_lowered  }
0x9b: {  	s22 =	simm.s32 $0x1BFF;
	s21 =	sshll.u32 s5, $0x1;
	s2 =	sadd.s32 s19, s18  }
0x9c: {  	s6 =	simm.s32 $0x0;
	s20 =	sshll.u32 s4, $0x1;
	s4 =	sadd.s32 s21, s2  }
0x9d: {  	[timem:s6], [sflag:s22] =	dma.local [hbm:s4], s20  }
0x9e: {  	_ =	swait.ge [sflag:s22], s20  }
0x9f: {  	s3 =	ssub.s32 $0x0, s20;
	[sflag:s22] =	ssyncset.done $0x0  }
0xa0: {  	[sflag:s22] =	ssyncadd.s32 s3;
	_ =	sdelay $0x1  }
0xa1: {  	s23 =	simm.s32 $0x1B8B  }
0xa2: {  	_ =	swait.ge [sflag:s23], $0x1  }
0xa3: {  	[sflag:s23] =	ssyncset.done $0x0  }
0xa4: {  	s25 =	simm.s32 $0x1B8E;
	s24 =	sld [smem:$0x3FFE];
	[sflag:s23] =	ssyncadd.s32 $0xFFFFFFFF  }
0xa5: {  	s26 =	simm.s32 $execute0_lowered;
	[smem:$0x3FD2] =	sst s25  }
0xa6: {  	s4 =	sshll.u32 s26, $0x1;
	_ =	strace $0x80000049;
	[dreg:$0x1] =	wrdreg $0xFFFFFFFF  }
0xa7: {  	s28 =	simm.s32 $_size_execute0_lowered;
	s2 =	sadd.s32 s2, s4;
	[dreg:$0x0] =	wrdreg $0x0  }
0xa8: {  	s4 =	sshll.u32 s28, $0x1;
	[dreg:$0x2] =	wrdreg s2  }
0xa9: {  	[dreg:$0x3] =	wrdreg s4  }
0xaa: {  	[dreg:$0x4] =	wrdreg $0xC0  }
0xab: {  	_ =	task [dreg:s6], $0x5FFFF  }
0xac: {  	[dreg:$0x1] =	wrdreg $0xFFFFFFFF  }
0xad: {  	[dreg:$0x0] =	wrdreg $0x60  }
0xae: {  	[dreg:$0x2] =	wrdreg s24  }
0xaf: {  	[dreg:$0x3] =	wrdreg $0x0  }
0xb0: {  	[dreg:$0x4] =	wrdreg $0x9  }
0xb1: {  	_ =	task.clear_ibuf [dreg:s6], $0x5FFFF;
	_ =	strace $0x90000049  }
0xb2: {  	s29 =	simm.s32 $0x9;
	_ =	strace $0x8000004B  }
0xb3: {  	_ =	swait.ge [sflag:s29], $0x1  }
0xb4: {  	[sflag:s29] =	ssyncadd.s32 $0xFFFFFFFF  }
0xb5: {  	_ =	strace $0x9000004B  }
0xb6: {  	_ =	sfence  }
0xb7: {  	s30 =	sld [smem:$0x0];
	_ =	sdelay $0x2  }
0xb8: {  	s31 =	sshll.u32 s1, $0xD;
	s1 =	sshrl.u32 s1, $0x2  }
0xb9: {  	s3 =	sand.u32 $0x4000, s31;
	s1 =	sadd.s32 s1, s30  }
0xba: {  	s0 =	sor.u32 s3, s0;
	s1 =	sshll.u32 s1, $0x11  }
0xbb: {  	s0 =	sor.u32 s1, s0  }
0xbc: {  	s0 =	sadd.s32 $0x8F2B, s0  }
0xbd: {  	[sflag:s0] =	ssyncadd.remote.s32 $0x1  }
0xbe: {  	_ =	sfence.sel $0xFFFF  }
0xbf: {  	[dreg:$0x0] =	wrdreg $0xFFFFFFFF;
	(pc) =	sbr.abs _section_cstart, $3  }
0xc0: {  	[dreg:$0x1] =	wrdreg $0xFFFFFFFF  }
0xc1: {  	_ =	task.clear_ibuf [dreg:s6], $0x2FFFF;
	_ =	strace $0x9FFFFFFF  }
0xc2: {  	(tm) =	ssettm $0x7FFFFFFF  }
0xc3: {  	_ =	shalt  }
tec
execute0_lowered:
.L_overlay_start_1:
0x0: {  	(tag) =	ssettag $0x1  }
0x1: {  	s0 =	srdreg.scid;
	s8 =	rddreg [dreg:$0x0]  }
0x2: {  	s14 =	stileid.u32;
	s2 =	rddreg [dreg:$0x1]  }
0x3: {  	s3 =	simm.s32 $0x0;
	s16 =	simm.s32 $0xD;
	s17 =	simm.s32 $0x9E00  }
0x4: {  	s19 =	simm.s32 $0x40;
	s20 =	simm.s32 $0x80;
	s22 =	simm.s32 $0x50  }
0x5: {  	s28 =	simm.s32 $0xC;
	s29 =	simm.s32 $0x9;
	s30 =	simm.s32 $0x0  }
0x6: {  	s0 =	sand.u32 $0x1, s0;
	s1 =	sshll.u32 s14, $0x1;
	s6 =	smul.u32 $0x9E00, s14  }
0x7: {  	[smem:$0x7FF] =	sst s3;
	s1 =	sor.u32 s0, s1;
	s9 =	smul.u32 $0x9E000, s0  }
0x8: {  	s31 =	sshll.u32 s14, $0x6;
	_ =	strace $0x8000004A;
	s5 =	smul.u32 $0x138800, s1  }
0x9: {  	s0 =	ssub.s32 $0x2, s0;
	s4 =	smul.u32 $0x2710, s1;
	s26 =	sshrl.u32 s6, $0x3  }
0xa: {  	s11 =	sshrl.u32 s0, $0x1;
	s15 =	sadd.s32 s6, s2;
	s1 =	smul.u32 $0x27100, s1  }
0xb: {  	s25 =	sadd.s32 s6, s9;
	s9 =	sadd.s32 s26, s8;
	s0 =	ssub.s32 s0, s11  }
0xc: {  	s15 =	sshrl.u32 s15, $0x3;
	s26 =	simm.s32 $0x10020;
	s7 =	sshrl.u32 s5, $0x3  }
0xd: {  	s5 =	sadd.s32 $0x3E600, s8;
	s24 =	sshrl.u32 s4, $0x3;
	s6 =	sadd.s32 $0x3800, s9  }
0xe: {  	s12 =	sadd.s32 s7, s8;
	s10 =	sadd.s32 s24, s8;
	s7 =	sshrl.u32 s25, $0x3  }
0xf: {  	s13 =	sadd.s32 s7, s8;
	s7 =	sor.u32 $0x1C0D, s31;
	s8 =	sadd.s32 $0x534208, s8  }
0x10: {  	s14 =	smax.u32 s0, $0x1;
	s9 =	sadd.s32 $0x52A400, s10;
	s10 =	sadd.s32 $0x520600, s10  }
0x11: {  	s12 =	sadd.s32 $0x534708, s12;
	s11 =	sadd.s32 s1, s8;
	s13 =	sadd.s32 $0x52200, s13  }
.LBB2_1:
0x12: {  	[spmem:s15], [sflag:s7] =	dma.local [hbm:s6], $0x13C0  }
0x13: {  	_ =	swait.ge [sflag:s16], $0x13C0  }
0x14: {  	[sflag:s16] =	ssyncset.done $0x0  }
0x15: {  	[sflag:s16] =	ssyncadd.s32 $0xFFFFEC40  }
0x16: {  	[tilespmem:s17], [sflag:$0xD] =	stream.linear.gather [hbm4b:s9+s3], $0x2710, $0x38;
	[tilespmem:$0x18C20] =	vst v63  }
0x17: {  	_ =	swait.ge [sflag:s16], $0x2710  }
0x18: {  	[sflag:s16] =	ssyncset.done $0x0  }
0x19: {  	s0 =	simm.s32 $0xC510;
	[sflag:s16] =	ssyncadd.s32 $0xFFFFD8F0  }
0x1a: {  	[tilespmem:s0], [sflag:$0xD] =	stream.linear.gather [hbm4b:s10+s3], $0x2710, $0x38;
	[tilespmem:$0x18C20] =	vst v63  }
0x1b: {  	_ =	swait.ge [sflag:s16], $0x2710  }
0x1c: {  	[sflag:s16] =	ssyncset.done $0x0  }
0x1d: {  	[sflag:s16] =	ssyncadd.s32 $0xFFFFD8F0  }
0x1e: {  	s21 =	simm.s32 $0x13C20;
	[bflag:$0x0] =	sbarrier.arrive $0xFFFF  }
0x1f: {  	[tilespmem:s21], [sflag:$0x5] =	stream.strided.gather [hbm4b:s11+s19], $0x1400, s20, s19, $0x38;
	[tilespmem:$0x18C20] =	vst v63  }
0x20: {  	s23 =	simm.s32 $0xEC20  }
0x21: {  	[tilespmem:s23], [sflag:$0x1] =	stream.indirect.gather [hbm4b:s5+s22], $0x40, s17, s22, $0xb8;
	[tilespmem:$0x18C20] =	vst v63  }
0x22: {  	s24 =	simm.s32 $0x15020  }
0x23: {  	[tilespmem:s24], [sflag:$0x6] =	stream.strided.gather [hbm4b:s12+s19], $0x1400, s20, s19, $0x38;
	[tilespmem:$0x18C20] =	vst v63  }
0x24: {  	s25 =	simm.s32 $0x9E50;
	s31 =	simm.s32 $0x0;
	s1 =	simm.s32 $0x0  }
0x25: {  	[tilespmem:s26], [sflag:$0x2] =	stream.indirect.gather [hbm4b:s5+s22], $0x40, s25, s22, $0xb8;
	[tilespmem:$0x18C20] =	vst v63  }
.LBB2_2:
0x26: {  	s18 =	sadd.s32 $0x2, s1;
	p0 =	slt.u32 s1, $0x2  }
0x27: {  	s0 =	sand.u32 $0x3, s18;
	p1 =	sgt.u32 @!p0 s1, $0x7A  }
0x28: {  	s21 =	sadd.s32 @!p0 $0x9, s0;
	p1 =	por p0, !p1  }
0x29: {  	_ =	swait.ge @!p0 [sflag:s21], $0x1400;
	s18 =	smul.u32 @p1 $0x50, s18  }
0x2a: {  	[sflag:s21] =	ssyncset.done @!p0 $0x0  }
0x2b: {  	[sflag:s21] =	ssyncadd.s32 @!p0 $0xFFFFEC00;
	s21 =	sadd.s32 @p1 s4, s18  }
0x2c: {  	s23 =	smul.u32 @p1 $0x1400, s0;
	s21 =	sshll.u32 @p1 s21, $0x4  }
0x2d: {  	s21 =	sand.u32 @p1 $0x1FFFFF00, s21  }
0x2e: {  	s25 =	sadd.s32 @p1 $0x5, s0;
	s24 =	sadd.s32 @p1 $0x13C20, s23;
	s21 =	sadd.s32 @p1 s21, s8  }
0x2f: {  	[tilespmem:s24], [sflag:s25] =	stream.strided.gather @p1 [hbm4b:s21+s19], $0x1400, s20, s19, $0x38;
	[tilespmem:$0x18C20] =	vst v63  }
0x30: {  	s0 =	sadd.s32 @p1 $0x1, s0;
	s18 =	sadd.s32 @p1 $0x9E00, s18;
	s21 =	sadd.s32 @p1 $0xEC20, s23  }
0x31: {  	[tilespmem:s21], [sflag:s0] =	stream.indirect.gather @p1 [hbm4b:s5+s22], $0x40, s18, s22, $0xb8;
	[tilespmem:$0x18C20] =	vst v63  }
0x32: {  	s0 =	sand.u32 $0x3, s1  }
0x33: {  	s23 =	sadd.s32 $0x5, s0  }
0x34: {  	_ =	swait.ge [sflag:s23], $0x1400  }
0x35: {  	s24 =	sand.u32 $0x3, s31;
	[sflag:s23] =	ssyncset.done $0x0  }
0x36: {  	s21 =	smul.u32 $0x5000, s24;
	s25 =	sadd.s32 $0x1, s0;
	[sflag:s23] =	ssyncadd.s32 $0xFFFFEC00  }
0x37: {  	_ =	swait.ge [sflag:s25], $0x1400  }
0x38: {  	s21 =	sshrl.u32 s21, $0x2;
	[sflag:s25] =	ssyncset.done $0x0  }
0x39: {  	s18 =	sadd.s32 $0xECA0, s21;
	[sflag:s25] =	ssyncadd.s32 $0xFFFFEC00  }
0x3a: {  	s21 =	sadd.s32 $0x13CA0, s21;
	v0 =	vld [tilespmem:s18+$0xFFFFFF80]  }
0x3b: {  	v1 =	vld [tilespmem:s21+$0xFFFFFF80];
	_ =	sdelay $0x4  }
0x3c: {  	v0 =	vadd.f32 v1, v0;
	_ =	sdelay $0x1  }
0x3d: {  	v0 =	vmax.f32 v0, $0.0e+00  }
0x3e: {  	[tilespmem:s18+$0xFFFFFF80] =	vst v0;
	v0 =	vld [tilespmem:s18+$0xFFFFFF90]  }
0x3f: {  	v1 =	vld [tilespmem:s21+$0xFFFFFF90];
	_ =	sdelay $0x4  }
0x40: {  	v0 =	vadd.f32 v1, v0;
	_ =	sdelay $0x1  }
0x41: {  	v0 =	vmax.f32 v0, $0.0e+00  }
0x42: {  	[tilespmem:s18+$0xFFFFFF90] =	vst v0;
	v0 =	vld [tilespmem:s18+$0xFFFFFFA0]  }
0x43: {  	v1 =	vld [tilespmem:s21+$0xFFFFFFA0];
	_ =	sdelay $0x4  }
0x44: {  	v0 =	vadd.f32 v1, v0;
	_ =	sdelay $0x1  }
0x45: {  	v0 =	vmax.f32 v0, $0.0e+00  }
0x46: {  	[tilespmem:s18+$0xFFFFFFA0] =	vst v0;
	v0 =	vld [tilespmem:s18+$0xFFFFFFB0]  }
0x47: {  	v1 =	vld [tilespmem:s21+$0xFFFFFFB0];
	_ =	sdelay $0x4  }
0x48: {  	v0 =	vadd.f32 v1, v0;
	_ =	sdelay $0x1  }
0x49: {  	v0 =	vmax.f32 v0, $0.0e+00  }
0x4a: {  	[tilespmem:s18+$0xFFFFFFB0] =	vst v0;
	v0 =	vld [tilespmem:s18+$0xFFFFFFC0]  }
0x4b: {  	v1 =	vld [tilespmem:s21+$0xFFFFFFC0];
	_ =	sdelay $0x4  }
0x4c: {  	v0 =	vadd.f32 v1, v0;
	_ =	sdelay $0x1  }
0x4d: {  	v0 =	vmax.f32 v0, $0.0e+00  }
0x4e: {  	[tilespmem:s18+$0xFFFFFFC0] =	vst v0;
	v0 =	vld [tilespmem:s18+$0xFFFFFFD0]  }
0x4f: {  	v1 =	vld [tilespmem:s21+$0xFFFFFFD0];
	_ =	sdelay $0x4  }
0x50: {  	v0 =	vadd.f32 v1, v0;
	_ =	sdelay $0x1  }
0x51: {  	v0 =	vmax.f32 v0, $0.0e+00  }
0x52: {  	[tilespmem:s18+$0xFFFFFFD0] =	vst v0;
	v0 =	vld [tilespmem:s18+$0xFFFFFFE0]  }
0x53: {  	v1 =	vld [tilespmem:s21+$0xFFFFFFE0];
	_ =	sdelay $0x4  }
0x54: {  	v0 =	vadd.f32 v1, v0;
	_ =	sdelay $0x1  }
0x55: {  	v0 =	vmax.f32 v0, $0.0e+00  }
0x56: {  	[tilespmem:s18+$0xFFFFFFE0] =	vst v0;
	v0 =	vld [tilespmem:s18+$0xFFFFFFF0]  }
0x57: {  	v1 =	vld [tilespmem:s21+$0xFFFFFFF0];
	_ =	sdelay $0x4  }
0x58: {  	v0 =	vadd.f32 v1, v0;
	_ =	sdelay $0x1  }
0x59: {  	v0 =	vmax.f32 v0, $0.0e+00  }
0x5a: {  	[tilespmem:s18+$0xFFFFFFF0] =	vst v0;
	v0 =	vld [tilespmem:s18+$0x0]  }
0x5b: {  	v1 =	vld [tilespmem:s21+$0x0];
	_ =	sdelay $0x4  }
0x5c: {  	v0 =	vadd.f32 v1, v0;
	_ =	sdelay $0x1  }
0x5d: {  	v0 =	vmax.f32 v0, $0.0e+00  }
0x5e: {  	[tilespmem:s18+$0x0] =	vst v0;
	v0 =	vld [tilespmem:s18+$0x10]  }
0x5f: {  	v1 =	vld [tilespmem:s21+$0x10];
	_ =	sdelay $0x4  }
0x60: {  	v0 =	vadd.f32 v1, v0;
	_ =	sdelay $0x1  }
0x61: {  	v0 =	vmax.f32 v0, $0.0e+00  }
0x62: {  	[tilespmem:s18+$0x10] =	vst v0;
	v0 =	vld [tilespmem:s18+$0x20]  }
0x63: {  	v1 =	vld [tilespmem:s21+$0x20];
	_ =	sdelay $0x4  }
0x64: {  	v0 =	vadd.f32 v1, v0;
	_ =	sdelay $0x1  }
0x65: {  	v0 =	vmax.f32 v0, $0.0e+00  }
0x66: {  	[tilespmem:s18+$0x20] =	vst v0;
	v0 =	vld [tilespmem:s18+$0x30]  }
0x67: {  	v1 =	vld [tilespmem:s21+$0x30];
	_ =	sdelay $0x4  }
0x68: {  	v0 =	vadd.f32 v1, v0;
	_ =	sdelay $0x1  }
0x69: {  	v0 =	vmax.f32 v0, $0.0e+00  }
0x6a: {  	[tilespmem:s18+$0x30] =	vst v0;
	v0 =	vld [tilespmem:s18+$0x40]  }
0x6b: {  	v1 =	vld [tilespmem:s21+$0x40];
	_ =	sdelay $0x4  }
0x6c: {  	v0 =	vadd.f32 v1, v0;
	_ =	sdelay $0x1  }
0x6d: {  	v0 =	vmax.f32 v0, $0.0e+00  }
0x6e: {  	[tilespmem:s18+$0x40] =	vst v0;
	v0 =	vld [tilespmem:s18+$0x50]  }
0x6f: {  	v1 =	vld [tilespmem:s21+$0x50];
	_ =	sdelay $0x4  }
0x70: {  	v0 =	vadd.f32 v1, v0;
	_ =	sdelay $0x1  }
0x71: {  	v0 =	vmax.f32 v0, $0.0e+00  }
0x72: {  	[tilespmem:s18+$0x50] =	vst v0;
	v0 =	vld [tilespmem:s18+$0x60]  }
0x73: {  	v1 =	vld [tilespmem:s21+$0x60];
	_ =	sdelay $0x4  }
0x74: {  	v0 =	vadd.f32 v1, v0;
	_ =	sdelay $0x1  }
0x75: {  	v0 =	vmax.f32 v0, $0.0e+00  }
0x76: {  	[tilespmem:s18+$0x60] =	vst v0;
	v0 =	vld [tilespmem:s18+$0x70]  }
0x77: {  	v1 =	vld [tilespmem:s21+$0x70];
	_ =	sdelay $0x4  }
0x78: {  	v0 =	vadd.f32 v1, v0;
	_ =	sdelay $0x1  }
0x79: {  	s24 =	simm.s32 $0x0;
	s23 =	smul.u32 $0x1400, s0;
	s25 =	sadd.s32 $0x100, s18;
	v0 =	vmax.f32 v0, $0.0e+00  }
.LBB2_3:
0x7a: {  	v1 =	vld [tilespmem:s25+$0xFFFFFF80];
	[tilespmem:s18+$0x70] =	vst v0;
	s21 =	sadd.s32 $0x100, s21;
	s18 =	smov.u32 s25  }
0x7b: {  	s24 =	sadd.s32 $0x4, s24;
	v0 =	vld [tilespmem:s21+$0xFFFFFF80]  }
0x7c: {  	p0 =	slt.u32 s24, $0x4C;
	_ =	sdelay $0x3  }
0x7d: {  	v0 =	vadd.f32 v0, v1;
	_ =	sdelay $0x1  }
0x7e: {  	v0 =	vmax.f32 v0, $0.0e+00  }
0x7f: {  	[tilespmem:s25+$0xFFFFFF80] =	vst v0;
	v0 =	vld [tilespmem:s25+$0xFFFFFF90]  }
0x80: {  	v1 =	vld [tilespmem:s21+$0xFFFFFF90];
	_ =	sdelay $0x4  }
0x81: {  	v0 =	vadd.f32 v1, v0;
	_ =	sdelay $0x1  }
0x82: {  	v0 =	vmax.f32 v0, $0.0e+00  }
0x83: {  	[tilespmem:s25+$0xFFFFFF90] =	vst v0;
	v0 =	vld [tilespmem:s25+$0xFFFFFFA0]  }
0x84: {  	v1 =	vld [tilespmem:s21+$0xFFFFFFA0];
	_ =	sdelay $0x4  }
0x85: {  	v0 =	vadd.f32 v1, v0;
	_ =	sdelay $0x1  }
0x86: {  	v0 =	vmax.f32 v0, $0.0e+00  }
0x87: {  	[tilespmem:s25+$0xFFFFFFA0] =	vst v0;
	v0 =	vld [tilespmem:s25+$0xFFFFFFB0]  }
0x88: {  	v1 =	vld [tilespmem:s21+$0xFFFFFFB0];
	_ =	sdelay $0x4  }
0x89: {  	v0 =	vadd.f32 v1, v0;
	_ =	sdelay $0x1  }
0x8a: {  	v0 =	vmax.f32 v0, $0.0e+00  }
0x8b: {  	[tilespmem:s25+$0xFFFFFFB0] =	vst v0;
	v0 =	vld [tilespmem:s25+$0xFFFFFFC0]  }
0x8c: {  	v1 =	vld [tilespmem:s21+$0xFFFFFFC0];
	_ =	sdelay $0x4  }
0x8d: {  	v0 =	vadd.f32 v1, v0;
	_ =	sdelay $0x1  }
0x8e: {  	v0 =	vmax.f32 v0, $0.0e+00  }
0x8f: {  	[tilespmem:s25+$0xFFFFFFC0] =	vst v0;
	v0 =	vld [tilespmem:s25+$0xFFFFFFD0]  }
0x90: {  	v1 =	vld [tilespmem:s21+$0xFFFFFFD0];
	_ =	sdelay $0x4  }
0x91: {  	v0 =	vadd.f32 v1, v0;
	_ =	sdelay $0x1  }
0x92: {  	v0 =	vmax.f32 v0, $0.0e+00  }
0x93: {  	[tilespmem:s25+$0xFFFFFFD0] =	vst v0;
	v0 =	vld [tilespmem:s25+$0xFFFFFFE0]  }
0x94: {  	v1 =	vld [tilespmem:s21+$0xFFFFFFE0];
	_ =	sdelay $0x4  }
0x95: {  	v0 =	vadd.f32 v1, v0;
	_ =	sdelay $0x1  }
0x96: {  	v0 =	vmax.f32 v0, $0.0e+00  }
0x97: {  	[tilespmem:s25+$0xFFFFFFE0] =	vst v0;
	v0 =	vld [tilespmem:s25+$0xFFFFFFF0]  }
0x98: {  	v1 =	vld [tilespmem:s21+$0xFFFFFFF0];
	_ =	sdelay $0x4  }
0x99: {  	v0 =	vadd.f32 v1, v0;
	_ =	sdelay $0x1  }
0x9a: {  	v0 =	vmax.f32 v0, $0.0e+00  }
0x9b: {  	[tilespmem:s25+$0xFFFFFFF0] =	vst v0;
	v0 =	vld [tilespmem:s25+$0x0]  }
0x9c: {  	v1 =	vld [tilespmem:s21+$0x0];
	_ =	sdelay $0x4  }
0x9d: {  	v0 =	vadd.f32 v1, v0;
	_ =	sdelay $0x1  }
0x9e: {  	v0 =	vmax.f32 v0, $0.0e+00  }
0x9f: {  	[tilespmem:s25+$0x0] =	vst v0;
	v0 =	vld [tilespmem:s25+$0x10]  }
0xa0: {  	v1 =	vld [tilespmem:s21+$0x10];
	_ =	sdelay $0x4  }
0xa1: {  	v0 =	vadd.f32 v1, v0;
	_ =	sdelay $0x1  }
0xa2: {  	v0 =	vmax.f32 v0, $0.0e+00  }
0xa3: {  	[tilespmem:s25+$0x10] =	vst v0;
	v0 =	vld [tilespmem:s25+$0x20]  }
0xa4: {  	v1 =	vld [tilespmem:s21+$0x20];
	_ =	sdelay $0x4  }
0xa5: {  	v0 =	vadd.f32 v1, v0;
	_ =	sdelay $0x1  }
0xa6: {  	v0 =	vmax.f32 v0, $0.0e+00  }
0xa7: {  	[tilespmem:s25+$0x20] =	vst v0;
	v0 =	vld [tilespmem:s25+$0x30]  }
0xa8: {  	v1 =	vld [tilespmem:s21+$0x30];
	_ =	sdelay $0x4  }
0xa9: {  	v0 =	vadd.f32 v1, v0;
	_ =	sdelay $0x1  }
0xaa: {  	v0 =	vmax.f32 v0, $0.0e+00  }
0xab: {  	[tilespmem:s25+$0x30] =	vst v0;
	v0 =	vld [tilespmem:s25+$0x40]  }
0xac: {  	v1 =	vld [tilespmem:s21+$0x40];
	_ =	sdelay $0x4  }
0xad: {  	v0 =	vadd.f32 v1, v0;
	_ =	sdelay $0x1  }
0xae: {  	v0 =	vmax.f32 v0, $0.0e+00  }
0xaf: {  	[tilespmem:s25+$0x40] =	vst v0;
	v0 =	vld [tilespmem:s25+$0x50]  }
0xb0: {  	v1 =	vld [tilespmem:s21+$0x50];
	_ =	sdelay $0x4  }
0xb1: {  	v0 =	vadd.f32 v1, v0;
	_ =	sdelay $0x1  }
0xb2: {  	v0 =	vmax.f32 v0, $0.0e+00  }
0xb3: {  	[tilespmem:s25+$0x50] =	vst v0;
	v0 =	vld [tilespmem:s25+$0x60]  }
0xb4: {  	v1 =	vld [tilespmem:s21+$0x60];
	_ =	sdelay $0x4  }
0xb5: {  	v0 =	vadd.f32 v1, v0;
	_ =	sdelay $0x1  }
0xb6: {  	v0 =	vmax.f32 v0, $0.0e+00  }
0xb7: {  	[tilespmem:s25+$0x60] =	vst v0;
	v0 =	vld [tilespmem:s25+$0x70]  }
0xb8: {  	v1 =	vld [tilespmem:s21+$0x70];
	_ =	sdelay $0x2  }
.Ltmp0:
0xb9: {  	(pc) =	sbr.rel @p0 .LBB2_3-.Ltmp0, $3  }
0xba: {  	_ = 	snop  }
0xbb: {  	v0 =	vadd.f32 v1, v0;
	_ =	sdelay $0x1  }
0xbc: {  	s25 =	sadd.s32 $0x100, s25;
	v0 =	vmax.f32 v0, $0.0e+00  }
0xbd: {  	s21 =	smul.u32 $0x140, s1;
	s1 =	sadd.s32 $0x1, s1  }
0xbe: {  	p0 =	sne.s32 s1, $0x7D  }
.Ltmp1:
0xbf: {  	_ = 	snop;
	(pc) =	sbr.rel @p0 .LBB2_2-.Ltmp1, $4  }
0xc0: {  	_ = 	snop  }
0xc1: {  	s25 =	sadd.s32 $0xEC20, s23;
	s21 =	sshra.s32 s21, $0x2  }
0xc2: {  	[tilespmem:s18+$0x70] =	vst v0;
	s0 =	sadd.s32 $0x9, s0;
	s31 =	sadd.s32 $0x1, s31;
	s21 =	sadd.s32 $0xC510, s21  }
0xc3: {  	[spmem:s2] =	stream.indirect.scatter.add.f32 [tilespmem:s25], [sflag:s0], $0x40, s21, s22, $0xb8;
	[tilespmem:$0x18C20] =	vst v63  }
0xc4: {  	_ =	swait.ge [sflag:s28], $0x1400  }
0xc5: {  	[sflag:s28] =	ssyncset.done $0x0  }
0xc6: {  	[sflag:s28] =	ssyncadd.s32 $0xFFFFEC00  }
0xc7: {  	_ =	swait.ge [sflag:s29], $0x1400  }
0xc8: {  	s30 =	sadd.s32 $0x1, s30;
	[sflag:s29] =	ssyncset.done $0x0  }
0xc9: {  	p0 =	sne.s32 s30, s14;
	[sflag:s29] =	ssyncadd.s32 $0xFFFFEC00  }
.Ltmp2:
0xca: {  	[bflag:$0x0] =	sbarrier.arrive $0xFFFF;
	(pc) =	sbr.rel @p0 .LBB2_1-.Ltmp2, $4  }
0xcb: {  	[hbm:s13], [sflag:s7] =	dma.local [spmem:s15], $0x13C0  }
0xcc: {  	_ =	swait.ge [sflag:s16], $0x13C0  }
0xcd: {  	[sflag:s16] =	ssyncset.done $0x0  }
0xce: {  	[sflag:s16] =	ssyncadd.s32 $0xFFFFEC40  }
0xcf: {  	_ =	sfence.sel $0x180000  }
0xd0: {  	[bflag:$0x0] =	sbarrier.arrive $0xFFFF  }
0xd1: {  	_ =	strace $0x9000004A  }
0xd2: {  	s0 =	stileid.u32;
	[bflag:$0x2] =	sbarrier.arrive $0xFFFF  }
0xd3: {  	p0 =	sne.s32 s0, $0x0;
	s0 =	rddreg [dreg:$0x2]  }
0xd4: {  	s0 =	sadd.s32 @!p0 $0x100000, s0  }
0xd5: {  	[sflag:s0] =	ssyncadd.tile.s32 @!p0 $0x1;
	_ =	shalt  }
.Lfunc_end2:
_tile_overlayer_lowered:
.L_overlay_start_2:
0xd6: {  	(tag) =	ssettag $0x2  }
0xd7: {  	s0 =	rddreg [dreg:$0x0];
	s2 =	stileid.u32  }
0xd8: {  	s1 =	rddreg [dreg:$0x1];
	p0 =	sne.s32 s2, $0x0  }
0xd9: {  	s3 =	rddreg [dreg:$0x2];
	[bflag:$0x3] =	sbarrier.arrive $0xFFFF;
	s2 =	simm.s32 @!p0 $0x1C0D  }
0xda: {  	[timem:s3], [sflag:s2] =	dma.local @!p0 [hbm:s0], s1  }
0xdb: {  	s0 =	simm.s32 @!p0 $0xD  }
0xdc: {  	_ =	swait.ge @!p0 [sflag:s0], s1  }
0xdd: {  	s1 =	ssub.s32 @!p0 $0x0, s1;
	[sflag:s0] =	ssyncset.done @!p0 $0x0  }
0xde: {  	[sflag:s0] =	ssyncadd.s32 @!p0 s1  }
0xdf: {  	[bflag:$0x3] =	sbarrier.arrive $0xFFFF  }
0xe0: {  	_ =	shalt  }

// kernel: kernel.8.cloned.1.call-start
scs
__scs_entry_jumppad:
0x0: {  	(pc) =	sbr.rel $0x88, $3  }
0x1: {  	(tag) =	ssettag $0x0;
	lr =	simm.s32 $0x1  }
0x2: {  	[smem:$0x3F90] =	sst lr;
	_ =	strace $0xD0000000  }
0x3: {  	_ = 	snop  }
0x4: {  	_ = 	snop  }
0x5: {  	_ = 	snop  }
0x6: {  	_ = 	snop  }
0x7: {  	_ = 	snop  }
__scs_overlays_trampoline_lowered:
0x8: {  	[smem:$0x3F9F] =	sst s0  }
0x9: {  	[smem:$0x3FA0] =	sst s1  }
0xa: {  	[smem:$0x3FA1] =	sst s2  }
0xb: {  	[smem:$0x3FA2] =	sst s3  }
0xc: {  	[smem:$0x3FA3] =	sst s4  }
0xd: {  	[smem:$0x3FA4] =	sst s5  }
0xe: {  	[smem:$0x3FA5] =	sst s6  }
0xf: {  	[smem:$0x3FA6] =	sst s7  }
0x10: {  	[smem:$0x3FA7] =	sst s8  }
0x11: {  	[smem:$0x3FA8] =	sst s9;
	s0 =	simm.s32 @!p0 $0x0  }
0x12: {  	s1 =	sld [smem:$0x3F8E];
	s0 =	simm.s32 @p0 $0x1  }
0x13: {  	[smem:$0x3FA9] =	sst s0;
	s0 =	simm.s32 @!p1 $0x0  }
0x14: {  	s2 =	sld [smem:$0x3F8D];
	s0 =	simm.s32 @p1 $0x1  }
0x15: {  	[smem:$0x3FAA] =	sst s0;
	s0 =	simm.s32 @!p2 $0x0  }
0x16: {  	s3 =	sld [smem:$0x3FDB];
	s0 =	simm.s32 @p2 $0x1  }
0x17: {  	s4 =	simm.s32 $0x1BF5;
	[smem:$0x3FAC] =	sst s0  }
0x18: {  	s0 =	sld [smem:$0x3F8F];
	_ =	swait.ge [sflag:s4], $0x0  }
0x19: {  	s7 =	sld [smem:$0x3F90]  }
0x1a: {  	s8 =	sadd.s32 $0xFFFFE003, lr  }
0x1b: {  	s9 =	sadd.s32 $0xFFFFFEF7, lr;
	s5 =	simm.s32 $0xFFFFFFFF;
	p2 =	slt.u32 s8, $0xFFFFF086  }
0x1c: {  	p1 =	slt.u32 s9, $0xF7A;
	s5 =	simm.s32 @!p2 $0x0  }
0x1d: {  	s5 =	simm.s32 @p1 $0x1;
	p0 =	seq.s32 s7, s2  }
0x1e: {  	s7 =	smul.u32 @!p0 $0xF7A, s2;
	p2 =	seq.s32 @!p0 s5, $0x0  }
0x1f: {  	s9 =	smul.u32 $0xF7A, s1;
	s8 =	simm.s32 @!p0 $0x1BF5;
	p2 =	por !p2, p0  }
0x20: {  	[sflag:s8] =	ssyncset.s32 @!p0 $0xFFFFF086;
	s6 =	sadd.s32 @!p0 s3, s7;
	s7 =	simm.s32 @!p0 $0x108  }
0x21: {  	s3 =	sadd.s32 s3, s9;
	s6 =	sadd.s32 @!p0 $0x88, s6;
	s7 =	simm.s32 @p2 $0x1082  }
0x22: {  	[simem:s7], [sflag:s8] =	dma.local @!p0 [hbm:s6], $0xF7A  }
0x23: {  	s9 =	sor.u32 $0xD0000000, s2;
	s6 =	simm.s32 $0x108;
	_ =	swait.ge @!p0 [sflag:s8], $0x0  }
0x24: {  	s3 =	sadd.s32 $0x88, s3;
	s6 =	simm.s32 @!p1 $0x1082;
	[sflag:s4] =	ssyncset.s32 $0xFFFFF086  }
0x25: {  	[simem:s6], [sflag:s4] =	dma.local [hbm:s3], $0xF7A  }
0x26: {  	[smem:$0x3F90] =	sst s1;
	(tag) =	ssettag s2;
	_ =	strace s9  }
0x27: {  	s1 =	sld [smem:$0x3FA0]  }
0x28: {  	s2 =	sld [smem:$0x3FA1]  }
0x29: {  	s4 =	sld [smem:$0x3FA3]  }
0x2a: {  	p0 =	seq.s32 s5, $0x0;
	s5 =	sld [smem:$0x3FA4]  }
0x2b: {  	s6 =	sld [smem:$0x3FA5]  }
0x2c: {  	s7 =	sld [smem:$0x3FA6]  }
0x2d: {  	s3 =	simm.s32 $0x108;
	s8 =	sld [smem:$0x3FA7]  }
0x2e: {  	s3 =	simm.s32 @!p0 $0x1082;
	s9 =	sld [smem:$0x3FA8]  }
0x2f: {  	lr =	sadd.s32 s0, s3;
	s0 =	sld [smem:$0x3F9F]  }
0x30: {  	s3 =	sld [smem:$0x3FA2]  }
0x31: {  	[smem:$0x3FAB] =	sst s10  }
0x32: {  	s10 =	sld [smem:$0x3FA9];
	_ =	sdelay $0x3  }
0x33: {  	p0 =	seq.s32 s10, $0x1;
	s10 =	sld [smem:$0x3FAB];
	_ =	sdelay $0x3  }
0x34: {  	[smem:$0x3FAB] =	sst s10  }
0x35: {  	s10 =	sld [smem:$0x3FAA];
	_ =	sdelay $0x3  }
0x36: {  	p1 =	seq.s32 s10, $0x1;
	s10 =	sld [smem:$0x3FAB];
	_ =	sdelay $0x3  }
0x37: {  	[smem:$0x3FAB] =	sst s10  }
0x38: {  	s10 =	sld [smem:$0x3FAC]  }
0x39: {  	_ = 	snop;
	(pc) =	sbr.ind lr, $3  }
0x3a: {  	_ = 	snop  }
0x3b: {  	_ = 	snop  }
0x3c: {  	p2 =	seq.s32 s10, $0x1;
	s10 =	sld [smem:$0x3FAB]  }
0x3d: {  	_ =	shalt  }
0x3e: {  	_ =	shalt  }
0x3f: {  	_ =	shalt  }
0x40: {  	_ =	shalt  }
0x41: {  	_ =	shalt  }
0x42: {  	_ =	shalt  }
0x43: {  	_ =	shalt  }
0x44: {  	_ =	shalt  }
0x45: {  	_ =	shalt  }
0x46: {  	_ =	shalt  }
0x47: {  	_ =	shalt  }
0x48: {  	_ =	shalt  }
0x49: {  	_ =	shalt  }
0x4a: {  	_ =	shalt  }
0x4b: {  	_ =	shalt  }
0x4c: {  	_ =	shalt  }
0x4d: {  	_ =	shalt  }
0x4e: {  	_ =	shalt  }
0x4f: {  	_ =	shalt  }
0x50: {  	_ =	shalt  }
0x51: {  	_ =	shalt  }
0x52: {  	_ =	shalt  }
0x53: {  	_ =	shalt  }
0x54: {  	_ =	shalt  }
0x55: {  	_ =	shalt  }
0x56: {  	_ =	shalt  }
0x57: {  	_ =	shalt  }
0x58: {  	_ =	shalt  }
0x59: {  	_ =	shalt  }
0x5a: {  	_ =	shalt  }
0x5b: {  	_ =	shalt  }
0x5c: {  	_ =	shalt  }
0x5d: {  	_ =	shalt  }
0x5e: {  	_ =	shalt  }
0x5f: {  	_ =	shalt  }
0x60: {  	_ =	shalt  }
0x61: {  	_ =	shalt  }
0x62: {  	_ =	shalt  }
0x63: {  	_ =	shalt  }
0x64: {  	_ =	shalt  }
0x65: {  	_ =	shalt  }
0x66: {  	_ =	shalt  }
0x67: {  	_ =	shalt  }
0x68: {  	_ =	shalt  }
0x69: {  	_ =	shalt  }
0x6a: {  	_ =	shalt  }
0x6b: {  	_ =	shalt  }
0x6c: {  	_ =	shalt  }
0x6d: {  	_ =	shalt  }
0x6e: {  	_ =	shalt  }
0x6f: {  	_ =	shalt  }
0x70: {  	_ =	shalt  }
0x71: {  	_ =	shalt  }
0x72: {  	_ =	shalt  }
0x73: {  	_ =	shalt  }
0x74: {  	_ =	shalt  }
0x75: {  	_ =	shalt  }
0x76: {  	_ =	shalt  }
0x77: {  	_ =	shalt  }
0x78: {  	_ =	shalt  }
0x79: {  	_ =	shalt  }
0x7a: {  	_ =	shalt  }
0x7b: {  	_ =	shalt  }
0x7c: {  	_ =	shalt  }
0x7d: {  	_ =	shalt  }
0x7e: {  	_ =	shalt  }
0x7f: {  	_ =	shalt  }
0x80: {  	_ =	shalt  }
0x81: {  	_ =	shalt  }
0x82: {  	_ =	shalt  }
0x83: {  	_ =	shalt  }
0x84: {  	_ =	shalt  }
0x85: {  	_ =	shalt  }
0x86: {  	_ =	shalt  }
0x87: {  	_ =	shalt  }
.Lfunc_end0:
.L_simem_size_0:
called_computation_lowered:
.L_overlay_start_0:
0x88: {  	s2 =	sld [smem:$0x3FD9]  }
0x89: {  	s3 =	sld [smem:$0x3FFE];
	_ =	sdelay $0x1  }
0x8a: {  	s1 =	srdreg.scid  }
0x8b: {  	s0 =	sand.u32 $0x1, s1  }
0x8c: {  	s16 =	sshll.u32 s0, $0xA;
	s2 =	sadd.s32 s3, s2  }
0x8d: {  	s2 =	sadd.s32 s2, s16  }
0x8e: {  	[smem:$0x3FB7] =	sst s2  }
0x8f: {  	_ = 	snop  }
0x90: {  	(tm) =	ssettm $0x1  }
0x91: {  	s17 =	sld [smem:$0x3FFB];
	_ =	sdelay $0x3  }
0x92: {  	_ =	strace s17  }
0x93: {  	s2 =	sld [smem:$0x3FFC];
	_ =	sdelay $0x3  }
0x94: {  	_ =	strace s2  }
0x95: {  	s2 =	sld [smem:$0x3FFD];
	_ =	sdelay $0x3  }
0x96: {  	_ =	strace s2  }
0x97: {  	_ =	strace $0x8FFFFFFF  }
0x98: {  	s18 =	sld [smem:$0x3FDB];
	_ =	sdelay $0x1  }
0x99: {  	s19 =	simm.s32 $_scs_section_size  }
0x9a: {  	s4 =	simm.s32 $_size__tile_overlayer_lowered;
	s5 =	simm.s32 $_tile_overlayer_lowered  }
0x9b: {  	s22 =	simm.s32 $0x1BFF;
	s21 =	sshll.u32 s5, $0x1;
	s2 =	sadd.s32 s19, s18  }
0x9c: {  	s6 =	simm.s32 $0x0;
	s20 =	sshll.u32 s4, $0x1;
	s4 =	sadd.s32 s21, s2  }
0x9d: {  	[timem:s6], [sflag:s22] =	dma.local [hbm:s4], s20  }
0x9e: {  	_ =	swait.ge [sflag:s22], s20  }
0x9f: {  	s3 =	ssub.s32 $0x0, s20;
	[sflag:s22] =	ssyncset.done $0x0  }
0xa0: {  	[sflag:s22] =	ssyncadd.s32 s3;
	_ =	sdelay $0x1  }
0xa1: {  	s23 =	simm.s32 $0x1B8B  }
0xa2: {  	_ =	swait.ge [sflag:s23], $0x1  }
0xa3: {  	[sflag:s23] =	ssyncset.done $0x0  }
0xa4: {  	s25 =	simm.s32 $0x1B8E;
	s24 =	sld [smem:$0x3FFE];
	[sflag:s23] =	ssyncadd.s32 $0xFFFFFFFF  }
0xa5: {  	s26 =	simm.s32 $execute0_lowered;
	[smem:$0x3FD2] =	sst s25  }
0xa6: {  	s4 =	sshll.u32 s26, $0x1;
	_ =	strace $0x80000046;
	[dreg:$0x1] =	wrdreg $0xFFFFFFFF  }
0xa7: {  	s28 =	simm.s32 $_size_execute0_lowered;
	s2 =	sadd.s32 s2, s4;
	[dreg:$0x0] =	wrdreg $0x0  }
0xa8: {  	s4 =	sshll.u32 s28, $0x1;
	[dreg:$0x2] =	wrdreg s2  }
0xa9: {  	[dreg:$0x3] =	wrdreg s4  }
0xaa: {  	[dreg:$0x4] =	wrdreg $0xC0  }
0xab: {  	_ =	task [dreg:s6], $0x5FFFF  }
0xac: {  	[dreg:$0x1] =	wrdreg $0xFFFFFFFF  }
0xad: {  	[dreg:$0x0] =	wrdreg $0x60  }
0xae: {  	[dreg:$0x2] =	wrdreg s24  }
0xaf: {  	[dreg:$0x3] =	wrdreg $0x0  }
0xb0: {  	[dreg:$0x4] =	wrdreg $0x9  }
0xb1: {  	_ =	task.clear_ibuf [dreg:s6], $0x5FFFF;
	_ =	strace $0x90000046  }
0xb2: {  	s29 =	simm.s32 $0x9;
	_ =	strace $0x80000048  }
0xb3: {  	_ =	swait.ge [sflag:s29], $0x1  }
0xb4: {  	[sflag:s29] =	ssyncadd.s32 $0xFFFFFFFF  }
0xb5: {  	_ =	strace $0x90000048  }
0xb6: {  	_ =	sfence  }
0xb7: {  	s30 =	sld [smem:$0x0];
	_ =	sdelay $0x2  }
0xb8: {  	s31 =	sshll.u32 s1, $0xD;
	s1 =	sshrl.u32 s1, $0x2  }
0xb9: {  	s3 =	sand.u32 $0x4000, s31;
	s1 =	sadd.s32 s1, s30  }
0xba: {  	s0 =	sor.u32 s3, s0;
	s1 =	sshll.u32 s1, $0x11  }
0xbb: {  	s0 =	sor.u32 s1, s0  }
0xbc: {  	s0 =	sadd.s32 $0x8F2B, s0  }
0xbd: {  	[sflag:s0] =	ssyncadd.remote.s32 $0x1  }
0xbe: {  	_ =	sfence.sel $0xFFFF  }
0xbf: {  	[dreg:$0x0] =	wrdreg $0xFFFFFFFF;
	(pc) =	sbr.abs _section_cstart, $3  }
0xc0: {  	[dreg:$0x1] =	wrdreg $0xFFFFFFFF  }
0xc1: {  	_ =	task.clear_ibuf [dreg:s6], $0x2FFFF;
	_ =	strace $0x9FFFFFFF  }
0xc2: {  	(tm) =	ssettm $0x7FFFFFFF  }
0xc3: {  	_ =	shalt  }
tec
execute0_lowered:
.L_overlay_start_1:
0x0: {  	(tag) =	ssettag $0x1  }
0x1: {  	s0 =	srdreg.scid;
	s7 =	rddreg [dreg:$0x0]  }
0x2: {  	s14 =	stileid.u32;
	s2 =	rddreg [dreg:$0x1]  }
0x3: {  	s4 =	simm.s32 $0x0;
	s16 =	simm.s32 $0xD;
	s17 =	simm.s32 $0x9E00  }
0x4: {  	s19 =	simm.s32 $0x40;
	s20 =	simm.s32 $0x80;
	s22 =	simm.s32 $0x50  }
0x5: {  	s28 =	simm.s32 $0xC;
	s29 =	simm.s32 $0x9;
	s30 =	simm.s32 $0x0  }
0x6: {  	s0 =	sand.u32 $0x1, s0;
	s8 =	smul.u32 $0x9E00, s14;
	[smem:$0x7FF] =	sst s4  }
0x7: {  	s1 =	sshll.u32 s14, $0x1;
	s5 =	sadd.s32 $0x50CA00, s7;
	s6 =	sadd.s32 $0x534200, s7  }
0x8: {  	s26 =	sshll.u32 s14, $0x6;
	s1 =	sor.u32 s0, s1;
	s9 =	smul.u32 $0x9E000, s0  }
0x9: {  	_ =	strace $0x80000047;
	s0 =	ssub.s32 $0x2, s0;
	s3 =	smul.u32 $0x2710, s1  }
0xa: {  	s11 =	sshrl.u32 s8, $0x3;
	s25 =	sshrl.u32 s0, $0x1;
	s12 =	smul.u32 $0x138800, s1  }
0xb: {  	s15 =	sadd.s32 s8, s2;
	s1 =	smul.u32 $0x27100, s1;
	s9 =	sadd.s32 s8, s9  }
0xc: {  	s11 =	sadd.s32 s11, s7;
	s0 =	ssub.s32 s0, s25;
	s8 =	sor.u32 $0x1C0D, s26  }
0xd: {  	s15 =	sshrl.u32 s15, $0x3;
	s26 =	simm.s32 $0x10020;
	s10 =	sshrl.u32 s3, $0x3  }
0xe: {  	s9 =	sshrl.u32 s9, $0x3;
	s12 =	sshrl.u32 s12, $0x3;
	s14 =	smax.u32 s0, $0x1  }
0xf: {  	s10 =	sadd.s32 s10, s7;
	s13 =	sadd.s32 s9, s7;
	s7 =	sadd.s32 $0x3800, s11  }
0x10: {  	s11 =	sadd.s32 s6, s1;
	s31 =	sadd.s32 s6, s12;
	s9 =	sadd.s32 $0x52A400, s10  }
0x11: {  	s10 =	sadd.s32 $0x520600, s10;
	s12 =	sadd.s32 $0x500, s31;
	s13 =	sadd.s32 $0x17400, s13  }
.LBB2_1:
0x12: {  	[spmem:s15], [sflag:s8] =	dma.local [hbm:s7], $0x13C0  }
0x13: {  	_ =	swait.ge [sflag:s16], $0x13C0  }
0x14: {  	[sflag:s16] =	ssyncset.done $0x0  }
0x15: {  	[sflag:s16] =	ssyncadd.s32 $0xFFFFEC40  }
0x16: {  	[tilespmem:s17], [sflag:$0xD] =	stream.linear.gather [hbm4b:s9+s4], $0x2710, $0x38;
	[tilespmem:$0x18C20] =	vst v63  }
0x17: {  	_ =	swait.ge [sflag:s16], $0x2710  }
0x18: {  	[sflag:s16] =	ssyncset.done $0x0  }
0x19: {  	s0 =	simm.s32 $0xC510;
	[sflag:s16] =	ssyncadd.s32 $0xFFFFD8F0  }
0x1a: {  	[tilespmem:s0], [sflag:$0xD] =	stream.linear.gather [hbm4b:s10+s4], $0x2710, $0x38;
	[tilespmem:$0x18C20] =	vst v63  }
0x1b: {  	_ =	swait.ge [sflag:s16], $0x2710  }
0x1c: {  	[sflag:s16] =	ssyncset.done $0x0  }
0x1d: {  	[sflag:s16] =	ssyncadd.s32 $0xFFFFD8F0  }
0x1e: {  	s21 =	simm.s32 $0x13C20;
	[bflag:$0x0] =	sbarrier.arrive $0xFFFF  }
0x1f: {  	[tilespmem:s21], [sflag:$0x5] =	stream.strided.gather [hbm4b:s11+s19], $0x1400, s20, s19, $0x38;
	[tilespmem:$0x18C20] =	vst v63  }
0x20: {  	s23 =	simm.s32 $0xEC20  }
0x21: {  	[tilespmem:s23], [sflag:$0x1] =	stream.indirect.gather [hbm4b:s5+s22], $0x40, s17, s22, $0xb8;
	[tilespmem:$0x18C20] =	vst v63  }
0x22: {  	s24 =	simm.s32 $0x15020  }
0x23: {  	[tilespmem:s24], [sflag:$0x6] =	stream.strided.gather [hbm4b:s12+s19], $0x1400, s20, s19, $0x38;
	[tilespmem:$0x18C20] =	vst v63  }
0x24: {  	s25 =	simm.s32 $0x9E50;
	s31 =	simm.s32 $0x0;
	s1 =	simm.s32 $0x0  }
0x25: {  	[tilespmem:s26], [sflag:$0x2] =	stream.indirect.gather [hbm4b:s5+s22], $0x40, s25, s22, $0xb8;
	[tilespmem:$0x18C20] =	vst v63  }
.LBB2_2:
0x26: {  	s18 =	sadd.s32 $0x2, s1;
	p0 =	slt.u32 s1, $0x2  }
0x27: {  	s0 =	sand.u32 $0x3, s18;
	p1 =	sgt.u32 @!p0 s1, $0x7A  }
0x28: {  	s21 =	sadd.s32 @!p0 $0x9, s0;
	p1 =	por p0, !p1  }
0x29: {  	_ =	swait.ge @!p0 [sflag:s21], $0x1400;
	s18 =	smul.u32 @p1 $0x50, s18  }
0x2a: {  	[sflag:s21] =	ssyncset.done @!p0 $0x0  }
0x2b: {  	[sflag:s21] =	ssyncadd.s32 @!p0 $0xFFFFEC00;
	s21 =	sadd.s32 @p1 s3, s18  }
0x2c: {  	s23 =	smul.u32 @p1 $0x1400, s0;
	s21 =	sshll.u32 @p1 s21, $0x4  }
0x2d: {  	s21 =	sand.u32 @p1 $0x1FFFFF00, s21  }
0x2e: {  	s25 =	sadd.s32 @p1 $0x5, s0;
	s24 =	sadd.s32 @p1 $0x13C20, s23;
	s21 =	sadd.s32 @p1 s6, s21  }
0x2f: {  	[tilespmem:s24], [sflag:s25] =	stream.strided.gather @p1 [hbm4b:s21+s19], $0x1400, s20, s19, $0x38;
	[tilespmem:$0x18C20] =	vst v63  }
0x30: {  	s0 =	sadd.s32 @p1 $0x1, s0;
	s18 =	sadd.s32 @p1 $0x9E00, s18;
	s21 =	sadd.s32 @p1 $0xEC20, s23  }
0x31: {  	[tilespmem:s21], [sflag:s0] =	stream.indirect.gather @p1 [hbm4b:s5+s22], $0x40, s18, s22, $0xb8;
	[tilespmem:$0x18C20] =	vst v63  }
0x32: {  	s0 =	sand.u32 $0x3, s1  }
0x33: {  	s23 =	sadd.s32 $0x5, s0  }
0x34: {  	_ =	swait.ge [sflag:s23], $0x1400  }
0x35: {  	s24 =	sand.u32 $0x3, s31;
	[sflag:s23] =	ssyncset.done $0x0  }
0x36: {  	s21 =	smul.u32 $0x5000, s24;
	s25 =	sadd.s32 $0x1, s0;
	[sflag:s23] =	ssyncadd.s32 $0xFFFFEC00  }
0x37: {  	_ =	swait.ge [sflag:s25], $0x1400  }
0x38: {  	s21 =	sshrl.u32 s21, $0x2;
	[sflag:s25] =	ssyncset.done $0x0  }
0x39: {  	s18 =	sadd.s32 $0xECA0, s21;
	[sflag:s25] =	ssyncadd.s32 $0xFFFFEC00  }
0x3a: {  	s21 =	sadd.s32 $0x13CA0, s21;
	v0 =	vld [tilespmem:s18+$0xFFFFFF80]  }
0x3b: {  	v1 =	vld [tilespmem:s21+$0xFFFFFF80];
	_ =	sdelay $0x4  }
0x3c: {  	v0 =	vadd.f32 v1, v0;
	_ =	sdelay $0x1  }
0x3d: {  	v0 =	vmax.f32 v0, $0.0e+00  }
0x3e: {  	[tilespmem:s18+$0xFFFFFF80] =	vst v0;
	v0 =	vld [tilespmem:s18+$0xFFFFFF90]  }
0x3f: {  	v1 =	vld [tilespmem:s21+$0xFFFFFF90];
	_ =	sdelay $0x4  }
0x40: {  	v0 =	vadd.f32 v1, v0;
	_ =	sdelay $0x1  }
0x41: {  	v0 =	vmax.f32 v0, $0.0e+00  }
0x42: {  	[tilespmem:s18+$0xFFFFFF90] =	vst v0;
	v0 =	vld [tilespmem:s18+$0xFFFFFFA0]  }
0x43: {  	v1 =	vld [tilespmem:s21+$0xFFFFFFA0];
	_ =	sdelay $0x4  }
0x44: {  	v0 =	vadd.f32 v1, v0;
	_ =	sdelay $0x1  }
0x45: {  	v0 =	vmax.f32 v0, $0.0e+00  }
0x46: {  	[tilespmem:s18+$0xFFFFFFA0] =	vst v0;
	v0 =	vld [tilespmem:s18+$0xFFFFFFB0]  }
0x47: {  	v1 =	vld [tilespmem:s21+$0xFFFFFFB0];
	_ =	sdelay $0x4  }
0x48: {  	v0 =	vadd.f32 v1, v0;
	_ =	sdelay $0x1  }
0x49: {  	v0 =	vmax.f32 v0, $0.0e+00  }
0x4a: {  	[tilespmem:s18+$0xFFFFFFB0] =	vst v0;
	v0 =	vld [tilespmem:s18+$0xFFFFFFC0]  }
0x4b: {  	v1 =	vld [tilespmem:s21+$0xFFFFFFC0];
	_ =	sdelay $0x4  }
0x4c: {  	v0 =	vadd.f32 v1, v0;
	_ =	sdelay $0x1  }
0x4d: {  	v0 =	vmax.f32 v0, $0.0e+00  }
0x4e: {  	[tilespmem:s18+$0xFFFFFFC0] =	vst v0;
	v0 =	vld [tilespmem:s18+$0xFFFFFFD0]  }
0x4f: {  	v1 =	vld [tilespmem:s21+$0xFFFFFFD0];
	_ =	sdelay $0x4  }
0x50: {  	v0 =	vadd.f32 v1, v0;
	_ =	sdelay $0x1  }
0x51: {  	v0 =	vmax.f32 v0, $0.0e+00  }
0x52: {  	[tilespmem:s18+$0xFFFFFFD0] =	vst v0;
	v0 =	vld [tilespmem:s18+$0xFFFFFFE0]  }
0x53: {  	v1 =	vld [tilespmem:s21+$0xFFFFFFE0];
	_ =	sdelay $0x4  }
0x54: {  	v0 =	vadd.f32 v1, v0;
	_ =	sdelay $0x1  }
0x55: {  	v0 =	vmax.f32 v0, $0.0e+00  }
0x56: {  	[tilespmem:s18+$0xFFFFFFE0] =	vst v0;
	v0 =	vld [tilespmem:s18+$0xFFFFFFF0]  }
0x57: {  	v1 =	vld [tilespmem:s21+$0xFFFFFFF0];
	_ =	sdelay $0x4  }
0x58: {  	v0 =	vadd.f32 v1, v0;
	_ =	sdelay $0x1  }
0x59: {  	v0 =	vmax.f32 v0, $0.0e+00  }
0x5a: {  	[tilespmem:s18+$0xFFFFFFF0] =	vst v0;
	v0 =	vld [tilespmem:s18+$0x0]  }
0x5b: {  	v1 =	vld [tilespmem:s21+$0x0];
	_ =	sdelay $0x4  }
0x5c: {  	v0 =	vadd.f32 v1, v0;
	_ =	sdelay $0x1  }
0x5d: {  	v0 =	vmax.f32 v0, $0.0e+00  }
0x5e: {  	[tilespmem:s18+$0x0] =	vst v0;
	v0 =	vld [tilespmem:s18+$0x10]  }
0x5f: {  	v1 =	vld [tilespmem:s21+$0x10];
	_ =	sdelay $0x4  }
0x60: {  	v0 =	vadd.f32 v1, v0;
	_ =	sdelay $0x1  }
0x61: {  	v0 =	vmax.f32 v0, $0.0e+00  }
0x62: {  	[tilespmem:s18+$0x10] =	vst v0;
	v0 =	vld [tilespmem:s18+$0x20]  }
0x63: {  	v1 =	vld [tilespmem:s21+$0x20];
	_ =	sdelay $0x4  }
0x64: {  	v0 =	vadd.f32 v1, v0;
	_ =	sdelay $0x1  }
0x65: {  	v0 =	vmax.f32 v0, $0.0e+00  }
0x66: {  	[tilespmem:s18+$0x20] =	vst v0;
	v0 =	vld [tilespmem:s18+$0x30]  }
0x67: {  	v1 =	vld [tilespmem:s21+$0x30];
	_ =	sdelay $0x4  }
0x68: {  	v0 =	vadd.f32 v1, v0;
	_ =	sdelay $0x1  }
0x69: {  	v0 =	vmax.f32 v0, $0.0e+00  }
0x6a: {  	[tilespmem:s18+$0x30] =	vst v0;
	v0 =	vld [tilespmem:s18+$0x40]  }
0x6b: {  	v1 =	vld [tilespmem:s21+$0x40];
	_ =	sdelay $0x4  }
0x6c: {  	v0 =	vadd.f32 v1, v0;
	_ =	sdelay $0x1  }
0x6d: {  	v0 =	vmax.f32 v0, $0.0e+00  }
0x6e: {  	[tilespmem:s18+$0x40] =	vst v0;
	v0 =	vld [tilespmem:s18+$0x50]  }
0x6f: {  	v1 =	vld [tilespmem:s21+$0x50];
	_ =	sdelay $0x4  }
0x70: {  	v0 =	vadd.f32 v1, v0;
	_ =	sdelay $0x1  }
0x71: {  	v0 =	vmax.f32 v0, $0.0e+00  }
0x72: {  	[tilespmem:s18+$0x50] =	vst v0;
	v0 =	vld [tilespmem:s18+$0x60]  }
0x73: {  	v1 =	vld [tilespmem:s21+$0x60];
	_ =	sdelay $0x4  }
0x74: {  	v0 =	vadd.f32 v1, v0;
	_ =	sdelay $0x1  }
0x75: {  	v0 =	vmax.f32 v0, $0.0e+00  }
0x76: {  	[tilespmem:s18+$0x60] =	vst v0;
	v0 =	vld [tilespmem:s18+$0x70]  }
0x77: {  	v1 =	vld [tilespmem:s21+$0x70];
	_ =	sdelay $0x4  }
0x78: {  	v0 =	vadd.f32 v1, v0;
	_ =	sdelay $0x1  }
0x79: {  	s24 =	simm.s32 $0x0;
	s23 =	smul.u32 $0x1400, s0;
	s25 =	sadd.s32 $0x100, s18;
	v0 =	vmax.f32 v0, $0.0e+00  }
.LBB2_3:
0x7a: {  	v1 =	vld [tilespmem:s25+$0xFFFFFF80];
	[tilespmem:s18+$0x70] =	vst v0;
	s21 =	sadd.s32 $0x100, s21;
	s18 =	smov.u32 s25  }
0x7b: {  	s24 =	sadd.s32 $0x4, s24;
	v0 =	vld [tilespmem:s21+$0xFFFFFF80]  }
0x7c: {  	p0 =	slt.u32 s24, $0x4C;
	_ =	sdelay $0x3  }
0x7d: {  	v0 =	vadd.f32 v0, v1;
	_ =	sdelay $0x1  }
0x7e: {  	v0 =	vmax.f32 v0, $0.0e+00  }
0x7f: {  	[tilespmem:s25+$0xFFFFFF80] =	vst v0;
	v0 =	vld [tilespmem:s25+$0xFFFFFF90]  }
0x80: {  	v1 =	vld [tilespmem:s21+$0xFFFFFF90];
	_ =	sdelay $0x4  }
0x81: {  	v0 =	vadd.f32 v1, v0;
	_ =	sdelay $0x1  }
0x82: {  	v0 =	vmax.f32 v0, $0.0e+00  }
0x83: {  	[tilespmem:s25+$0xFFFFFF90] =	vst v0;
	v0 =	vld [tilespmem:s25+$0xFFFFFFA0]  }
0x84: {  	v1 =	vld [tilespmem:s21+$0xFFFFFFA0];
	_ =	sdelay $0x4  }
0x85: {  	v0 =	vadd.f32 v1, v0;
	_ =	sdelay $0x1  }
0x86: {  	v0 =	vmax.f32 v0, $0.0e+00  }
0x87: {  	[tilespmem:s25+$0xFFFFFFA0] =	vst v0;
	v0 =	vld [tilespmem:s25+$0xFFFFFFB0]  }
0x88: {  	v1 =	vld [tilespmem:s21+$0xFFFFFFB0];
	_ =	sdelay $0x4  }
0x89: {  	v0 =	vadd.f32 v1, v0;
	_ =	sdelay $0x1  }
0x8a: {  	v0 =	vmax.f32 v0, $0.0e+00  }
0x8b: {  	[tilespmem:s25+$0xFFFFFFB0] =	vst v0;
	v0 =	vld [tilespmem:s25+$0xFFFFFFC0]  }
0x8c: {  	v1 =	vld [tilespmem:s21+$0xFFFFFFC0];
	_ =	sdelay $0x4  }
0x8d: {  	v0 =	vadd.f32 v1, v0;
	_ =	sdelay $0x1  }
0x8e: {  	v0 =	vmax.f32 v0, $0.0e+00  }
0x8f: {  	[tilespmem:s25+$0xFFFFFFC0] =	vst v0;
	v0 =	vld [tilespmem:s25+$0xFFFFFFD0]  }
0x90: {  	v1 =	vld [tilespmem:s21+$0xFFFFFFD0];
	_ =	sdelay $0x4  }
0x91: {  	v0 =	vadd.f32 v1, v0;
	_ =	sdelay $0x1  }
0x92: {  	v0 =	vmax.f32 v0, $0.0e+00  }
0x93: {  	[tilespmem:s25+$0xFFFFFFD0] =	vst v0;
	v0 =	vld [tilespmem:s25+$0xFFFFFFE0]  }
0x94: {  	v1 =	vld [tilespmem:s21+$0xFFFFFFE0];
	_ =	sdelay $0x4  }
0x95: {  	v0 =	vadd.f32 v1, v0;
	_ =	sdelay $0x1  }
0x96: {  	v0 =	vmax.f32 v0, $0.0e+00  }
0x97: {  	[tilespmem:s25+$0xFFFFFFE0] =	vst v0;
	v0 =	vld [tilespmem:s25+$0xFFFFFFF0]  }
0x98: {  	v1 =	vld [tilespmem:s21+$0xFFFFFFF0];
	_ =	sdelay $0x4  }
0x99: {  	v0 =	vadd.f32 v1, v0;
	_ =	sdelay $0x1  }
0x9a: {  	v0 =	vmax.f32 v0, $0.0e+00  }
0x9b: {  	[tilespmem:s25+$0xFFFFFFF0] =	vst v0;
	v0 =	vld [tilespmem:s25+$0x0]  }
0x9c: {  	v1 =	vld [tilespmem:s21+$0x0];
	_ =	sdelay $0x4  }
0x9d: {  	v0 =	vadd.f32 v1, v0;
	_ =	sdelay $0x1  }
0x9e: {  	v0 =	vmax.f32 v0, $0.0e+00  }
0x9f: {  	[tilespmem:s25+$0x0] =	vst v0;
	v0 =	vld [tilespmem:s25+$0x10]  }
0xa0: {  	v1 =	vld [tilespmem:s21+$0x10];
	_ =	sdelay $0x4  }
0xa1: {  	v0 =	vadd.f32 v1, v0;
	_ =	sdelay $0x1  }
0xa2: {  	v0 =	vmax.f32 v0, $0.0e+00  }
0xa3: {  	[tilespmem:s25+$0x10] =	vst v0;
	v0 =	vld [tilespmem:s25+$0x20]  }
0xa4: {  	v1 =	vld [tilespmem:s21+$0x20];
	_ =	sdelay $0x4  }
0xa5: {  	v0 =	vadd.f32 v1, v0;
	_ =	sdelay $0x1  }
0xa6: {  	v0 =	vmax.f32 v0, $0.0e+00  }
0xa7: {  	[tilespmem:s25+$0x20] =	vst v0;
	v0 =	vld [tilespmem:s25+$0x30]  }
0xa8: {  	v1 =	vld [tilespmem:s21+$0x30];
	_ =	sdelay $0x4  }
0xa9: {  	v0 =	vadd.f32 v1, v0;
	_ =	sdelay $0x1  }
0xaa: {  	v0 =	vmax.f32 v0, $0.0e+00  }
0xab: {  	[tilespmem:s25+$0x30] =	vst v0;
	v0 =	vld [tilespmem:s25+$0x40]  }
0xac: {  	v1 =	vld [tilespmem:s21+$0x40];
	_ =	sdelay $0x4  }
0xad: {  	v0 =	vadd.f32 v1, v0;
	_ =	sdelay $0x1  }
0xae: {  	v0 =	vmax.f32 v0, $0.0e+00  }
0xaf: {  	[tilespmem:s25+$0x40] =	vst v0;
	v0 =	vld [tilespmem:s25+$0x50]  }
0xb0: {  	v1 =	vld [tilespmem:s21+$0x50];
	_ =	sdelay $0x4  }
0xb1: {  	v0 =	vadd.f32 v1, v0;
	_ =	sdelay $0x1  }
0xb2: {  	v0 =	vmax.f32 v0, $0.0e+00  }
0xb3: {  	[tilespmem:s25+$0x50] =	vst v0;
	v0 =	vld [tilespmem:s25+$0x60]  }
0xb4: {  	v1 =	vld [tilespmem:s21+$0x60];
	_ =	sdelay $0x4  }
0xb5: {  	v0 =	vadd.f32 v1, v0;
	_ =	sdelay $0x1  }
0xb6: {  	v0 =	vmax.f32 v0, $0.0e+00  }
0xb7: {  	[tilespmem:s25+$0x60] =	vst v0;
	v0 =	vld [tilespmem:s25+$0x70]  }
0xb8: {  	v1 =	vld [tilespmem:s21+$0x70];
	_ =	sdelay $0x2  }
.Ltmp0:
0xb9: {  	(pc) =	sbr.rel @p0 .LBB2_3-.Ltmp0, $3  }
0xba: {  	_ = 	snop  }
0xbb: {  	v0 =	vadd.f32 v1, v0;
	_ =	sdelay $0x1  }
0xbc: {  	s25 =	sadd.s32 $0x100, s25;
	v0 =	vmax.f32 v0, $0.0e+00  }
0xbd: {  	s21 =	smul.u32 $0x140, s1;
	s1 =	sadd.s32 $0x1, s1  }
0xbe: {  	p0 =	sne.s32 s1, $0x7D  }
.Ltmp1:
0xbf: {  	_ = 	snop;
	(pc) =	sbr.rel @p0 .LBB2_2-.Ltmp1, $4  }
0xc0: {  	_ = 	snop  }
0xc1: {  	s25 =	sadd.s32 $0xEC20, s23;
	s21 =	sshra.s32 s21, $0x2  }
0xc2: {  	[tilespmem:s18+$0x70] =	vst v0;
	s0 =	sadd.s32 $0x9, s0;
	s31 =	sadd.s32 $0x1, s31;
	s21 =	sadd.s32 $0xC510, s21  }
0xc3: {  	[spmem:s2] =	stream.indirect.scatter.add.f32 [tilespmem:s25], [sflag:s0], $0x40, s21, s22, $0xb8;
	[tilespmem:$0x18C20] =	vst v63  }
0xc4: {  	_ =	swait.ge [sflag:s28], $0x1400  }
0xc5: {  	[sflag:s28] =	ssyncset.done $0x0  }
0xc6: {  	[sflag:s28] =	ssyncadd.s32 $0xFFFFEC00  }
0xc7: {  	_ =	swait.ge [sflag:s29], $0x1400  }
0xc8: {  	s30 =	sadd.s32 $0x1, s30;
	[sflag:s29] =	ssyncset.done $0x0  }
0xc9: {  	p0 =	sne.s32 s30, s14;
	[sflag:s29] =	ssyncadd.s32 $0xFFFFEC00  }
.Ltmp2:
0xca: {  	[bflag:$0x0] =	sbarrier.arrive $0xFFFF;
	(pc) =	sbr.rel @p0 .LBB2_1-.Ltmp2, $4  }
0xcb: {  	[hbm:s13], [sflag:s8] =	dma.local [spmem:s15], $0x13C0  }
0xcc: {  	_ =	swait.ge [sflag:s16], $0x13C0  }
0xcd: {  	[sflag:s16] =	ssyncset.done $0x0  }
0xce: {  	[sflag:s16] =	ssyncadd.s32 $0xFFFFEC40  }
0xcf: {  	_ =	sfence.sel $0x180000  }
0xd0: {  	[bflag:$0x0] =	sbarrier.arrive $0xFFFF  }
0xd1: {  	_ =	strace $0x90000047  }
0xd2: {  	s0 =	stileid.u32;
	[bflag:$0x2] =	sbarrier.arrive $0xFFFF  }
0xd3: {  	p0 =	sne.s32 s0, $0x0;
	s0 =	rddreg [dreg:$0x2]  }
0xd4: {  	s0 =	sadd.s32 @!p0 $0x100000, s0  }
0xd5: {  	[sflag:s0] =	ssyncadd.tile.s32 @!p0 $0x1;
	_ =	shalt  }
.Lfunc_end2:
_tile_overlayer_lowered:
.L_overlay_start_2:
0xd6: {  	(tag) =	ssettag $0x2  }
0xd7: {  	s0 =	rddreg [dreg:$0x0];
	s2 =	stileid.u32  }
0xd8: {  	s1 =	rddreg [dreg:$0x1];
	p0 =	sne.s32 s2, $0x0  }
0xd9: {  	s3 =	rddreg [dreg:$0x2];
	[bflag:$0x3] =	sbarrier.arrive $0xFFFF;
	s2 =	simm.s32 @!p0 $0x1C0D  }
0xda: {  	[timem:s3], [sflag:s2] =	dma.local @!p0 [hbm:s0], s1  }
0xdb: {  	s0 =	simm.s32 @!p0 $0xD  }
0xdc: {  	_ =	swait.ge @!p0 [sflag:s0], s1  }
0xdd: {  	s1 =	ssub.s32 @!p0 $0x0, s1;
	[sflag:s0] =	ssyncset.done @!p0 $0x0  }
0xde: {  	[sflag:s0] =	ssyncadd.s32 @!p0 s1  }
0xdf: {  	[bflag:$0x3] =	sbarrier.arrive $0xFFFF  }
0xe0: {  	_ =	shalt  }

</sc_bundles>
